<compile_context>
chip_gen: v7x
topology: tpu7x:2x2x1
jax: 0.10.2.dev20260603
libtpu: 0.0.44.dev20260713+nightly
codegen_flags: <defaults>
</compile_context>

<pallas_src>
import jax
import jax.numpy as jnp
from jax import lax
from jax.experimental import pallas as pl
from jax.experimental.pallas import tpu as pltpu
from jax.experimental.pallas import tpu_sc as plsc

N = 10000
E = 320000
D = 128
NC = 2
NS = 16
NW = NC * NS
EW = E // NW
B = 125
NB = EW // B
CH = 40
NCH = NB // CH
RPT = N // NS


def _sc_mesh():
    return plsc.VectorSubcoreMesh(core_axis_name="c", subcore_axis_name="s")


_SC_PARAMS = pltpu.CompilerParams(use_tc_tiling_on_sc=False)



def _deg_kernel(ei_hbm, ones_hbm, z16_hbm, out_hbm, idx_f, idx_b, ones_v,
                acc_f, acc_b):
    c = lax.axis_index("c")
    s = lax.axis_index("s")
    w = s * NC + c
    pltpu.sync_copy(z16_hbm.at[pl.ds(s * RPT, RPT)],
                    acc_f.at[pl.ds(s * RPT, RPT)])
    pltpu.sync_copy(z16_hbm.at[pl.ds(s * RPT, RPT)],
                    acc_b.at[pl.ds(s * RPT, RPT)])
    pltpu.sync_copy(ones_hbm, ones_v)
    pltpu.sync_copy(ei_hbm.at[1, w], idx_f)
    pltpu.sync_copy(ei_hbm.at[0, w], idx_b)
    plsc.subcore_barrier()

    def body(j, carry):
        pltpu.sync_copy(ones_v, acc_f.at[idx_f.at[j]], add=True)
        pltpu.sync_copy(ones_v, acc_b.at[idx_b.at[j]], add=True)
        return carry

    lax.fori_loop(0, NB, body, 0)
    plsc.subcore_barrier()
    pltpu.sync_copy(acc_f.at[pl.ds(s * RPT, RPT)],
                    out_hbm.at[0, c, pl.ds(s * RPT, RPT)])
    pltpu.sync_copy(acc_b.at[pl.ds(s * RPT, RPT)],
                    out_hbm.at[1, c, pl.ds(s * RPT, RPT)])


def _degrees(ei, ones16, zeros16):
    k = pl.kernel(
        _deg_kernel,
        out_type=jax.ShapeDtypeStruct((2, NC, N, 16), jnp.float32),
        mesh=_sc_mesh(),
        compiler_params=_SC_PARAMS,
        scratch_types=[
            pltpu.VMEM((NB, B), jnp.int32),
            pltpu.VMEM((NB, B), jnp.int32),
            pltpu.VMEM((B, 16), jnp.float32),
            pltpu.VMEM_SHARED((N, 16), jnp.float32),
            pltpu.VMEM_SHARED((N, 16), jnp.float32),
        ],
    )
    return k(ei, ones16, zeros16)



def _prop_kernel(ei_hbm, zf_hbm, zb_hbm, z128_hbm, outf_hbm, outb_hbm,
                 gidx, sidx, rows0, rows1, sg0, sg1, ss0, ss1, acc):
    c = lax.axis_index("c")
    s = lax.axis_index("s")
    w = s * NC + c
    for d, z_hbm, out_hbm in ((0, zf_hbm, outf_hbm), (1, zb_hbm, outb_hbm)):
        @pl.when(c == 0)
        def _():
            pltpu.sync_copy(z_hbm.at[pl.ds(s * RPT, RPT)],
                            acc.at[pl.ds(s * RPT, RPT)])

        @pl.when(c == 1)
        def _():
            pltpu.sync_copy(z128_hbm.at[pl.ds(s * RPT, RPT)],
                            acc.at[pl.ds(s * RPT, RPT)])

        plsc.subcore_barrier()

        for ch in range(NCH):
            pltpu.sync_copy(ei_hbm.at[d, w, pl.ds(ch * CH, CH)], gidx)
            pltpu.sync_copy(ei_hbm.at[1 - d, w, pl.ds(ch * CH, CH)], sidx)
            pltpu.async_copy(z_hbm.at[gidx.at[0]], rows0, sg0)

            def body(i, carry):
                b0 = 2 * i
                b1 = b0 + 1
                pltpu.make_async_copy(z_hbm.at[gidx.at[b0]], rows0,
                                      sg0).wait()
                pltpu.async_copy(rows0, acc.at[sidx.at[b0]], ss0, add=True)

                @pl.when(i > 0)
                def _():
                    pltpu.make_async_copy(rows1, acc.at[sidx.at[0]],
                                          ss1).wait()

                pltpu.async_copy(z_hbm.at[gidx.at[b1]], rows1, sg1)
                pltpu.make_async_copy(z_hbm.at[gidx.at[b1]], rows1,
                                      sg1).wait()
                pltpu.async_copy(rows1, acc.at[sidx.at[b1]], ss1, add=True)
                pltpu.make_async_copy(rows0, acc.at[sidx.at[0]], ss0).wait()

                @pl.when(i < CH // 2 - 1)
                def _():
                    pltpu.async_copy(z_hbm.at[gidx.at[b0 + 2]], rows0, sg0)

                return carry

            lax.fori_loop(0, CH // 2, body, 0)
            pltpu.make_async_copy(rows1, acc.at[sidx.at[0]], ss1).wait()
        plsc.subcore_barrier()
        pltpu.sync_copy(acc.at[pl.ds(s * RPT, RPT)],
                        out_hbm.at[c, pl.ds(s * RPT, RPT)])
        plsc.subcore_barrier()


def _propagate(ei, zf, zb, zeros128):
    k = pl.kernel(
        _prop_kernel,
        out_type=(
            jax.ShapeDtypeStruct((NC, N, D), jnp.float32),
            jax.ShapeDtypeStruct((NC, N, D), jnp.float32),
        ),
        mesh=_sc_mesh(),
        compiler_params=_SC_PARAMS,
        scratch_types=[
            pltpu.VMEM((CH, B), jnp.int32),
            pltpu.VMEM((CH, B), jnp.int32),
            pltpu.VMEM((B, D), jnp.float32),
            pltpu.VMEM((B, D), jnp.float32),
            pltpu.SemaphoreType.DMA,
            pltpu.SemaphoreType.DMA,
            pltpu.SemaphoreType.DMA,
            pltpu.SemaphoreType.DMA,
            pltpu.VMEM_SHARED((N, D), jnp.float32),
        ],
    )
    return k(ei, zf, zb, zeros128)



_R = N


def _tc1_body(x_r, w1f_r, w1b_r, df_r, db_r, z1f_r, z1b_r):
    df = df_r[...]
    db = db_r[...]
    xv = x_r[...]
    z1f_r[...] = df * jnp.dot(xv, w1f_r[...], preferred_element_type=jnp.float32)
    z1b_r[...] = db * jnp.dot(xv, w1b_r[...], preferred_element_type=jnp.float32)


def _tc2_body(pf_r, b1f_r, w2f_r, df_r, pb_r, b1b_r, w2b_r,
              db_r, z2f_r, z2b_r):
    df = df_r[...]
    db = db_r[...]
    hf = jnp.maximum(df * (pf_r[0] + pf_r[1]) + b1f_r[...], 0.0)
    hb = jnp.maximum(db * (pb_r[0] + pb_r[1]) + b1b_r[...], 0.0)
    z2f_r[...] = df * jnp.dot(hf, w2f_r[...], preferred_element_type=jnp.float32)
    z2b_r[...] = db * jnp.dot(hb, w2b_r[...], preferred_element_type=jnp.float32)


def _tc3_body(pf_r, b2f_r, wfa_r, df_r, pb_r, b2b_r, wfb_r,
              db_r, bfin_r, out_r):
    df = df_r[...]
    db = db_r[...]
    xf = df * (pf_r[0] + pf_r[1]) + b2f_r[...]
    xb = db * (pb_r[0] + pb_r[1]) + b2b_r[...]
    out_r[...] = (jnp.dot(xf, wfa_r[...], preferred_element_type=jnp.float32)
                  + jnp.dot(xb, wfb_r[...], preferred_element_type=jnp.float32)
                  + bfin_r[...])


def _nd(i):
    return (i, 0)


_SPEC_ROWS = pl.BlockSpec((_R, D), _nd)
_SPEC_W = pl.BlockSpec((D, D), lambda i: (0, 0))
_SPEC_B = pl.BlockSpec((1, D), lambda i: (0, 0))
_SPEC_DINV = pl.BlockSpec((_R, D), lambda i: (i, 0))
_SPEC_P = pl.BlockSpec((NC, _R, D), lambda i: (0, i, 0))
_GRID = (N // _R,)


def _tc1(x, w1f, w1b, degf, degb):
    return pl.pallas_call(
        _tc1_body,
        grid=_GRID,
        in_specs=[_SPEC_ROWS, _SPEC_W, _SPEC_W, _SPEC_DINV, _SPEC_DINV],
        out_specs=[_SPEC_ROWS, _SPEC_ROWS],
        out_shape=[jax.ShapeDtypeStruct((N, D), jnp.float32)] * 2,
    )(x, w1f, w1b, degf, degb)


def _tc2(pf, b1f, w2f, degf, pb, b1b, w2b, degb):
    return pl.pallas_call(
        _tc2_body,
        grid=_GRID,
        in_specs=[_SPEC_P, _SPEC_B, _SPEC_W, _SPEC_DINV,
                  _SPEC_P, _SPEC_B, _SPEC_W, _SPEC_DINV],
        out_specs=[_SPEC_ROWS, _SPEC_ROWS],
        out_shape=[jax.ShapeDtypeStruct((N, D), jnp.float32)] * 2,
    )(pf, b1f, w2f, degf, pb, b1b, w2b, degb)


def _tc3(pf, b2f, wfa, degf, pb, b2b, wfb, degb, bfin):
    return pl.pallas_call(
        _tc3_body,
        grid=_GRID,
        in_specs=[_SPEC_P, _SPEC_B, _SPEC_W, _SPEC_DINV,
                  _SPEC_P, _SPEC_B, _SPEC_W, _SPEC_DINV, _SPEC_B],
        out_specs=_SPEC_ROWS,
        out_shape=jax.ShapeDtypeStruct((N, D), jnp.float32),
    )(pf, b2f, wfa, degf, pb, b2b, wfb, degb, bfin)



def kernel(x, W1f, b1f, W2f, b2f, W1b, b1b, W2b, b2b, Wfin, bfin, edge_index):
    ei = edge_index.reshape(2, NW, NB, B)
    ones16 = jnp.ones((B, 16), jnp.float32)
    zeros16 = jnp.zeros((N, 16), jnp.float32)
    zeros128 = jnp.zeros((N, D), jnp.float32)
    b1f2 = b1f.reshape(1, D)
    b1b2 = b1b.reshape(1, D)
    b2f2 = b2f.reshape(1, D)
    b2b2 = b2b.reshape(1, D)
    bfin2 = bfin.reshape(1, D)
    wfa = Wfin[:D]
    wfb = Wfin[D:]

    degp = _degrees(ei, ones16, zeros16)
    dinvf = jnp.broadcast_to(
        lax.rsqrt(degp[0, 0, :, 0:1] + degp[0, 1, :, 0:1] + 1.0), (N, D))
    dinvb = jnp.broadcast_to(
        lax.rsqrt(degp[1, 0, :, 0:1] + degp[1, 1, :, 0:1] + 1.0), (N, D))

    z1f, z1b = _tc1(x, W1f, W1b, dinvf, dinvb)
    p1f, p1b = _propagate(ei, z1f, z1b, zeros128)
    z2f, z2b = _tc2(p1f, b1f2, W2f, dinvf, p1b, b1b2, W2b, dinvb)
    p2f, p2b = _propagate(ei, z2f, z2b, zeros128)
    return _tc3(p2f, b2f2, wfa, dinvf, p2b, b2b2, wfb, dinvb, bfin2)

# --- scband reference (transcript-rebuilt; emitter-appended) ---
"""Pipeline reference for scband-tong-di-gcn-50818053046715 (READ-ONLY COPY).

The authoritative reference and input builder live on the scoring server;
editing this copy changes nothing except your own understanding.
"""

import jax, jax.numpy as jnp
import numpy as np

N_NODES = 10000
N_EDGES = 320000
D_IN = 128
D_HID = 128
D_OUT = 128


def _glorot(key, shape):
    fan_in, fan_out = shape[0], shape[1]
    lim = jnp.sqrt(6.0 / (fan_in + fan_out))
    return jax.random.uniform(key, shape, dtype=jnp.float32, minval=-lim, maxval=lim)


def setup_inputs(seed: int = 0) -> dict:
    key = jax.random.key(seed)
    ks = jax.random.split(key, 12)
    x = jax.random.normal(ks[0], (N_NODES, D_IN), dtype=jnp.float32)
    edge_index = jax.random.randint(ks[1], (2, N_EDGES), 0, N_NODES, dtype=jnp.int32)
    return {
        "x": x,
        "W1f": _glorot(ks[2], (D_IN, D_HID)),
        "b1f": jnp.zeros((D_HID,), dtype=jnp.float32),
        "W2f": _glorot(ks[3], (D_HID, D_HID)),
        "b2f": jnp.zeros((D_HID,), dtype=jnp.float32),
        "W1b": _glorot(ks[4], (D_IN, D_HID)),
        "b1b": jnp.zeros((D_HID,), dtype=jnp.float32),
        "W2b": _glorot(ks[5], (D_HID, D_HID)),
        "b2b": jnp.zeros((D_HID,), dtype=jnp.float32),
        "Wfin": _glorot(ks[6], (2 * D_HID, D_OUT)),
        "bfin": jnp.zeros((D_OUT,), dtype=jnp.float32),
        "edge_index": edge_index,
    }


def gcn_conv(x, edge_index, W, b):
    # GCNConv: add self-loops, symmetric normalization D^-1/2 (A+I) D^-1/2, then X W + b
    n = x.shape[0]
    src = edge_index[0]
    dst = edge_index[1]
    loop = jnp.arange(n, dtype=src.dtype)
    src = jnp.concatenate([src, loop])
    dst = jnp.concatenate([dst, loop])
    ew = jnp.ones(src.shape[0], dtype=x.dtype)
    deg = jax.ops.segment_sum(ew, dst, num_segments=n)
    dinv = jnp.where(deg > 0, jax.lax.rsqrt(jnp.maximum(deg, 1e-12)), 0.0)
    norm = dinv[src] * dinv[dst]
    h = x @ W
    msg = h[src] * norm[:, None]
    out = jax.ops.segment_sum(msg, dst, num_segments=n)
    return out + b


def reference(x, W1f, b1f, W2f, b2f, W1b, b1b, W2b, b2b, Wfin, bfin, edge_index):
    # forward-direction GCN (2 layers, eval mode -> dropout is identity)
    h = jax.nn.relu(gcn_conv(x, edge_index, W1f, b1f))
    x_fwd = gcn_conv(h, edge_index, W2f, b2f)
    # backward-direction GCN on reversed edges edge_index[[1,0],:]
    ei_b = edge_index[::-1, :]
    hb = jax.nn.relu(gcn_conv(x, ei_b, W1b, b1b))
    x_bwd = gcn_conv(hb, ei_b, W2b, b2b)
    x_combined = jnp.concatenate([x_fwd, x_bwd], axis=-1)
    out = x_combined @ Wfin + bfin
    return out

if __name__ == "__main__":
    import jax
    _d = setup_inputs()
    print(jax.jit(kernel)(*tuple(_d.values())))

</pallas_src>

<mosaic_0001>
#map = affine_map<(d0, d1) -> (0, 0, 0, 0)>
#map1 = affine_map<(d0, d1) -> (0, 0)>
module attributes {stable_mosaic.version = 14 : i64} {
  func.func @_deg_kernel(%arg0: i32, %arg1: i32, %arg2: memref<2x32x80x125xi32, #tpu.memory_space<hbm>>, %arg3: memref<125x16xf32, #tpu.memory_space<hbm>>, %arg4: memref<10000x16xf32, #tpu.memory_space<hbm>>, %arg5: memref<2x2x10000x16xf32, #tpu.memory_space<hbm>>, %arg6: memref<80x125xi32, #tpu.memory_space<vmem>>, %arg7: memref<80x125xi32, #tpu.memory_space<vmem>>, %arg8: memref<125x16xf32, #tpu.memory_space<vmem>>, %arg9: memref<10000x16xf32, #tpu.memory_space<vmem_shared>>, %arg10: memref<10000x16xf32, #tpu.memory_space<vmem_shared>>) attributes {dimension_semantics = [#tpu.dimension_semantics<core_parallel>, #tpu.dimension_semantics<subcore_parallel>], iteration_bounds = array<i64: 2, 16>, scalar_prefetch = 0 : i64, scratch_operands = 5 : i64, tpu.core_type = #tpu.core_type<sc_vector_subcore>, window_params = [{transform_indices = #map}, {transform_indices = #map1}, {transform_indices = #map1}, {transform_indices = #map}]} {
    %mul3A = arith.constant 2 : i32
    %mul3A_0 = arith.muli %arg1, %mul3A : i32
    %add3A = arith.addi %mul3A_0, %arg0 : i32
    %mul3A_1 = arith.constant 625 : i32
    %mul3A_2 = arith.muli %arg1, %mul3A_1 : i32
    %mul3A_3 = arith.constant 625 : i32
    %mul3A_4 = arith.muli %arg1, %mul3A_3 : i32
    "tpu.region"() ({
      %run_scoped3A_26 = tpu.sem_alloc : memref<!tpu.dma_semaphore, #tpu.memory_space<semaphore_mem>>
      %dma_start3A = arith.constant 0 : i32
      %dma_start3A_27 = tpu.memref_slice %arg9[%mul3A_4, %dma_start3A] : memref<10000x16xf32, #tpu.memory_space<vmem_shared>> -> memref<625x16xf32, #tpu.memory_space<vmem_shared>>
      %dma_start3A_28 = arith.constant 0 : i32
      %dma_start3A_29 = tpu.memref_slice %arg4[%mul3A_2, %dma_start3A_28] : memref<10000x16xf32, #tpu.memory_space<hbm>> -> memref<625x16xf32, #tpu.memory_space<hbm>>
      tpu.enqueue_dma source(%dma_start3A_29 : memref<625x16xf32, #tpu.memory_space<hbm>>) target(%dma_start3A_27 : memref<625x16xf32, #tpu.memory_space<vmem_shared>>) target_semaphore(%run_scoped3A_26 : memref<!tpu.dma_semaphore, #tpu.memory_space<semaphore_mem>>)
      %dma_wait3A = arith.constant 0 : i32
      %dma_wait3A_30 = tpu.memref_slice %arg9[%mul3A_4, %dma_wait3A] : memref<10000x16xf32, #tpu.memory_space<vmem_shared>> -> memref<625x16xf32, #tpu.memory_space<vmem_shared>>
      %dma_wait3A_31 = arith.constant 0 : i32
      %dma_wait3A_32 = tpu.memref_slice %arg4[%mul3A_2, %dma_wait3A_31] : memref<10000x16xf32, #tpu.memory_space<hbm>> -> memref<625x16xf32, #tpu.memory_space<hbm>>
      tpu.wait_dma2 semaphore(%run_scoped3A_26 : memref<!tpu.dma_semaphore, #tpu.memory_space<semaphore_mem>>) src(%dma_wait3A_32 : memref<625x16xf32, #tpu.memory_space<hbm>>) dst(%dma_wait3A_30 : memref<625x16xf32, #tpu.memory_space<vmem_shared>>)
      tpu.yield
    }) : () -> ()
    %mul3A_5 = arith.constant 625 : i32
    %mul3A_6 = arith.muli %arg1, %mul3A_5 : i32
    %mul3A_7 = arith.constant 625 : i32
    %mul3A_8 = arith.muli %arg1, %mul3A_7 : i32
    "tpu.region"() ({
      %run_scoped3A_26 = tpu.sem_alloc : memref<!tpu.dma_semaphore, #tpu.memory_space<semaphore_mem>>
      %dma_start3A = arith.constant 0 : i32
      %dma_start3A_27 = tpu.memref_slice %arg10[%mul3A_8, %dma_start3A] : memref<10000x16xf32, #tpu.memory_space<vmem_shared>> -> memref<625x16xf32, #tpu.memory_space<vmem_shared>>
      %dma_start3A_28 = arith.constant 0 : i32
      %dma_start3A_29 = tpu.memref_slice %arg4[%mul3A_6, %dma_start3A_28] : memref<10000x16xf32, #tpu.memory_space<hbm>> -> memref<625x16xf32, #tpu.memory_space<hbm>>
      tpu.enqueue_dma source(%dma_start3A_29 : memref<625x16xf32, #tpu.memory_space<hbm>>) target(%dma_start3A_27 : memref<625x16xf32, #tpu.memory_space<vmem_shared>>) target_semaphore(%run_scoped3A_26 : memref<!tpu.dma_semaphore, #tpu.memory_space<semaphore_mem>>)
      %dma_wait3A = arith.constant 0 : i32
      %dma_wait3A_30 = tpu.memref_slice %arg10[%mul3A_8, %dma_wait3A] : memref<10000x16xf32, #tpu.memory_space<vmem_shared>> -> memref<625x16xf32, #tpu.memory_space<vmem_shared>>
      %dma_wait3A_31 = arith.constant 0 : i32
      %dma_wait3A_32 = tpu.memref_slice %arg4[%mul3A_6, %dma_wait3A_31] : memref<10000x16xf32, #tpu.memory_space<hbm>> -> memref<625x16xf32, #tpu.memory_space<hbm>>
      tpu.wait_dma2 semaphore(%run_scoped3A_26 : memref<!tpu.dma_semaphore, #tpu.memory_space<semaphore_mem>>) src(%dma_wait3A_32 : memref<625x16xf32, #tpu.memory_space<hbm>>) dst(%dma_wait3A_30 : memref<625x16xf32, #tpu.memory_space<vmem_shared>>)
      tpu.yield
    }) : () -> ()
    "tpu.region"() ({
      %run_scoped3A_26 = tpu.sem_alloc : memref<!tpu.dma_semaphore, #tpu.memory_space<semaphore_mem>>
      tpu.enqueue_dma source(%arg3 : memref<125x16xf32, #tpu.memory_space<hbm>>) target(%arg8 : memref<125x16xf32, #tpu.memory_space<vmem>>) target_semaphore(%run_scoped3A_26 : memref<!tpu.dma_semaphore, #tpu.memory_space<semaphore_mem>>)
      tpu.wait_dma2 semaphore(%run_scoped3A_26 : memref<!tpu.dma_semaphore, #tpu.memory_space<semaphore_mem>>) src(%arg3 : memref<125x16xf32, #tpu.memory_space<hbm>>) dst(%arg8 : memref<125x16xf32, #tpu.memory_space<vmem>>)
      tpu.yield
    }) : () -> ()
    %run_scoped3A = arith.constant 1 : i32
    "tpu.region"() ({
      %run_scoped3A_26 = tpu.sem_alloc : memref<!tpu.dma_semaphore, #tpu.memory_space<semaphore_mem>>
      %dma_start3A = arith.constant 0 : i32
      %dma_start3A_27 = arith.constant 0 : i32
      %dma_start3A_28 = tpu.memref_slice %arg2[%run_scoped3A, %add3A, %dma_start3A, %dma_start3A_27] : memref<2x32x80x125xi32, #tpu.memory_space<hbm>> -> memref<1x1x80x125xi32, #tpu.memory_space<hbm>>
      %dma_start3A_29 = tpu.memref_squeeze %dma_start3A_28 : memref<1x1x80x125xi32, #tpu.memory_space<hbm>> -> memref<80x125xi32, #tpu.memory_space<hbm>>
      %dma_start3A_30 = arith.constant 0 : i32
      %dma_start3A_31 = arith.constant 0 : i32
      %dma_start3A_32 = tpu.memref_slice %arg2[%run_scoped3A, %add3A, %dma_start3A_30, %dma_start3A_31] : memref<2x32x80x125xi32, #tpu.memory_space<hbm>> -> memref<1x1x80x125xi32, #tpu.memory_space<hbm>>
      %dma_start3A_33 = tpu.memref_squeeze %dma_start3A_32 : memref<1x1x80x125xi32, #tpu.memory_space<hbm>> -> memref<80x125xi32, #tpu.memory_space<hbm>>
      tpu.enqueue_dma source(%dma_start3A_33 : memref<80x125xi32, #tpu.memory_space<hbm>>) target(%arg6 : memref<80x125xi32, #tpu.memory_space<vmem>>) target_semaphore(%run_scoped3A_26 : memref<!tpu.dma_semaphore, #tpu.memory_space<semaphore_mem>>)
      %dma_wait3A = arith.constant 0 : i32
      %dma_wait3A_34 = arith.constant 0 : i32
      %dma_wait3A_35 = tpu.memref_slice %arg2[%run_scoped3A, %add3A, %dma_wait3A, %dma_wait3A_34] : memref<2x32x80x125xi32, #tpu.memory_space<hbm>> -> memref<1x1x80x125xi32, #tpu.memory_space<hbm>>
      %dma_wait3A_36 = tpu.memref_squeeze %dma_wait3A_35 : memref<1x1x80x125xi32, #tpu.memory_space<hbm>> -> memref<80x125xi32, #tpu.memory_space<hbm>>
      %dma_wait3A_37 = arith.constant 0 : i32
      %dma_wait3A_38 = arith.constant 0 : i32
      %dma_wait3A_39 = tpu.memref_slice %arg2[%run_scoped3A, %add3A, %dma_wait3A_37, %dma_wait3A_38] : memref<2x32x80x125xi32, #tpu.memory_space<hbm>> -> memref<1x1x80x125xi32, #tpu.memory_space<hbm>>
      %dma_wait3A_40 = tpu.memref_squeeze %dma_wait3A_39 : memref<1x1x80x125xi32, #tpu.memory_space<hbm>> -> memref<80x125xi32, #tpu.memory_space<hbm>>
      tpu.wait_dma2 semaphore(%run_scoped3A_26 : memref<!tpu.dma_semaphore, #tpu.memory_space<semaphore_mem>>) src(%dma_wait3A_40 : memref<80x125xi32, #tpu.memory_space<hbm>>) dst(%arg6 : memref<80x125xi32, #tpu.memory_space<vmem>>)
      tpu.yield
    }) : () -> ()
    %run_scoped3A_9 = arith.constant 0 : i32
    "tpu.region"() ({
      %run_scoped3A_26 = tpu.sem_alloc : memref<!tpu.dma_semaphore, #tpu.memory_space<semaphore_mem>>
      %dma_start3A = arith.constant 0 : i32
      %dma_start3A_27 = arith.constant 0 : i32
      %dma_start3A_28 = tpu.memref_slice %arg2[%run_scoped3A_9, %add3A, %dma_start3A, %dma_start3A_27] : memref<2x32x80x125xi32, #tpu.memory_space<hbm>> -> memref<1x1x80x125xi32, #tpu.memory_space<hbm>>
      %dma_start3A_29 = tpu.memref_squeeze %dma_start3A_28 : memref<1x1x80x125xi32, #tpu.memory_space<hbm>> -> memref<80x125xi32, #tpu.memory_space<hbm>>
      %dma_start3A_30 = arith.constant 0 : i32
      %dma_start3A_31 = arith.constant 0 : i32
      %dma_start3A_32 = tpu.memref_slice %arg2[%run_scoped3A_9, %add3A, %dma_start3A_30, %dma_start3A_31] : memref<2x32x80x125xi32, #tpu.memory_space<hbm>> -> memref<1x1x80x125xi32, #tpu.memory_space<hbm>>
      %dma_start3A_33 = tpu.memref_squeeze %dma_start3A_32 : memref<1x1x80x125xi32, #tpu.memory_space<hbm>> -> memref<80x125xi32, #tpu.memory_space<hbm>>
      tpu.enqueue_dma source(%dma_start3A_33 : memref<80x125xi32, #tpu.memory_space<hbm>>) target(%arg7 : memref<80x125xi32, #tpu.memory_space<vmem>>) target_semaphore(%run_scoped3A_26 : memref<!tpu.dma_semaphore, #tpu.memory_space<semaphore_mem>>)
      %dma_wait3A = arith.constant 0 : i32
      %dma_wait3A_34 = arith.constant 0 : i32
      %dma_wait3A_35 = tpu.memref_slice %arg2[%run_scoped3A_9, %add3A, %dma_wait3A, %dma_wait3A_34] : memref<2x32x80x125xi32, #tpu.memory_space<hbm>> -> memref<1x1x80x125xi32, #tpu.memory_space<hbm>>
      %dma_wait3A_36 = tpu.memref_squeeze %dma_wait3A_35 : memref<1x1x80x125xi32, #tpu.memory_space<hbm>> -> memref<80x125xi32, #tpu.memory_space<hbm>>
      %dma_wait3A_37 = arith.constant 0 : i32
      %dma_wait3A_38 = arith.constant 0 : i32
      %dma_wait3A_39 = tpu.memref_slice %arg2[%run_scoped3A_9, %add3A, %dma_wait3A_37, %dma_wait3A_38] : memref<2x32x80x125xi32, #tpu.memory_space<hbm>> -> memref<1x1x80x125xi32, #tpu.memory_space<hbm>>
      %dma_wait3A_40 = tpu.memref_squeeze %dma_wait3A_39 : memref<1x1x80x125xi32, #tpu.memory_space<hbm>> -> memref<80x125xi32, #tpu.memory_space<hbm>>
      tpu.wait_dma2 semaphore(%run_scoped3A_26 : memref<!tpu.dma_semaphore, #tpu.memory_space<semaphore_mem>>) src(%dma_wait3A_40 : memref<80x125xi32, #tpu.memory_space<hbm>>) dst(%arg7 : memref<80x125xi32, #tpu.memory_space<vmem>>)
      tpu.yield
    }) : () -> ()
    %barrier3A = arith.constant 0 : index
    tpu.barrier barrier_id(%barrier3A)
    %scan3A = arith.constant 0 : i32
    %scan3A_10 = arith.constant 0 : i32
    %scan3A_11 = arith.constant 80 : i32
    %scan3A_12 = arith.addi %scan3A_10, %scan3A_11 : i32
    %scan3A_13 = arith.constant 1 : i32
    scf.for %scan3A_26 = %scan3A_10 to %scan3A_12 step %scan3A_13  : i32 {
      "tpu.region"() ({
        %run_scoped3A_27 = tpu.sem_alloc : memref<!tpu.dma_semaphore, #tpu.memory_space<semaphore_mem>>
        %dma_start3A = arith.constant 0 : i32
        %dma_start3A_28 = tpu.memref_slice %arg6[%scan3A_26, %dma_start3A] : memref<80x125xi32, #tpu.memory_space<vmem>> -> memref<1x125xi32, #tpu.memory_space<vmem>>
        %dma_start3A_29 = tpu.memref_squeeze %dma_start3A_28 : memref<1x125xi32, #tpu.memory_space<vmem>> -> memref<125xi32, #tpu.memory_space<vmem>>
        %dma_start3A_30 = arith.constant 0 : i32
        %dma_start3A_31 = arith.constant 0 : i32
        %dma_start3A_32 = tpu.memref_slice %arg9[%dma_start3A_30, %dma_start3A_31] : memref<10000x16xf32, #tpu.memory_space<vmem_shared>> -> memref<10000x16xf32, #tpu.memory_space<vmem_shared>>
        tpu.enqueue_indirect_dma source(%arg8 : memref<125x16xf32, #tpu.memory_space<vmem>>) target(%dma_start3A_32 : memref<10000x16xf32, #tpu.memory_space<vmem_shared>>) offsets(%dma_start3A_29 : memref<125xi32, #tpu.memory_space<vmem>>) semaphore(%run_scoped3A_27 : memref<!tpu.dma_semaphore, #tpu.memory_space<semaphore_mem>>) {add = true}
        %dma_wait3A = arith.constant 0 : i32
        %dma_wait3A_33 = tpu.memref_slice %arg6[%scan3A_26, %dma_wait3A] : memref<80x125xi32, #tpu.memory_space<vmem>> -> memref<1x125xi32, #tpu.memory_space<vmem>>
        %dma_wait3A_34 = tpu.memref_squeeze %dma_wait3A_33 : memref<1x125xi32, #tpu.memory_space<vmem>> -> memref<125xi32, #tpu.memory_space<vmem>>
        %dma_wait3A_35 = arith.constant 0 : i32
        %dma_wait3A_36 = arith.constant 0 : i32
        %dma_wait3A_37 = tpu.memref_slice %arg9[%dma_wait3A_35, %dma_wait3A_36] : memref<10000x16xf32, #tpu.memory_space<vmem_shared>> -> memref<10000x16xf32, #tpu.memory_space<vmem_shared>>
        tpu.wait_indirect_dma semaphore(%run_scoped3A_27 : memref<!tpu.dma_semaphore, #tpu.memory_space<semaphore_mem>>) src(%arg8 : memref<125x16xf32, #tpu.memory_space<vmem>>) dst(%dma_wait3A_37 : memref<10000x16xf32, #tpu.memory_space<vmem_shared>>)
        tpu.yield
      }) : () -> ()
      "tpu.region"() ({
        %run_scoped3A_27 = tpu.sem_alloc : memref<!tpu.dma_semaphore, #tpu.memory_space<semaphore_mem>>
        %dma_start3A = arith.constant 0 : i32
        %dma_start3A_28 = tpu.memref_slice %arg7[%scan3A_26, %dma_start3A] : memref<80x125xi32, #tpu.memory_space<vmem>> -> memref<1x125xi32, #tpu.memory_space<vmem>>
        %dma_start3A_29 = tpu.memref_squeeze %dma_start3A_28 : memref<1x125xi32, #tpu.memory_space<vmem>> -> memref<125xi32, #tpu.memory_space<vmem>>
        %dma_start3A_30 = arith.constant 0 : i32
        %dma_start3A_31 = arith.constant 0 : i32
        %dma_start3A_32 = tpu.memref_slice %arg10[%dma_start3A_30, %dma_start3A_31] : memref<10000x16xf32, #tpu.memory_space<vmem_shared>> -> memref<10000x16xf32, #tpu.memory_space<vmem_shared>>
        tpu.enqueue_indirect_dma source(%arg8 : memref<125x16xf32, #tpu.memory_space<vmem>>) target(%dma_start3A_32 : memref<10000x16xf32, #tpu.memory_space<vmem_shared>>) offsets(%dma_start3A_29 : memref<125xi32, #tpu.memory_space<vmem>>) semaphore(%run_scoped3A_27 : memref<!tpu.dma_semaphore, #tpu.memory_space<semaphore_mem>>) {add = true}
        %dma_wait3A = arith.constant 0 : i32
        %dma_wait3A_33 = tpu.memref_slice %arg7[%scan3A_26, %dma_wait3A] : memref<80x125xi32, #tpu.memory_space<vmem>> -> memref<1x125xi32, #tpu.memory_space<vmem>>
        %dma_wait3A_34 = tpu.memref_squeeze %dma_wait3A_33 : memref<1x125xi32, #tpu.memory_space<vmem>> -> memref<125xi32, #tpu.memory_space<vmem>>
        %dma_wait3A_35 = arith.constant 0 : i32
        %dma_wait3A_36 = arith.constant 0 : i32
        %dma_wait3A_37 = tpu.memref_slice %arg10[%dma_wait3A_35, %dma_wait3A_36] : memref<10000x16xf32, #tpu.memory_space<vmem_shared>> -> memref<10000x16xf32, #tpu.memory_space<vmem_shared>>
        tpu.wait_indirect_dma semaphore(%run_scoped3A_27 : memref<!tpu.dma_semaphore, #tpu.memory_space<semaphore_mem>>) src(%arg8 : memref<125x16xf32, #tpu.memory_space<vmem>>) dst(%dma_wait3A_37 : memref<10000x16xf32, #tpu.memory_space<vmem_shared>>)
        tpu.yield
      }) : () -> ()
    }
    %scan3A_14 = arith.constant 80 : i32
    %barrier3A_15 = arith.constant 0 : index
    tpu.barrier barrier_id(%barrier3A_15)
    %mul3A_16 = arith.constant 625 : i32
    %mul3A_17 = arith.muli %arg1, %mul3A_16 : i32
    %mul3A_18 = arith.constant 625 : i32
    %mul3A_19 = arith.muli %arg1, %mul3A_18 : i32
    %run_scoped3A_20 = arith.constant 0 : i32
    "tpu.region"() ({
      %run_scoped3A_26 = tpu.sem_alloc : memref<!tpu.dma_semaphore, #tpu.memory_space<semaphore_mem>>
      %dma_start3A = arith.constant 0 : i32
      %dma_start3A_27 = tpu.memref_slice %arg5[%run_scoped3A_20, %arg0, %mul3A_19, %dma_start3A] : memref<2x2x10000x16xf32, #tpu.memory_space<hbm>> -> memref<1x1x625x16xf32, #tpu.memory_space<hbm>>
      %dma_start3A_28 = tpu.memref_squeeze %dma_start3A_27 : memref<1x1x625x16xf32, #tpu.memory_space<hbm>> -> memref<625x16xf32, #tpu.memory_space<hbm>>
      %dma_start3A_29 = arith.constant 0 : i32
      %dma_start3A_30 = tpu.memref_slice %arg9[%mul3A_17, %dma_start3A_29] : memref<10000x16xf32, #tpu.memory_space<vmem_shared>> -> memref<625x16xf32, #tpu.memory_space<vmem_shared>>
      tpu.enqueue_dma source(%dma_start3A_30 : memref<625x16xf32, #tpu.memory_space<vmem_shared>>) target(%dma_start3A_28 : memref<625x16xf32, #tpu.memory_space<hbm>>) target_semaphore(%run_scoped3A_26 : memref<!tpu.dma_semaphore, #tpu.memory_space<semaphore_mem>>)
      %dma_wait3A = arith.constant 0 : i32
      %dma_wait3A_31 = tpu.memref_slice %arg5[%run_scoped3A_20, %arg0, %mul3A_19, %dma_wait3A] : memref<2x2x10000x16xf32, #tpu.memory_space<hbm>> -> memref<1x1x625x16xf32, #tpu.memory_space<hbm>>
      %dma_wait3A_32 = tpu.memref_squeeze %dma_wait3A_31 : memref<1x1x625x16xf32, #tpu.memory_space<hbm>> -> memref<625x16xf32, #tpu.memory_space<hbm>>
      %dma_wait3A_33 = arith.constant 0 : i32
      %dma_wait3A_34 = tpu.memref_slice %arg9[%mul3A_17, %dma_wait3A_33] : memref<10000x16xf32, #tpu.memory_space<vmem_shared>> -> memref<625x16xf32, #tpu.memory_space<vmem_shared>>
      tpu.wait_dma2 semaphore(%run_scoped3A_26 : memref<!tpu.dma_semaphore, #tpu.memory_space<semaphore_mem>>) src(%dma_wait3A_34 : memref<625x16xf32, #tpu.memory_space<vmem_shared>>) dst(%dma_wait3A_32 : memref<625x16xf32, #tpu.memory_space<hbm>>)
      tpu.yield
    }) : () -> ()
    %mul3A_21 = arith.constant 625 : i32
    %mul3A_22 = arith.muli %arg1, %mul3A_21 : i32
    %mul3A_23 = arith.constant 625 : i32
    %mul3A_24 = arith.muli %arg1, %mul3A_23 : i32
    %run_scoped3A_25 = arith.constant 1 : i32
    "tpu.region"() ({
      %run_scoped3A_26 = tpu.sem_alloc : memref<!tpu.dma_semaphore, #tpu.memory_space<semaphore_mem>>
      %dma_start3A = arith.constant 0 : i32
      %dma_start3A_27 = tpu.memref_slice %arg5[%run_scoped3A_25, %arg0, %mul3A_24, %dma_start3A] : memref<2x2x10000x16xf32, #tpu.memory_space<hbm>> -> memref<1x1x625x16xf32, #tpu.memory_space<hbm>>
      %dma_start3A_28 = tpu.memref_squeeze %dma_start3A_27 : memref<1x1x625x16xf32, #tpu.memory_space<hbm>> -> memref<625x16xf32, #tpu.memory_space<hbm>>
      %dma_start3A_29 = arith.constant 0 : i32
      %dma_start3A_30 = tpu.memref_slice %arg10[%mul3A_22, %dma_start3A_29] : memref<10000x16xf32, #tpu.memory_space<vmem_shared>> -> memref<625x16xf32, #tpu.memory_space<vmem_shared>>
      tpu.enqueue_dma source(%dma_start3A_30 : memref<625x16xf32, #tpu.memory_space<vmem_shared>>) target(%dma_start3A_28 : memref<625x16xf32, #tpu.memory_space<hbm>>) target_semaphore(%run_scoped3A_26 : memref<!tpu.dma_semaphore, #tpu.memory_space<semaphore_mem>>)
      %dma_wait3A = arith.constant 0 : i32
      %dma_wait3A_31 = tpu.memref_slice %arg5[%run_scoped3A_25, %arg0, %mul3A_24, %dma_wait3A] : memref<2x2x10000x16xf32, #tpu.memory_space<hbm>> -> memref<1x1x625x16xf32, #tpu.memory_space<hbm>>
      %dma_wait3A_32 = tpu.memref_squeeze %dma_wait3A_31 : memref<1x1x625x16xf32, #tpu.memory_space<hbm>> -> memref<625x16xf32, #tpu.memory_space<hbm>>
      %dma_wait3A_33 = arith.constant 0 : i32
      %dma_wait3A_34 = tpu.memref_slice %arg10[%mul3A_22, %dma_wait3A_33] : memref<10000x16xf32, #tpu.memory_space<vmem_shared>> -> memref<625x16xf32, #tpu.memory_space<vmem_shared>>
      tpu.wait_dma2 semaphore(%run_scoped3A_26 : memref<!tpu.dma_semaphore, #tpu.memory_space<semaphore_mem>>) src(%dma_wait3A_34 : memref<625x16xf32, #tpu.memory_space<vmem_shared>>) dst(%dma_wait3A_32 : memref<625x16xf32, #tpu.memory_space<hbm>>)
      tpu.yield
    }) : () -> ()
    return
  }
}

#map = affine_map<(d0, d1) -> (0, 0, 0, 0)>
#map1 = affine_map<(d0, d1) -> (0, 0)>
#map2 = affine_map<(d0, d1) -> (0, 0, 0)>
module attributes {stable_mosaic.version = 14 : i64} {
  func.func @_prop_kernel(%arg0: i32, %arg1: i32, %arg2: memref<2x32x80x125xi32, #tpu.memory_space<hbm>>, %arg3: memref<10000x128xf32, #tpu.memory_space<hbm>>, %arg4: memref<10000x128xf32, #tpu.memory_space<hbm>>, %arg5: memref<10000x128xf32, #tpu.memory_space<hbm>>, %arg6: memref<2x10000x128xf32, #tpu.memory_space<hbm>>, %arg7: memref<2x10000x128xf32, #tpu.memory_space<hbm>>, %arg8: memref<40x125xi32, #tpu.memory_space<vmem>>, %arg9: memref<40x125xi32, #tpu.memory_space<vmem>>, %arg10: memref<125x128xf32, #tpu.memory_space<vmem>>, %arg11: memref<125x128xf32, #tpu.memory_space<vmem>>, %arg12: memref<!tpu.dma_semaphore, #tpu.memory_space<semaphore_mem>>, %arg13: memref<!tpu.dma_semaphore, #tpu.memory_space<semaphore_mem>>, %arg14: memref<!tpu.dma_semaphore, #tpu.memory_space<semaphore_mem>>, %arg15: memref<!tpu.dma_semaphore, #tpu.memory_space<semaphore_mem>>, %arg16: memref<10000x128xf32, #tpu.memory_space<vmem_shared>>) attributes {dimension_semantics = [#tpu.dimension_semantics<core_parallel>, #tpu.dimension_semantics<subcore_parallel>], iteration_bounds = array<i64: 2, 16>, scalar_prefetch = 0 : i64, scratch_operands = 9 : i64, tpu.core_type = #tpu.core_type<sc_vector_subcore>, window_params = [{transform_indices = #map}, {transform_indices = #map1}, {transform_indices = #map1}, {transform_indices = #map1}, {transform_indices = #map2}, {transform_indices = #map2}]} {
    %mul3A = arith.constant 2 : i32
    %mul3A_0 = arith.muli %arg1, %mul3A : i32
    %add3A = arith.addi %mul3A_0, %arg0 : i32
    %eq3A = arith.constant 0 : i32
    %eq3A_1 = arith.cmpi eq, %arg0, %eq3A : i32
    %convert_element_type3A = arith.extui %eq3A_1 : i1 to i32
    %cond3A = arith.constant 0 : i32
    %cond3A_2 = arith.cmpi ne, %convert_element_type3A, %cond3A : i32
    scf.if %cond3A_2 {
      %mul3A_115 = arith.constant 625 : i32
      %mul3A_116 = arith.muli %arg1, %mul3A_115 : i32
      %mul3A_117 = arith.constant 625 : i32
      %mul3A_118 = arith.muli %arg1, %mul3A_117 : i32
      "tpu.region"() ({
        %run_scoped3A_119 = tpu.sem_alloc : memref<!tpu.dma_semaphore, #tpu.memory_space<semaphore_mem>>
        %dma_start3A_120 = arith.constant 0 : i32
        %dma_start3A_121 = tpu.memref_slice %arg16[%mul3A_118, %dma_start3A_120] : memref<10000x128xf32, #tpu.memory_space<vmem_shared>> -> memref<625x128xf32, #tpu.memory_space<vmem_shared>>
        %dma_start3A_122 = arith.constant 0 : i32
        %dma_start3A_123 = tpu.memref_slice %arg3[%mul3A_116, %dma_start3A_122] : memref<10000x128xf32, #tpu.memory_space<hbm>> -> memref<625x128xf32, #tpu.memory_space<hbm>>
        tpu.enqueue_dma source(%dma_start3A_123 : memref<625x128xf32, #tpu.memory_space<hbm>>) target(%dma_start3A_121 : memref<625x128xf32, #tpu.memory_space<vmem_shared>>) target_semaphore(%run_scoped3A_119 : memref<!tpu.dma_semaphore, #tpu.memory_space<semaphore_mem>>)
        %dma_wait3A_124 = arith.constant 0 : i32
        %dma_wait3A_125 = tpu.memref_slice %arg16[%mul3A_118, %dma_wait3A_124] : memref<10000x128xf32, #tpu.memory_space<vmem_shared>> -> memref<625x128xf32, #tpu.memory_space<vmem_shared>>
        %dma_wait3A_126 = arith.constant 0 : i32
        %dma_wait3A_127 = tpu.memref_slice %arg3[%mul3A_116, %dma_wait3A_126] : memref<10000x128xf32, #tpu.memory_space<hbm>> -> memref<625x128xf32, #tpu.memory_space<hbm>>
        tpu.wait_dma2 semaphore(%run_scoped3A_119 : memref<!tpu.dma_semaphore, #tpu.memory_space<semaphore_mem>>) src(%dma_wait3A_127 : memref<625x128xf32, #tpu.memory_space<hbm>>) dst(%dma_wait3A_125 : memref<625x128xf32, #tpu.memory_space<vmem_shared>>)
        tpu.yield
      }) : () -> ()
    } else {
    }
    %eq3A_3 = arith.constant 1 : i32
    %eq3A_4 = arith.cmpi eq, %arg0, %eq3A_3 : i32
    %convert_element_type3A_5 = arith.extui %eq3A_4 : i1 to i32
    %cond3A_6 = arith.constant 0 : i32
    %cond3A_7 = arith.cmpi ne, %convert_element_type3A_5, %cond3A_6 : i32
    scf.if %cond3A_7 {
      %mul3A_115 = arith.constant 625 : i32
      %mul3A_116 = arith.muli %arg1, %mul3A_115 : i32
      %mul3A_117 = arith.constant 625 : i32
      %mul3A_118 = arith.muli %arg1, %mul3A_117 : i32
      "tpu.region"() ({
        %run_scoped3A_119 = tpu.sem_alloc : memref<!tpu.dma_semaphore, #tpu.memory_space<semaphore_mem>>
        %dma_start3A_120 = arith.constant 0 : i32
        %dma_start3A_121 = tpu.memref_slice %arg16[%mul3A_118, %dma_start3A_120] : memref<10000x128xf32, #tpu.memory_space<vmem_shared>> -> memref<625x128xf32, #tpu.memory_space<vmem_shared>>
        %dma_start3A_122 = arith.constant 0 : i32
        %dma_start3A_123 = tpu.memref_slice %arg5[%mul3A_116, %dma_start3A_122] : memref<10000x128xf32, #tpu.memory_space<hbm>> -> memref<625x128xf32, #tpu.memory_space<hbm>>
        tpu.enqueue_dma source(%dma_start3A_123 : memref<625x128xf32, #tpu.memory_space<hbm>>) target(%dma_start3A_121 : memref<625x128xf32, #tpu.memory_space<vmem_shared>>) target_semaphore(%run_scoped3A_119 : memref<!tpu.dma_semaphore, #tpu.memory_space<semaphore_mem>>)
        %dma_wait3A_124 = arith.constant 0 : i32
        %dma_wait3A_125 = tpu.memref_slice %arg16[%mul3A_118, %dma_wait3A_124] : memref<10000x128xf32, #tpu.memory_space<vmem_shared>> -> memref<625x128xf32, #tpu.memory_space<vmem_shared>>
        %dma_wait3A_126 = arith.constant 0 : i32
        %dma_wait3A_127 = tpu.memref_slice %arg5[%mul3A_116, %dma_wait3A_126] : memref<10000x128xf32, #tpu.memory_space<hbm>> -> memref<625x128xf32, #tpu.memory_space<hbm>>
        tpu.wait_dma2 semaphore(%run_scoped3A_119 : memref<!tpu.dma_semaphore, #tpu.memory_space<semaphore_mem>>) src(%dma_wait3A_127 : memref<625x128xf32, #tpu.memory_space<hbm>>) dst(%dma_wait3A_125 : memref<625x128xf32, #tpu.memory_space<vmem_shared>>)
        tpu.yield
      }) : () -> ()
    } else {
    }
    %barrier3A = arith.constant 0 : index
    tpu.barrier barrier_id(%barrier3A)
    %run_scoped3A = arith.constant 0 : i32
    "tpu.region"() ({
      %run_scoped3A_115 = tpu.sem_alloc : memref<!tpu.dma_semaphore, #tpu.memory_space<semaphore_mem>>
      %dma_start3A_116 = arith.constant 0 : i32
      %dma_start3A_117 = arith.constant 0 : i32
      %dma_start3A_118 = tpu.memref_slice %arg2[%run_scoped3A, %add3A, %dma_start3A_116, %dma_start3A_117] : memref<2x32x80x125xi32, #tpu.memory_space<hbm>> -> memref<1x1x40x125xi32, #tpu.memory_space<hbm>>
      %dma_start3A_119 = tpu.memref_squeeze %dma_start3A_118 : memref<1x1x40x125xi32, #tpu.memory_space<hbm>> -> memref<40x125xi32, #tpu.memory_space<hbm>>
      %dma_start3A_120 = arith.constant 0 : i32
      %dma_start3A_121 = arith.constant 0 : i32
      %dma_start3A_122 = tpu.memref_slice %arg2[%run_scoped3A, %add3A, %dma_start3A_120, %dma_start3A_121] : memref<2x32x80x125xi32, #tpu.memory_space<hbm>> -> memref<1x1x40x125xi32, #tpu.memory_space<hbm>>
      %dma_start3A_123 = tpu.memref_squeeze %dma_start3A_122 : memref<1x1x40x125xi32, #tpu.memory_space<hbm>> -> memref<40x125xi32, #tpu.memory_space<hbm>>
      tpu.enqueue_dma source(%dma_start3A_123 : memref<40x125xi32, #tpu.memory_space<hbm>>) target(%arg8 : memref<40x125xi32, #tpu.memory_space<vmem>>) target_semaphore(%run_scoped3A_115 : memref<!tpu.dma_semaphore, #tpu.memory_space<semaphore_mem>>)
      %dma_wait3A_124 = arith.constant 0 : i32
      %dma_wait3A_125 = arith.constant 0 : i32
      %dma_wait3A_126 = tpu.memref_slice %arg2[%run_scoped3A, %add3A, %dma_wait3A_124, %dma_wait3A_125] : memref<2x32x80x125xi32, #tpu.memory_space<hbm>> -> memref<1x1x40x125xi32, #tpu.memory_space<hbm>>
      %dma_wait3A_127 = tpu.memref_squeeze %dma_wait3A_126 : memref<1x1x40x125xi32, #tpu.memory_space<hbm>> -> memref<40x125xi32, #tpu.memory_space<hbm>>
      %dma_wait3A_128 = arith.constant 0 : i32
      %dma_wait3A_129 = arith.constant 0 : i32
      %dma_wait3A_130 = tpu.memref_slice %arg2[%run_scoped3A, %add3A, %dma_wait3A_128, %dma_wait3A_129] : memref<2x32x80x125xi32, #tpu.memory_space<hbm>> -> memref<1x1x40x125xi32, #tpu.memory_space<hbm>>
      %dma_wait3A_131 = tpu.memref_squeeze %dma_wait3A_130 : memref<1x1x40x125xi32, #tpu.memory_space<hbm>> -> memref<40x125xi32, #tpu.memory_space<hbm>>
      tpu.wait_dma2 semaphore(%run_scoped3A_115 : memref<!tpu.dma_semaphore, #tpu.memory_space<semaphore_mem>>) src(%dma_wait3A_131 : memref<40x125xi32, #tpu.memory_space<hbm>>) dst(%arg8 : memref<40x125xi32, #tpu.memory_space<vmem>>)
      tpu.yield
    }) : () -> ()
    %run_scoped3A_8 = arith.constant 1 : i32
    "tpu.region"() ({
      %run_scoped3A_115 = tpu.sem_alloc : memref<!tpu.dma_semaphore, #tpu.memory_space<semaphore_mem>>
      %dma_start3A_116 = arith.constant 0 : i32
      %dma_start3A_117 = arith.constant 0 : i32
      %dma_start3A_118 = tpu.memref_slice %arg2[%run_scoped3A_8, %add3A, %dma_start3A_116, %dma_start3A_117] : memref<2x32x80x125xi32, #tpu.memory_space<hbm>> -> memref<1x1x40x125xi32, #tpu.memory_space<hbm>>
      %dma_start3A_119 = tpu.memref_squeeze %dma_start3A_118 : memref<1x1x40x125xi32, #tpu.memory_space<hbm>> -> memref<40x125xi32, #tpu.memory_space<hbm>>
      %dma_start3A_120 = arith.constant 0 : i32
      %dma_start3A_121 = arith.constant 0 : i32
      %dma_start3A_122 = tpu.memref_slice %arg2[%run_scoped3A_8, %add3A, %dma_start3A_120, %dma_start3A_121] : memref<2x32x80x125xi32, #tpu.memory_space<hbm>> -> memref<1x1x40x125xi32, #tpu.memory_space<hbm>>
      %dma_start3A_123 = tpu.memref_squeeze %dma_start3A_122 : memref<1x1x40x125xi32, #tpu.memory_space<hbm>> -> memref<40x125xi32, #tpu.memory_space<hbm>>
      tpu.enqueue_dma source(%dma_start3A_123 : memref<40x125xi32, #tpu.memory_space<hbm>>) target(%arg9 : memref<40x125xi32, #tpu.memory_space<vmem>>) target_semaphore(%run_scoped3A_115 : memref<!tpu.dma_semaphore, #tpu.memory_space<semaphore_mem>>)
      %dma_wait3A_124 = arith.constant 0 : i32
      %dma_wait3A_125 = arith.constant 0 : i32
      %dma_wait3A_126 = tpu.memref_slice %arg2[%run_scoped3A_8, %add3A, %dma_wait3A_124, %dma_wait3A_125] : memref<2x32x80x125xi32, #tpu.memory_space<hbm>> -> memref<1x1x40x125xi32, #tpu.memory_space<hbm>>
      %dma_wait3A_127 = tpu.memref_squeeze %dma_wait3A_126 : memref<1x1x40x125xi32, #tpu.memory_space<hbm>> -> memref<40x125xi32, #tpu.memory_space<hbm>>
      %dma_wait3A_128 = arith.constant 0 : i32
      %dma_wait3A_129 = arith.constant 0 : i32
      %dma_wait3A_130 = tpu.memref_slice %arg2[%run_scoped3A_8, %add3A, %dma_wait3A_128, %dma_wait3A_129] : memref<2x32x80x125xi32, #tpu.memory_space<hbm>> -> memref<1x1x40x125xi32, #tpu.memory_space<hbm>>
      %dma_wait3A_131 = tpu.memref_squeeze %dma_wait3A_130 : memref<1x1x40x125xi32, #tpu.memory_space<hbm>> -> memref<40x125xi32, #tpu.memory_space<hbm>>
      tpu.wait_dma2 semaphore(%run_scoped3A_115 : memref<!tpu.dma_semaphore, #tpu.memory_space<semaphore_mem>>) src(%dma_wait3A_131 : memref<40x125xi32, #tpu.memory_space<hbm>>) dst(%arg9 : memref<40x125xi32, #tpu.memory_space<vmem>>)
      tpu.yield
    }) : () -> ()
    %dma_start3A = arith.constant 0 : i32
    %dma_start3A_9 = arith.constant 0 : i32
    %dma_start3A_10 = tpu.memref_slice %arg8[%dma_start3A, %dma_start3A_9] : memref<40x125xi32, #tpu.memory_space<vmem>> -> memref<1x125xi32, #tpu.memory_space<vmem>>
    %dma_start3A_11 = tpu.memref_squeeze %dma_start3A_10 : memref<1x125xi32, #tpu.memory_space<vmem>> -> memref<125xi32, #tpu.memory_space<vmem>>
    %dma_start3A_12 = arith.constant 0 : i32
    %dma_start3A_13 = arith.constant 0 : i32
    %dma_start3A_14 = tpu.memref_slice %arg3[%dma_start3A_12, %dma_start3A_13] : memref<10000x128xf32, #tpu.memory_space<hbm>> -> memref<10000x128xf32, #tpu.memory_space<hbm>>
    tpu.enqueue_indirect_dma source(%dma_start3A_14 : memref<10000x128xf32, #tpu.memory_space<hbm>>) target(%arg10 : memref<125x128xf32, #tpu.memory_space<vmem>>) offsets(%dma_start3A_11 : memref<125xi32, #tpu.memory_space<vmem>>) semaphore(%arg12 : memref<!tpu.dma_semaphore, #tpu.memory_space<semaphore_mem>>)
    %scan3A = arith.constant 0 : i32
    %scan3A_15 = arith.constant 0 : i32
    %scan3A_16 = arith.constant 20 : i32
    %scan3A_17 = arith.addi %scan3A_15, %scan3A_16 : i32
    %scan3A_18 = arith.constant 1 : i32
    scf.for %scan3A_115 = %scan3A_15 to %scan3A_17 step %scan3A_18  : i32 {
      %mul3A_116 = arith.constant 2 : i32
      %mul3A_117 = arith.muli %mul3A_116, %scan3A_115 : i32
      %add3A_118 = arith.constant 1 : i32
      %add3A_119 = arith.addi %mul3A_117, %add3A_118 : i32
      %dma_wait3A_120 = arith.constant 0 : i32
      %dma_wait3A_121 = tpu.memref_slice %arg8[%mul3A_117, %dma_wait3A_120] : memref<40x125xi32, #tpu.memory_space<vmem>> -> memref<1x125xi32, #tpu.memory_space<vmem>>
      %dma_wait3A_122 = tpu.memref_squeeze %dma_wait3A_121 : memref<1x125xi32, #tpu.memory_space<vmem>> -> memref<125xi32, #tpu.memory_space<vmem>>
      %dma_wait3A_123 = arith.constant 0 : i32
      %dma_wait3A_124 = arith.constant 0 : i32
      %dma_wait3A_125 = tpu.memref_slice %arg3[%dma_wait3A_123, %dma_wait3A_124] : memref<10000x128xf32, #tpu.memory_space<hbm>> -> memref<10000x128xf32, #tpu.memory_space<hbm>>
      tpu.wait_indirect_dma semaphore(%arg12 : memref<!tpu.dma_semaphore, #tpu.memory_space<semaphore_mem>>) src(%dma_wait3A_125 : memref<10000x128xf32, #tpu.memory_space<hbm>>) dst(%arg10 : memref<125x128xf32, #tpu.memory_space<vmem>>)
      %dma_start3A_126 = arith.constant 0 : i32
      %dma_start3A_127 = tpu.memref_slice %arg9[%mul3A_117, %dma_start3A_126] : memref<40x125xi32, #tpu.memory_space<vmem>> -> memref<1x125xi32, #tpu.memory_space<vmem>>
      %dma_start3A_128 = tpu.memref_squeeze %dma_start3A_127 : memref<1x125xi32, #tpu.memory_space<vmem>> -> memref<125xi32, #tpu.memory_space<vmem>>
      %dma_start3A_129 = arith.constant 0 : i32
      %dma_start3A_130 = arith.constant 0 : i32
      %dma_start3A_131 = tpu.memref_slice %arg16[%dma_start3A_129, %dma_start3A_130] : memref<10000x128xf32, #tpu.memory_space<vmem_shared>> -> memref<10000x128xf32, #tpu.memory_space<vmem_shared>>
      tpu.enqueue_indirect_dma source(%arg10 : memref<125x128xf32, #tpu.memory_space<vmem>>) target(%dma_start3A_131 : memref<10000x128xf32, #tpu.memory_space<vmem_shared>>) offsets(%dma_start3A_128 : memref<125xi32, #tpu.memory_space<vmem>>) semaphore(%arg14 : memref<!tpu.dma_semaphore, #tpu.memory_space<semaphore_mem>>) {add = true}
      %gt3A = arith.constant 0 : i32
      %gt3A_132 = arith.cmpi sgt, %scan3A_115, %gt3A : i32
      %convert_element_type3A_133 = arith.extui %gt3A_132 : i1 to i32
      %cond3A_134 = arith.constant 0 : i32
      %cond3A_135 = arith.cmpi ne, %convert_element_type3A_133, %cond3A_134 : i32
      scf.if %cond3A_135 {
        %dma_wait3A_165 = arith.constant 0 : i32
        %dma_wait3A_166 = arith.constant 0 : i32
        %dma_wait3A_167 = tpu.memref_slice %arg9[%dma_wait3A_165, %dma_wait3A_166] : memref<40x125xi32, #tpu.memory_space<vmem>> -> memref<1x125xi32, #tpu.memory_space<vmem>>
        %dma_wait3A_168 = tpu.memref_squeeze %dma_wait3A_167 : memref<1x125xi32, #tpu.memory_space<vmem>> -> memref<125xi32, #tpu.memory_space<vmem>>
        %dma_wait3A_169 = arith.constant 0 : i32
        %dma_wait3A_170 = arith.constant 0 : i32
        %dma_wait3A_171 = tpu.memref_slice %arg16[%dma_wait3A_169, %dma_wait3A_170] : memref<10000x128xf32, #tpu.memory_space<vmem_shared>> -> memref<10000x128xf32, #tpu.memory_space<vmem_shared>>
        tpu.wait_indirect_dma semaphore(%arg15 : memref<!tpu.dma_semaphore, #tpu.memory_space<semaphore_mem>>) src(%arg11 : memref<125x128xf32, #tpu.memory_space<vmem>>) dst(%dma_wait3A_171 : memref<10000x128xf32, #tpu.memory_space<vmem_shared>>)
      } else {
      }
      %dma_start3A_136 = arith.constant 0 : i32
      %dma_start3A_137 = tpu.memref_slice %arg8[%add3A_119, %dma_start3A_136] : memref<40x125xi32, #tpu.memory_space<vmem>> -> memref<1x125xi32, #tpu.memory_space<vmem>>
      %dma_start3A_138 = tpu.memref_squeeze %dma_start3A_137 : memref<1x125xi32, #tpu.memory_space<vmem>> -> memref<125xi32, #tpu.memory_space<vmem>>
      %dma_start3A_139 = arith.constant 0 : i32
      %dma_start3A_140 = arith.constant 0 : i32
      %dma_start3A_141 = tpu.memref_slice %arg3[%dma_start3A_139, %dma_start3A_140] : memref<10000x128xf32, #tpu.memory_space<hbm>> -> memref<10000x128xf32, #tpu.memory_space<hbm>>
      tpu.enqueue_indirect_dma source(%dma_start3A_141 : memref<10000x128xf32, #tpu.memory_space<hbm>>) target(%arg11 : memref<125x128xf32, #tpu.memory_space<vmem>>) offsets(%dma_start3A_138 : memref<125xi32, #tpu.memory_space<vmem>>) semaphore(%arg13 : memref<!tpu.dma_semaphore, #tpu.memory_space<semaphore_mem>>)
      %dma_wait3A_142 = arith.constant 0 : i32
      %dma_wait3A_143 = tpu.memref_slice %arg8[%add3A_119, %dma_wait3A_142] : memref<40x125xi32, #tpu.memory_space<vmem>> -> memref<1x125xi32, #tpu.memory_space<vmem>>
      %dma_wait3A_144 = tpu.memref_squeeze %dma_wait3A_143 : memref<1x125xi32, #tpu.memory_space<vmem>> -> memref<125xi32, #tpu.memory_space<vmem>>
      %dma_wait3A_145 = arith.constant 0 : i32
      %dma_wait3A_146 = arith.constant 0 : i32
      %dma_wait3A_147 = tpu.memref_slice %arg3[%dma_wait3A_145, %dma_wait3A_146] : memref<10000x128xf32, #tpu.memory_space<hbm>> -> memref<10000x128xf32, #tpu.memory_space<hbm>>
      tpu.wait_indirect_dma semaphore(%arg13 : memref<!tpu.dma_semaphore, #tpu.memory_space<semaphore_mem>>) src(%dma_wait3A_147 : memref<10000x128xf32, #tpu.memory_space<hbm>>) dst(%arg11 : memref<125x128xf32, #tpu.memory_space<vmem>>)
      %dma_start3A_148 = arith.constant 0 : i32
      %dma_start3A_149 = tpu.memref_slice %arg9[%add3A_119, %dma_start3A_148] : memref<40x125xi32, #tpu.memory_space<vmem>> -> memref<1x125xi32, #tpu.memory_space<vmem>>
      %dma_start3A_150 = tpu.memref_squeeze %dma_start3A_149 : memref<1x125xi32, #tpu.memory_space<vmem>> -> memref<125xi32, #tpu.memory_space<vmem>>
      %dma_start3A_151 = arith.constant 0 : i32
      %dma_start3A_152 = arith.constant 0 : i32
      %dma_start3A_153 = tpu.memref_slice %arg16[%dma_start3A_151, %dma_start3A_152] : memref<10000x128xf32, #tpu.memory_space<vmem_shared>> -> memref<10000x128xf32, #tpu.memory_space<vmem_shared>>
      tpu.enqueue_indirect_dma source(%arg11 : memref<125x128xf32, #tpu.memory_space<vmem>>) target(%dma_start3A_153 : memref<10000x128xf32, #tpu.memory_space<vmem_shared>>) offsets(%dma_start3A_150 : memref<125xi32, #tpu.memory_space<vmem>>) semaphore(%arg15 : memref<!tpu.dma_semaphore, #tpu.memory_space<semaphore_mem>>) {add = true}
      %dma_wait3A_154 = arith.constant 0 : i32
      %dma_wait3A_155 = arith.constant 0 : i32
      %dma_wait3A_156 = tpu.memref_slice %arg9[%dma_wait3A_154, %dma_wait3A_155] : memref<40x125xi32, #tpu.memory_space<vmem>> -> memref<1x125xi32, #tpu.memory_space<vmem>>
      %dma_wait3A_157 = tpu.memref_squeeze %dma_wait3A_156 : memref<1x125xi32, #tpu.memory_space<vmem>> -> memref<125xi32, #tpu.memory_space<vmem>>
      %dma_wait3A_158 = arith.constant 0 : i32
      %dma_wait3A_159 = arith.constant 0 : i32
      %dma_wait3A_160 = tpu.memref_slice %arg16[%dma_wait3A_158, %dma_wait3A_159] : memref<10000x128xf32, #tpu.memory_space<vmem_shared>> -> memref<10000x128xf32, #tpu.memory_space<vmem_shared>>
      tpu.wait_indirect_dma semaphore(%arg14 : memref<!tpu.dma_semaphore, #tpu.memory_space<semaphore_mem>>) src(%arg10 : memref<125x128xf32, #tpu.memory_space<vmem>>) dst(%dma_wait3A_160 : memref<10000x128xf32, #tpu.memory_space<vmem_shared>>)
      %lt3A = arith.constant 19 : i32
      %lt3A_161 = arith.cmpi slt, %scan3A_115, %lt3A : i32
      %convert_element_type3A_162 = arith.extui %lt3A_161 : i1 to i32
      %cond3A_163 = arith.constant 0 : i32
      %cond3A_164 = arith.cmpi ne, %convert_element_type3A_162, %cond3A_163 : i32
      scf.if %cond3A_164 {
        %add3A_165 = arith.constant 2 : i32
        %add3A_166 = arith.addi %mul3A_117, %add3A_165 : i32
        %dma_start3A_167 = arith.constant 0 : i32
        %dma_start3A_168 = tpu.memref_slice %arg8[%add3A_166, %dma_start3A_167] : memref<40x125xi32, #tpu.memory_space<vmem>> -> memref<1x125xi32, #tpu.memory_space<vmem>>
        %dma_start3A_169 = tpu.memref_squeeze %dma_start3A_168 : memref<1x125xi32, #tpu.memory_space<vmem>> -> memref<125xi32, #tpu.memory_space<vmem>>
        %dma_start3A_170 = arith.constant 0 : i32
        %dma_start3A_171 = arith.constant 0 : i32
        %dma_start3A_172 = tpu.memref_slice %arg3[%dma_start3A_170, %dma_start3A_171] : memref<10000x128xf32, #tpu.memory_space<hbm>> -> memref<10000x128xf32, #tpu.memory_space<hbm>>
        tpu.enqueue_indirect_dma source(%dma_start3A_172 : memref<10000x128xf32, #tpu.memory_space<hbm>>) target(%arg10 : memref<125x128xf32, #tpu.memory_space<vmem>>) offsets(%dma_start3A_169 : memref<125xi32, #tpu.memory_space<vmem>>) semaphore(%arg12 : memref<!tpu.dma_semaphore, #tpu.memory_space<semaphore_mem>>)
      } else {
      }
    }
    %scan3A_19 = arith.constant 20 : i32
    %dma_wait3A = arith.constant 0 : i32
    %dma_wait3A_20 = arith.constant 0 : i32
    %dma_wait3A_21 = tpu.memref_slice %arg9[%dma_wait3A, %dma_wait3A_20] : memref<40x125xi32, #tpu.memory_space<vmem>> -> memref<1x125xi32, #tpu.memory_space<vmem>>
    %dma_wait3A_22 = tpu.memref_squeeze %dma_wait3A_21 : memref<1x125xi32, #tpu.memory_space<vmem>> -> memref<125xi32, #tpu.memory_space<vmem>>
    %dma_wait3A_23 = arith.constant 0 : i32
    %dma_wait3A_24 = arith.constant 0 : i32
    %dma_wait3A_25 = tpu.memref_slice %arg16[%dma_wait3A_23, %dma_wait3A_24] : memref<10000x128xf32, #tpu.memory_space<vmem_shared>> -> memref<10000x128xf32, #tpu.memory_space<vmem_shared>>
    tpu.wait_indirect_dma semaphore(%arg15 : memref<!tpu.dma_semaphore, #tpu.memory_space<semaphore_mem>>) src(%arg11 : memref<125x128xf32, #tpu.memory_space<vmem>>) dst(%dma_wait3A_25 : memref<10000x128xf32, #tpu.memory_space<vmem_shared>>)
    %run_scoped3A_26 = arith.constant 0 : i32
    "tpu.region"() ({
      %run_scoped3A_115 = tpu.sem_alloc : memref<!tpu.dma_semaphore, #tpu.memory_space<semaphore_mem>>
      %dma_start3A_116 = arith.constant 40 : i32
      %dma_start3A_117 = arith.constant 0 : i32
      %dma_start3A_118 = tpu.memref_slice %arg2[%run_scoped3A_26, %add3A, %dma_start3A_116, %dma_start3A_117] : memref<2x32x80x125xi32, #tpu.memory_space<hbm>> -> memref<1x1x40x125xi32, #tpu.memory_space<hbm>>
      %dma_start3A_119 = tpu.memref_squeeze %dma_start3A_118 : memref<1x1x40x125xi32, #tpu.memory_space<hbm>> -> memref<40x125xi32, #tpu.memory_space<hbm>>
      %dma_start3A_120 = arith.constant 40 : i32
      %dma_start3A_121 = arith.constant 0 : i32
      %dma_start3A_122 = tpu.memref_slice %arg2[%run_scoped3A_26, %add3A, %dma_start3A_120, %dma_start3A_121] : memref<2x32x80x125xi32, #tpu.memory_space<hbm>> -> memref<1x1x40x125xi32, #tpu.memory_space<hbm>>
      %dma_start3A_123 = tpu.memref_squeeze %dma_start3A_122 : memref<1x1x40x125xi32, #tpu.memory_space<hbm>> -> memref<40x125xi32, #tpu.memory_space<hbm>>
      tpu.enqueue_dma source(%dma_start3A_123 : memref<40x125xi32, #tpu.memory_space<hbm>>) target(%arg8 : memref<40x125xi32, #tpu.memory_space<vmem>>) target_semaphore(%run_scoped3A_115 : memref<!tpu.dma_semaphore, #tpu.memory_space<semaphore_mem>>)
      %dma_wait3A_124 = arith.constant 40 : i32
      %dma_wait3A_125 = arith.constant 0 : i32
      %dma_wait3A_126 = tpu.memref_slice %arg2[%run_scoped3A_26, %add3A, %dma_wait3A_124, %dma_wait3A_125] : memref<2x32x80x125xi32, #tpu.memory_space<hbm>> -> memref<1x1x40x125xi32, #tpu.memory_space<hbm>>
      %dma_wait3A_127 = tpu.memref_squeeze %dma_wait3A_126 : memref<1x1x40x125xi32, #tpu.memory_space<hbm>> -> memref<40x125xi32, #tpu.memory_space<hbm>>
      %dma_wait3A_128 = arith.constant 40 : i32
      %dma_wait3A_129 = arith.constant 0 : i32
      %dma_wait3A_130 = tpu.memref_slice %arg2[%run_scoped3A_26, %add3A, %dma_wait3A_128, %dma_wait3A_129] : memref<2x32x80x125xi32, #tpu.memory_space<hbm>> -> memref<1x1x40x125xi32, #tpu.memory_space<hbm>>
      %dma_wait3A_131 = tpu.memref_squeeze %dma_wait3A_130 : memref<1x1x40x125xi32, #tpu.memory_space<hbm>> -> memref<40x125xi32, #tpu.memory_space<hbm>>
      tpu.wait_dma2 semaphore(%run_scoped3A_115 : memref<!tpu.dma_semaphore, #tpu.memory_space<semaphore_mem>>) src(%dma_wait3A_131 : memref<40x125xi32, #tpu.memory_space<hbm>>) dst(%arg8 : memref<40x125xi32, #tpu.memory_space<vmem>>)
      tpu.yield
    }) : () -> ()
    %run_scoped3A_27 = arith.constant 1 : i32
    "tpu.region"() ({
      %run_scoped3A_115 = tpu.sem_alloc : memref<!tpu.dma_semaphore, #tpu.memory_space<semaphore_mem>>
      %dma_start3A_116 = arith.constant 40 : i32
      %dma_start3A_117 = arith.constant 0 : i32
      %dma_start3A_118 = tpu.memref_slice %arg2[%run_scoped3A_27, %add3A, %dma_start3A_116, %dma_start3A_117] : memref<2x32x80x125xi32, #tpu.memory_space<hbm>> -> memref<1x1x40x125xi32, #tpu.memory_space<hbm>>
      %dma_start3A_119 = tpu.memref_squeeze %dma_start3A_118 : memref<1x1x40x125xi32, #tpu.memory_space<hbm>> -> memref<40x125xi32, #tpu.memory_space<hbm>>
      %dma_start3A_120 = arith.constant 40 : i32
      %dma_start3A_121 = arith.constant 0 : i32
      %dma_start3A_122 = tpu.memref_slice %arg2[%run_scoped3A_27, %add3A, %dma_start3A_120, %dma_start3A_121] : memref<2x32x80x125xi32, #tpu.memory_space<hbm>> -> memref<1x1x40x125xi32, #tpu.memory_space<hbm>>
      %dma_start3A_123 = tpu.memref_squeeze %dma_start3A_122 : memref<1x1x40x125xi32, #tpu.memory_space<hbm>> -> memref<40x125xi32, #tpu.memory_space<hbm>>
      tpu.enqueue_dma source(%dma_start3A_123 : memref<40x125xi32, #tpu.memory_space<hbm>>) target(%arg9 : memref<40x125xi32, #tpu.memory_space<vmem>>) target_semaphore(%run_scoped3A_115 : memref<!tpu.dma_semaphore, #tpu.memory_space<semaphore_mem>>)
      %dma_wait3A_124 = arith.constant 40 : i32
      %dma_wait3A_125 = arith.constant 0 : i32
      %dma_wait3A_126 = tpu.memref_slice %arg2[%run_scoped3A_27, %add3A, %dma_wait3A_124, %dma_wait3A_125] : memref<2x32x80x125xi32, #tpu.memory_space<hbm>> -> memref<1x1x40x125xi32, #tpu.memory_space<hbm>>
      %dma_wait3A_127 = tpu.memref_squeeze %dma_wait3A_126 : memref<1x1x40x125xi32, #tpu.memory_space<hbm>> -> memref<40x125xi32, #tpu.memory_space<hbm>>
      %dma_wait3A_128 = arith.constant 40 : i32
      %dma_wait3A_129 = arith.constant 0 : i32
      %dma_wait3A_130 = tpu.memref_slice %arg2[%run_scoped3A_27, %add3A, %dma_wait3A_128, %dma_wait3A_129] : memref<2x32x80x125xi32, #tpu.memory_space<hbm>> -> memref<1x1x40x125xi32, #tpu.memory_space<hbm>>
      %dma_wait3A_131 = tpu.memref_squeeze %dma_wait3A_130 : memref<1x1x40x125xi32, #tpu.memory_space<hbm>> -> memref<40x125xi32, #tpu.memory_space<hbm>>
      tpu.wait_dma2 semaphore(%run_scoped3A_115 : memref<!tpu.dma_semaphore, #tpu.memory_space<semaphore_mem>>) src(%dma_wait3A_131 : memref<40x125xi32, #tpu.memory_space<hbm>>) dst(%arg9 : memref<40x125xi32, #tpu.memory_space<vmem>>)
      tpu.yield
    }) : () -> ()
    %dma_start3A_28 = arith.constant 0 : i32
    %dma_start3A_29 = arith.constant 0 : i32
    %dma_start3A_30 = tpu.memref_slice %arg8[%dma_start3A_28, %dma_start3A_29] : memref<40x125xi32, #tpu.memory_space<vmem>> -> memref<1x125xi32, #tpu.memory_space<vmem>>
    %dma_start3A_31 = tpu.memref_squeeze %dma_start3A_30 : memref<1x125xi32, #tpu.memory_space<vmem>> -> memref<125xi32, #tpu.memory_space<vmem>>
    %dma_start3A_32 = arith.constant 0 : i32
    %dma_start3A_33 = arith.constant 0 : i32
    %dma_start3A_34 = tpu.memref_slice %arg3[%dma_start3A_32, %dma_start3A_33] : memref<10000x128xf32, #tpu.memory_space<hbm>> -> memref<10000x128xf32, #tpu.memory_space<hbm>>
    tpu.enqueue_indirect_dma source(%dma_start3A_34 : memref<10000x128xf32, #tpu.memory_space<hbm>>) target(%arg10 : memref<125x128xf32, #tpu.memory_space<vmem>>) offsets(%dma_start3A_31 : memref<125xi32, #tpu.memory_space<vmem>>) semaphore(%arg12 : memref<!tpu.dma_semaphore, #tpu.memory_space<semaphore_mem>>)
    %scan3A_35 = arith.constant 0 : i32
    %scan3A_36 = arith.constant 0 : i32
    %scan3A_37 = arith.constant 20 : i32
    %scan3A_38 = arith.addi %scan3A_36, %scan3A_37 : i32
    %scan3A_39 = arith.constant 1 : i32
    scf.for %scan3A_115 = %scan3A_36 to %scan3A_38 step %scan3A_39  : i32 {
      %mul3A_116 = arith.constant 2 : i32
      %mul3A_117 = arith.muli %mul3A_116, %scan3A_115 : i32
      %add3A_118 = arith.constant 1 : i32
      %add3A_119 = arith.addi %mul3A_117, %add3A_118 : i32
      %dma_wait3A_120 = arith.constant 0 : i32
      %dma_wait3A_121 = tpu.memref_slice %arg8[%mul3A_117, %dma_wait3A_120] : memref<40x125xi32, #tpu.memory_space<vmem>> -> memref<1x125xi32, #tpu.memory_space<vmem>>
      %dma_wait3A_122 = tpu.memref_squeeze %dma_wait3A_121 : memref<1x125xi32, #tpu.memory_space<vmem>> -> memref<125xi32, #tpu.memory_space<vmem>>
      %dma_wait3A_123 = arith.constant 0 : i32
      %dma_wait3A_124 = arith.constant 0 : i32
      %dma_wait3A_125 = tpu.memref_slice %arg3[%dma_wait3A_123, %dma_wait3A_124] : memref<10000x128xf32, #tpu.memory_space<hbm>> -> memref<10000x128xf32, #tpu.memory_space<hbm>>
      tpu.wait_indirect_dma semaphore(%arg12 : memref<!tpu.dma_semaphore, #tpu.memory_space<semaphore_mem>>) src(%dma_wait3A_125 : memref<10000x128xf32, #tpu.memory_space<hbm>>) dst(%arg10 : memref<125x128xf32, #tpu.memory_space<vmem>>)
      %dma_start3A_126 = arith.constant 0 : i32
      %dma_start3A_127 = tpu.memref_slice %arg9[%mul3A_117, %dma_start3A_126] : memref<40x125xi32, #tpu.memory_space<vmem>> -> memref<1x125xi32, #tpu.memory_space<vmem>>
      %dma_start3A_128 = tpu.memref_squeeze %dma_start3A_127 : memref<1x125xi32, #tpu.memory_space<vmem>> -> memref<125xi32, #tpu.memory_space<vmem>>
      %dma_start3A_129 = arith.constant 0 : i32
      %dma_start3A_130 = arith.constant 0 : i32
      %dma_start3A_131 = tpu.memref_slice %arg16[%dma_start3A_129, %dma_start3A_130] : memref<10000x128xf32, #tpu.memory_space<vmem_shared>> -> memref<10000x128xf32, #tpu.memory_space<vmem_shared>>
      tpu.enqueue_indirect_dma source(%arg10 : memref<125x128xf32, #tpu.memory_space<vmem>>) target(%dma_start3A_131 : memref<10000x128xf32, #tpu.memory_space<vmem_shared>>) offsets(%dma_start3A_128 : memref<125xi32, #tpu.memory_space<vmem>>) semaphore(%arg14 : memref<!tpu.dma_semaphore, #tpu.memory_space<semaphore_mem>>) {add = true}
      %gt3A = arith.constant 0 : i32
      %gt3A_132 = arith.cmpi sgt, %scan3A_115, %gt3A : i32
      %convert_element_type3A_133 = arith.extui %gt3A_132 : i1 to i32
      %cond3A_134 = arith.constant 0 : i32
      %cond3A_135 = arith.cmpi ne, %convert_element_type3A_133, %cond3A_134 : i32
      scf.if %cond3A_135 {
        %dma_wait3A_165 = arith.constant 0 : i32
        %dma_wait3A_166 = arith.constant 0 : i32
        %dma_wait3A_167 = tpu.memref_slice %arg9[%dma_wait3A_165, %dma_wait3A_166] : memref<40x125xi32, #tpu.memory_space<vmem>> -> memref<1x125xi32, #tpu.memory_space<vmem>>
        %dma_wait3A_168 = tpu.memref_squeeze %dma_wait3A_167 : memref<1x125xi32, #tpu.memory_space<vmem>> -> memref<125xi32, #tpu.memory_space<vmem>>
        %dma_wait3A_169 = arith.constant 0 : i32
        %dma_wait3A_170 = arith.constant 0 : i32
        %dma_wait3A_171 = tpu.memref_slice %arg16[%dma_wait3A_169, %dma_wait3A_170] : memref<10000x128xf32, #tpu.memory_space<vmem_shared>> -> memref<10000x128xf32, #tpu.memory_space<vmem_shared>>
        tpu.wait_indirect_dma semaphore(%arg15 : memref<!tpu.dma_semaphore, #tpu.memory_space<semaphore_mem>>) src(%arg11 : memref<125x128xf32, #tpu.memory_space<vmem>>) dst(%dma_wait3A_171 : memref<10000x128xf32, #tpu.memory_space<vmem_shared>>)
      } else {
      }
      %dma_start3A_136 = arith.constant 0 : i32
      %dma_start3A_137 = tpu.memref_slice %arg8[%add3A_119, %dma_start3A_136] : memref<40x125xi32, #tpu.memory_space<vmem>> -> memref<1x125xi32, #tpu.memory_space<vmem>>
      %dma_start3A_138 = tpu.memref_squeeze %dma_start3A_137 : memref<1x125xi32, #tpu.memory_space<vmem>> -> memref<125xi32, #tpu.memory_space<vmem>>
      %dma_start3A_139 = arith.constant 0 : i32
      %dma_start3A_140 = arith.constant 0 : i32
      %dma_start3A_141 = tpu.memref_slice %arg3[%dma_start3A_139, %dma_start3A_140] : memref<10000x128xf32, #tpu.memory_space<hbm>> -> memref<10000x128xf32, #tpu.memory_space<hbm>>
      tpu.enqueue_indirect_dma source(%dma_start3A_141 : memref<10000x128xf32, #tpu.memory_space<hbm>>) target(%arg11 : memref<125x128xf32, #tpu.memory_space<vmem>>) offsets(%dma_start3A_138 : memref<125xi32, #tpu.memory_space<vmem>>) semaphore(%arg13 : memref<!tpu.dma_semaphore, #tpu.memory_space<semaphore_mem>>)
      %dma_wait3A_142 = arith.constant 0 : i32
      %dma_wait3A_143 = tpu.memref_slice %arg8[%add3A_119, %dma_wait3A_142] : memref<40x125xi32, #tpu.memory_space<vmem>> -> memref<1x125xi32, #tpu.memory_space<vmem>>
      %dma_wait3A_144 = tpu.memref_squeeze %dma_wait3A_143 : memref<1x125xi32, #tpu.memory_space<vmem>> -> memref<125xi32, #tpu.memory_space<vmem>>
      %dma_wait3A_145 = arith.constant 0 : i32
      %dma_wait3A_146 = arith.constant 0 : i32
      %dma_wait3A_147 = tpu.memref_slice %arg3[%dma_wait3A_145, %dma_wait3A_146] : memref<10000x128xf32, #tpu.memory_space<hbm>> -> memref<10000x128xf32, #tpu.memory_space<hbm>>
      tpu.wait_indirect_dma semaphore(%arg13 : memref<!tpu.dma_semaphore, #tpu.memory_space<semaphore_mem>>) src(%dma_wait3A_147 : memref<10000x128xf32, #tpu.memory_space<hbm>>) dst(%arg11 : memref<125x128xf32, #tpu.memory_space<vmem>>)
      %dma_start3A_148 = arith.constant 0 : i32
      %dma_start3A_149 = tpu.memref_slice %arg9[%add3A_119, %dma_start3A_148] : memref<40x125xi32, #tpu.memory_space<vmem>> -> memref<1x125xi32, #tpu.memory_space<vmem>>
      %dma_start3A_150 = tpu.memref_squeeze %dma_start3A_149 : memref<1x125xi32, #tpu.memory_space<vmem>> -> memref<125xi32, #tpu.memory_space<vmem>>
      %dma_start3A_151 = arith.constant 0 : i32
      %dma_start3A_152 = arith.constant 0 : i32
      %dma_start3A_153 = tpu.memref_slice %arg16[%dma_start3A_151, %dma_start3A_152] : memref<10000x128xf32, #tpu.memory_space<vmem_shared>> -> memref<10000x128xf32, #tpu.memory_space<vmem_shared>>
      tpu.enqueue_indirect_dma source(%arg11 : memref<125x128xf32, #tpu.memory_space<vmem>>) target(%dma_start3A_153 : memref<10000x128xf32, #tpu.memory_space<vmem_shared>>) offsets(%dma_start3A_150 : memref<125xi32, #tpu.memory_space<vmem>>) semaphore(%arg15 : memref<!tpu.dma_semaphore, #tpu.memory_space<semaphore_mem>>) {add = true}
      %dma_wait3A_154 = arith.constant 0 : i32
      %dma_wait3A_155 = arith.constant 0 : i32
      %dma_wait3A_156 = tpu.memref_slice %arg9[%dma_wait3A_154, %dma_wait3A_155] : memref<40x125xi32, #tpu.memory_space<vmem>> -> memref<1x125xi32, #tpu.memory_space<vmem>>
      %dma_wait3A_157 = tpu.memref_squeeze %dma_wait3A_156 : memref<1x125xi32, #tpu.memory_space<vmem>> -> memref<125xi32, #tpu.memory_space<vmem>>
      %dma_wait3A_158 = arith.constant 0 : i32
      %dma_wait3A_159 = arith.constant 0 : i32
      %dma_wait3A_160 = tpu.memref_slice %arg16[%dma_wait3A_158, %dma_wait3A_159] : memref<10000x128xf32, #tpu.memory_space<vmem_shared>> -> memref<10000x128xf32, #tpu.memory_space<vmem_shared>>
      tpu.wait_indirect_dma semaphore(%arg14 : memref<!tpu.dma_semaphore, #tpu.memory_space<semaphore_mem>>) src(%arg10 : memref<125x128xf32, #tpu.memory_space<vmem>>) dst(%dma_wait3A_160 : memref<10000x128xf32, #tpu.memory_space<vmem_shared>>)
      %lt3A = arith.constant 19 : i32
      %lt3A_161 = arith.cmpi slt, %scan3A_115, %lt3A : i32
      %convert_element_type3A_162 = arith.extui %lt3A_161 : i1 to i32
      %cond3A_163 = arith.constant 0 : i32
      %cond3A_164 = arith.cmpi ne, %convert_element_type3A_162, %cond3A_163 : i32
      scf.if %cond3A_164 {
        %add3A_165 = arith.constant 2 : i32
        %add3A_166 = arith.addi %mul3A_117, %add3A_165 : i32
        %dma_start3A_167 = arith.constant 0 : i32
        %dma_start3A_168 = tpu.memref_slice %arg8[%add3A_166, %dma_start3A_167] : memref<40x125xi32, #tpu.memory_space<vmem>> -> memref<1x125xi32, #tpu.memory_space<vmem>>
        %dma_start3A_169 = tpu.memref_squeeze %dma_start3A_168 : memref<1x125xi32, #tpu.memory_space<vmem>> -> memref<125xi32, #tpu.memory_space<vmem>>
        %dma_start3A_170 = arith.constant 0 : i32
        %dma_start3A_171 = arith.constant 0 : i32
        %dma_start3A_172 = tpu.memref_slice %arg3[%dma_start3A_170, %dma_start3A_171] : memref<10000x128xf32, #tpu.memory_space<hbm>> -> memref<10000x128xf32, #tpu.memory_space<hbm>>
        tpu.enqueue_indirect_dma source(%dma_start3A_172 : memref<10000x128xf32, #tpu.memory_space<hbm>>) target(%arg10 : memref<125x128xf32, #tpu.memory_space<vmem>>) offsets(%dma_start3A_169 : memref<125xi32, #tpu.memory_space<vmem>>) semaphore(%arg12 : memref<!tpu.dma_semaphore, #tpu.memory_space<semaphore_mem>>)
      } else {
      }
    }
    %scan3A_40 = arith.constant 20 : i32
    %dma_wait3A_41 = arith.constant 0 : i32
    %dma_wait3A_42 = arith.constant 0 : i32
    %dma_wait3A_43 = tpu.memref_slice %arg9[%dma_wait3A_41, %dma_wait3A_42] : memref<40x125xi32, #tpu.memory_space<vmem>> -> memref<1x125xi32, #tpu.memory_space<vmem>>
    %dma_wait3A_44 = tpu.memref_squeeze %dma_wait3A_43 : memref<1x125xi32, #tpu.memory_space<vmem>> -> memref<125xi32, #tpu.memory_space<vmem>>
    %dma_wait3A_45 = arith.constant 0 : i32
    %dma_wait3A_46 = arith.constant 0 : i32
    %dma_wait3A_47 = tpu.memref_slice %arg16[%dma_wait3A_45, %dma_wait3A_46] : memref<10000x128xf32, #tpu.memory_space<vmem_shared>> -> memref<10000x128xf32, #tpu.memory_space<vmem_shared>>
    tpu.wait_indirect_dma semaphore(%arg15 : memref<!tpu.dma_semaphore, #tpu.memory_space<semaphore_mem>>) src(%arg11 : memref<125x128xf32, #tpu.memory_space<vmem>>) dst(%dma_wait3A_47 : memref<10000x128xf32, #tpu.memory_space<vmem_shared>>)
    %barrier3A_48 = arith.constant 0 : index
    tpu.barrier barrier_id(%barrier3A_48)
    %mul3A_49 = arith.constant 625 : i32
    %mul3A_50 = arith.muli %arg1, %mul3A_49 : i32
    %mul3A_51 = arith.constant 625 : i32
    %mul3A_52 = arith.muli %arg1, %mul3A_51 : i32
    "tpu.region"() ({
      %run_scoped3A_115 = tpu.sem_alloc : memref<!tpu.dma_semaphore, #tpu.memory_space<semaphore_mem>>
      %dma_start3A_116 = arith.constant 0 : i32
      %dma_start3A_117 = tpu.memref_slice %arg6[%arg0, %mul3A_52, %dma_start3A_116] : memref<2x10000x128xf32, #tpu.memory_space<hbm>> -> memref<1x625x128xf32, #tpu.memory_space<hbm>>
      %dma_start3A_118 = tpu.memref_squeeze %dma_start3A_117 : memref<1x625x128xf32, #tpu.memory_space<hbm>> -> memref<625x128xf32, #tpu.memory_space<hbm>>
      %dma_start3A_119 = arith.constant 0 : i32
      %dma_start3A_120 = tpu.memref_slice %arg16[%mul3A_50, %dma_start3A_119] : memref<10000x128xf32, #tpu.memory_space<vmem_shared>> -> memref<625x128xf32, #tpu.memory_space<vmem_shared>>
      tpu.enqueue_dma source(%dma_start3A_120 : memref<625x128xf32, #tpu.memory_space<vmem_shared>>) target(%dma_start3A_118 : memref<625x128xf32, #tpu.memory_space<hbm>>) target_semaphore(%run_scoped3A_115 : memref<!tpu.dma_semaphore, #tpu.memory_space<semaphore_mem>>)
      %dma_wait3A_121 = arith.constant 0 : i32
      %dma_wait3A_122 = tpu.memref_slice %arg6[%arg0, %mul3A_52, %dma_wait3A_121] : memref<2x10000x128xf32, #tpu.memory_space<hbm>> -> memref<1x625x128xf32, #tpu.memory_space<hbm>>
      %dma_wait3A_123 = tpu.memref_squeeze %dma_wait3A_122 : memref<1x625x128xf32, #tpu.memory_space<hbm>> -> memref<625x128xf32, #tpu.memory_space<hbm>>
      %dma_wait3A_124 = arith.constant 0 : i32
      %dma_wait3A_125 = tpu.memref_slice %arg16[%mul3A_50, %dma_wait3A_124] : memref<10000x128xf32, #tpu.memory_space<vmem_shared>> -> memref<625x128xf32, #tpu.memory_space<vmem_shared>>
      tpu.wait_dma2 semaphore(%run_scoped3A_115 : memref<!tpu.dma_semaphore, #tpu.memory_space<semaphore_mem>>) src(%dma_wait3A_125 : memref<625x128xf32, #tpu.memory_space<vmem_shared>>) dst(%dma_wait3A_123 : memref<625x128xf32, #tpu.memory_space<hbm>>)
      tpu.yield
    }) : () -> ()
    %barrier3A_53 = arith.constant 0 : index
    tpu.barrier barrier_id(%barrier3A_53)
    %eq3A_54 = arith.constant 0 : i32
    %eq3A_55 = arith.cmpi eq, %arg0, %eq3A_54 : i32
    %convert_element_type3A_56 = arith.extui %eq3A_55 : i1 to i32
    %cond3A_57 = arith.constant 0 : i32
    %cond3A_58 = arith.cmpi ne, %convert_element_type3A_56, %cond3A_57 : i32
    scf.if %cond3A_58 {
      %mul3A_115 = arith.constant 625 : i32
      %mul3A_116 = arith.muli %arg1, %mul3A_115 : i32
      %mul3A_117 = arith.constant 625 : i32
      %mul3A_118 = arith.muli %arg1, %mul3A_117 : i32
      "tpu.region"() ({
        %run_scoped3A_119 = tpu.sem_alloc : memref<!tpu.dma_semaphore, #tpu.memory_space<semaphore_mem>>
        %dma_start3A_120 = arith.constant 0 : i32
        %dma_start3A_121 = tpu.memref_slice %arg16[%mul3A_118, %dma_start3A_120] : memref<10000x128xf32, #tpu.memory_space<vmem_shared>> -> memref<625x128xf32, #tpu.memory_space<vmem_shared>>
        %dma_start3A_122 = arith.constant 0 : i32
        %dma_start3A_123 = tpu.memref_slice %arg4[%mul3A_116, %dma_start3A_122] : memref<10000x128xf32, #tpu.memory_space<hbm>> -> memref<625x128xf32, #tpu.memory_space<hbm>>
        tpu.enqueue_dma source(%dma_start3A_123 : memref<625x128xf32, #tpu.memory_space<hbm>>) target(%dma_start3A_121 : memref<625x128xf32, #tpu.memory_space<vmem_shared>>) target_semaphore(%run_scoped3A_119 : memref<!tpu.dma_semaphore, #tpu.memory_space<semaphore_mem>>)
        %dma_wait3A_124 = arith.constant 0 : i32
        %dma_wait3A_125 = tpu.memref_slice %arg16[%mul3A_118, %dma_wait3A_124] : memref<10000x128xf32, #tpu.memory_space<vmem_shared>> -> memref<625x128xf32, #tpu.memory_space<vmem_shared>>
        %dma_wait3A_126 = arith.constant 0 : i32
        %dma_wait3A_127 = tpu.memref_slice %arg4[%mul3A_116, %dma_wait3A_126] : memref<10000x128xf32, #tpu.memory_space<hbm>> -> memref<625x128xf32, #tpu.memory_space<hbm>>
        tpu.wait_dma2 semaphore(%run_scoped3A_119 : memref<!tpu.dma_semaphore, #tpu.memory_space<semaphore_mem>>) src(%dma_wait3A_127 : memref<625x128xf32, #tpu.memory_space<hbm>>) dst(%dma_wait3A_125 : memref<625x128xf32, #tpu.memory_space<vmem_shared>>)
        tpu.yield
      }) : () -> ()
    } else {
    }
    %eq3A_59 = arith.constant 1 : i32
    %eq3A_60 = arith.cmpi eq, %arg0, %eq3A_59 : i32
    %convert_element_type3A_61 = arith.extui %eq3A_60 : i1 to i32
    %cond3A_62 = arith.constant 0 : i32
    %cond3A_63 = arith.cmpi ne, %convert_element_type3A_61, %cond3A_62 : i32
    scf.if %cond3A_63 {
      %mul3A_115 = arith.constant 625 : i32
      %mul3A_116 = arith.muli %arg1, %mul3A_115 : i32
      %mul3A_117 = arith.constant 625 : i32
      %mul3A_118 = arith.muli %arg1, %mul3A_117 : i32
      "tpu.region"() ({
        %run_scoped3A_119 = tpu.sem_alloc : memref<!tpu.dma_semaphore, #tpu.memory_space<semaphore_mem>>
        %dma_start3A_120 = arith.constant 0 : i32
        %dma_start3A_121 = tpu.memref_slice %arg16[%mul3A_118, %dma_start3A_120] : memref<10000x128xf32, #tpu.memory_space<vmem_shared>> -> memref<625x128xf32, #tpu.memory_space<vmem_shared>>
        %dma_start3A_122 = arith.constant 0 : i32
        %dma_start3A_123 = tpu.memref_slice %arg5[%mul3A_116, %dma_start3A_122] : memref<10000x128xf32, #tpu.memory_space<hbm>> -> memref<625x128xf32, #tpu.memory_space<hbm>>
        tpu.enqueue_dma source(%dma_start3A_123 : memref<625x128xf32, #tpu.memory_space<hbm>>) target(%dma_start3A_121 : memref<625x128xf32, #tpu.memory_space<vmem_shared>>) target_semaphore(%run_scoped3A_119 : memref<!tpu.dma_semaphore, #tpu.memory_space<semaphore_mem>>)
        %dma_wait3A_124 = arith.constant 0 : i32
        %dma_wait3A_125 = tpu.memref_slice %arg16[%mul3A_118, %dma_wait3A_124] : memref<10000x128xf32, #tpu.memory_space<vmem_shared>> -> memref<625x128xf32, #tpu.memory_space<vmem_shared>>
        %dma_wait3A_126 = arith.constant 0 : i32
        %dma_wait3A_127 = tpu.memref_slice %arg5[%mul3A_116, %dma_wait3A_126] : memref<10000x128xf32, #tpu.memory_space<hbm>> -> memref<625x128xf32, #tpu.memory_space<hbm>>
        tpu.wait_dma2 semaphore(%run_scoped3A_119 : memref<!tpu.dma_semaphore, #tpu.memory_space<semaphore_mem>>) src(%dma_wait3A_127 : memref<625x128xf32, #tpu.memory_space<hbm>>) dst(%dma_wait3A_125 : memref<625x128xf32, #tpu.memory_space<vmem_shared>>)
        tpu.yield
      }) : () -> ()
    } else {
    }
    %barrier3A_64 = arith.constant 0 : index
    tpu.barrier barrier_id(%barrier3A_64)
    %run_scoped3A_65 = arith.constant 1 : i32
    "tpu.region"() ({
      %run_scoped3A_115 = tpu.sem_alloc : memref<!tpu.dma_semaphore, #tpu.memory_space<semaphore_mem>>
      %dma_start3A_116 = arith.constant 0 : i32
      %dma_start3A_117 = arith.constant 0 : i32
      %dma_start3A_118 = tpu.memref_slice %arg2[%run_scoped3A_65, %add3A, %dma_start3A_116, %dma_start3A_117] : memref<2x32x80x125xi32, #tpu.memory_space<hbm>> -> memref<1x1x40x125xi32, #tpu.memory_space<hbm>>
      %dma_start3A_119 = tpu.memref_squeeze %dma_start3A_118 : memref<1x1x40x125xi32, #tpu.memory_space<hbm>> -> memref<40x125xi32, #tpu.memory_space<hbm>>
      %dma_start3A_120 = arith.constant 0 : i32
      %dma_start3A_121 = arith.constant 0 : i32
      %dma_start3A_122 = tpu.memref_slice %arg2[%run_scoped3A_65, %add3A, %dma_start3A_120, %dma_start3A_121] : memref<2x32x80x125xi32, #tpu.memory_space<hbm>> -> memref<1x1x40x125xi32, #tpu.memory_space<hbm>>
      %dma_start3A_123 = tpu.memref_squeeze %dma_start3A_122 : memref<1x1x40x125xi32, #tpu.memory_space<hbm>> -> memref<40x125xi32, #tpu.memory_space<hbm>>
      tpu.enqueue_dma source(%dma_start3A_123 : memref<40x125xi32, #tpu.memory_space<hbm>>) target(%arg8 : memref<40x125xi32, #tpu.memory_space<vmem>>) target_semaphore(%run_scoped3A_115 : memref<!tpu.dma_semaphore, #tpu.memory_space<semaphore_mem>>)
      %dma_wait3A_124 = arith.constant 0 : i32
      %dma_wait3A_125 = arith.constant 0 : i32
      %dma_wait3A_126 = tpu.memref_slice %arg2[%run_scoped3A_65, %add3A, %dma_wait3A_124, %dma_wait3A_125] : memref<2x32x80x125xi32, #tpu.memory_space<hbm>> -> memref<1x1x40x125xi32, #tpu.memory_space<hbm>>
      %dma_wait3A_127 = tpu.memref_squeeze %dma_wait3A_126 : memref<1x1x40x125xi32, #tpu.memory_space<hbm>> -> memref<40x125xi32, #tpu.memory_space<hbm>>
      %dma_wait3A_128 = arith.constant 0 : i32
      %dma_wait3A_129 = arith.constant 0 : i32
      %dma_wait3A_130 = tpu.memref_slice %arg2[%run_scoped3A_65, %add3A, %dma_wait3A_128, %dma_wait3A_129] : memref<2x32x80x125xi32, #tpu.memory_space<hbm>> -> memref<1x1x40x125xi32, #tpu.memory_space<hbm>>
      %dma_wait3A_131 = tpu.memref_squeeze %dma_wait3A_130 : memref<1x1x40x125xi32, #tpu.memory_space<hbm>> -> memref<40x125xi32, #tpu.memory_space<hbm>>
      tpu.wait_dma2 semaphore(%run_scoped3A_115 : memref<!tpu.dma_semaphore, #tpu.memory_space<semaphore_mem>>) src(%dma_wait3A_131 : memref<40x125xi32, #tpu.memory_space<hbm>>) dst(%arg8 : memref<40x125xi32, #tpu.memory_space<vmem>>)
      tpu.yield
    }) : () -> ()
    %run_scoped3A_66 = arith.constant 0 : i32
    "tpu.region"() ({
      %run_scoped3A_115 = tpu.sem_alloc : memref<!tpu.dma_semaphore, #tpu.memory_space<semaphore_mem>>
      %dma_start3A_116 = arith.constant 0 : i32
      %dma_start3A_117 = arith.constant 0 : i32
      %dma_start3A_118 = tpu.memref_slice %arg2[%run_scoped3A_66, %add3A, %dma_start3A_116, %dma_start3A_117] : memref<2x32x80x125xi32, #tpu.memory_space<hbm>> -> memref<1x1x40x125xi32, #tpu.memory_space<hbm>>
      %dma_start3A_119 = tpu.memref_squeeze %dma_start3A_118 : memref<1x1x40x125xi32, #tpu.memory_space<hbm>> -> memref<40x125xi32, #tpu.memory_space<hbm>>
      %dma_start3A_120 = arith.constant 0 : i32
      %dma_start3A_121 = arith.constant 0 : i32
      %dma_start3A_122 = tpu.memref_slice %arg2[%run_scoped3A_66, %add3A, %dma_start3A_120, %dma_start3A_121] : memref<2x32x80x125xi32, #tpu.memory_space<hbm>> -> memref<1x1x40x125xi32, #tpu.memory_space<hbm>>
      %dma_start3A_123 = tpu.memref_squeeze %dma_start3A_122 : memref<1x1x40x125xi32, #tpu.memory_space<hbm>> -> memref<40x125xi32, #tpu.memory_space<hbm>>
      tpu.enqueue_dma source(%dma_start3A_123 : memref<40x125xi32, #tpu.memory_space<hbm>>) target(%arg9 : memref<40x125xi32, #tpu.memory_space<vmem>>) target_semaphore(%run_scoped3A_115 : memref<!tpu.dma_semaphore, #tpu.memory_space<semaphore_mem>>)
      %dma_wait3A_124 = arith.constant 0 : i32
      %dma_wait3A_125 = arith.constant 0 : i32
      %dma_wait3A_126 = tpu.memref_slice %arg2[%run_scoped3A_66, %add3A, %dma_wait3A_124, %dma_wait3A_125] : memref<2x32x80x125xi32, #tpu.memory_space<hbm>> -> memref<1x1x40x125xi32, #tpu.memory_space<hbm>>
      %dma_wait3A_127 = tpu.memref_squeeze %dma_wait3A_126 : memref<1x1x40x125xi32, #tpu.memory_space<hbm>> -> memref<40x125xi32, #tpu.memory_space<hbm>>
      %dma_wait3A_128 = arith.constant 0 : i32
      %dma_wait3A_129 = arith.constant 0 : i32
      %dma_wait3A_130 = tpu.memref_slice %arg2[%run_scoped3A_66, %add3A, %dma_wait3A_128, %dma_wait3A_129] : memref<2x32x80x125xi32, #tpu.memory_space<hbm>> -> memref<1x1x40x125xi32, #tpu.memory_space<hbm>>
      %dma_wait3A_131 = tpu.memref_squeeze %dma_wait3A_130 : memref<1x1x40x125xi32, #tpu.memory_space<hbm>> -> memref<40x125xi32, #tpu.memory_space<hbm>>
      tpu.wait_dma2 semaphore(%run_scoped3A_115 : memref<!tpu.dma_semaphore, #tpu.memory_space<semaphore_mem>>) src(%dma_wait3A_131 : memref<40x125xi32, #tpu.memory_space<hbm>>) dst(%arg9 : memref<40x125xi32, #tpu.memory_space<vmem>>)
      tpu.yield
    }) : () -> ()
    %dma_start3A_67 = arith.constant 0 : i32
    %dma_start3A_68 = arith.constant 0 : i32
    %dma_start3A_69 = tpu.memref_slice %arg8[%dma_start3A_67, %dma_start3A_68] : memref<40x125xi32, #tpu.memory_space<vmem>> -> memref<1x125xi32, #tpu.memory_space<vmem>>
    %dma_start3A_70 = tpu.memref_squeeze %dma_start3A_69 : memref<1x125xi32, #tpu.memory_space<vmem>> -> memref<125xi32, #tpu.memory_space<vmem>>
    %dma_start3A_71 = arith.constant 0 : i32
    %dma_start3A_72 = arith.constant 0 : i32
    %dma_start3A_73 = tpu.memref_slice %arg4[%dma_start3A_71, %dma_start3A_72] : memref<10000x128xf32, #tpu.memory_space<hbm>> -> memref<10000x128xf32, #tpu.memory_space<hbm>>
    tpu.enqueue_indirect_dma source(%dma_start3A_73 : memref<10000x128xf32, #tpu.memory_space<hbm>>) target(%arg10 : memref<125x128xf32, #tpu.memory_space<vmem>>) offsets(%dma_start3A_70 : memref<125xi32, #tpu.memory_space<vmem>>) semaphore(%arg12 : memref<!tpu.dma_semaphore, #tpu.memory_space<semaphore_mem>>)
    %scan3A_74 = arith.constant 0 : i32
    %scan3A_75 = arith.constant 0 : i32
    %scan3A_76 = arith.constant 20 : i32
    %scan3A_77 = arith.addi %scan3A_75, %scan3A_76 : i32
    %scan3A_78 = arith.constant 1 : i32
    scf.for %scan3A_115 = %scan3A_75 to %scan3A_77 step %scan3A_78  : i32 {
      %mul3A_116 = arith.constant 2 : i32
      %mul3A_117 = arith.muli %mul3A_116, %scan3A_115 : i32
      %add3A_118 = arith.constant 1 : i32
      %add3A_119 = arith.addi %mul3A_117, %add3A_118 : i32
      %dma_wait3A_120 = arith.constant 0 : i32
      %dma_wait3A_121 = tpu.memref_slice %arg8[%mul3A_117, %dma_wait3A_120] : memref<40x125xi32, #tpu.memory_space<vmem>> -> memref<1x125xi32, #tpu.memory_space<vmem>>
      %dma_wait3A_122 = tpu.memref_squeeze %dma_wait3A_121 : memref<1x125xi32, #tpu.memory_space<vmem>> -> memref<125xi32, #tpu.memory_space<vmem>>
      %dma_wait3A_123 = arith.constant 0 : i32
      %dma_wait3A_124 = arith.constant 0 : i32
      %dma_wait3A_125 = tpu.memref_slice %arg4[%dma_wait3A_123, %dma_wait3A_124] : memref<10000x128xf32, #tpu.memory_space<hbm>> -> memref<10000x128xf32, #tpu.memory_space<hbm>>
      tpu.wait_indirect_dma semaphore(%arg12 : memref<!tpu.dma_semaphore, #tpu.memory_space<semaphore_mem>>) src(%dma_wait3A_125 : memref<10000x128xf32, #tpu.memory_space<hbm>>) dst(%arg10 : memref<125x128xf32, #tpu.memory_space<vmem>>)
      %dma_start3A_126 = arith.constant 0 : i32
      %dma_start3A_127 = tpu.memref_slice %arg9[%mul3A_117, %dma_start3A_126] : memref<40x125xi32, #tpu.memory_space<vmem>> -> memref<1x125xi32, #tpu.memory_space<vmem>>
      %dma_start3A_128 = tpu.memref_squeeze %dma_start3A_127 : memref<1x125xi32, #tpu.memory_space<vmem>> -> memref<125xi32, #tpu.memory_space<vmem>>
      %dma_start3A_129 = arith.constant 0 : i32
      %dma_start3A_130 = arith.constant 0 : i32
      %dma_start3A_131 = tpu.memref_slice %arg16[%dma_start3A_129, %dma_start3A_130] : memref<10000x128xf32, #tpu.memory_space<vmem_shared>> -> memref<10000x128xf32, #tpu.memory_space<vmem_shared>>
      tpu.enqueue_indirect_dma source(%arg10 : memref<125x128xf32, #tpu.memory_space<vmem>>) target(%dma_start3A_131 : memref<10000x128xf32, #tpu.memory_space<vmem_shared>>) offsets(%dma_start3A_128 : memref<125xi32, #tpu.memory_space<vmem>>) semaphore(%arg14 : memref<!tpu.dma_semaphore, #tpu.memory_space<semaphore_mem>>) {add = true}
      %gt3A = arith.constant 0 : i32
      %gt3A_132 = arith.cmpi sgt, %scan3A_115, %gt3A : i32
      %convert_element_type3A_133 = arith.extui %gt3A_132 : i1 to i32
      %cond3A_134 = arith.constant 0 : i32
      %cond3A_135 = arith.cmpi ne, %convert_element_type3A_133, %cond3A_134 : i32
      scf.if %cond3A_135 {
        %dma_wait3A_165 = arith.constant 0 : i32
        %dma_wait3A_166 = arith.constant 0 : i32
        %dma_wait3A_167 = tpu.memref_slice %arg9[%dma_wait3A_165, %dma_wait3A_166] : memref<40x125xi32, #tpu.memory_space<vmem>> -> memref<1x125xi32, #tpu.memory_space<vmem>>
        %dma_wait3A_168 = tpu.memref_squeeze %dma_wait3A_167 : memref<1x125xi32, #tpu.memory_space<vmem>> -> memref<125xi32, #tpu.memory_space<vmem>>
        %dma_wait3A_169 = arith.constant 0 : i32
        %dma_wait3A_170 = arith.constant 0 : i32
        %dma_wait3A_171 = tpu.memref_slice %arg16[%dma_wait3A_169, %dma_wait3A_170] : memref<10000x128xf32, #tpu.memory_space<vmem_shared>> -> memref<10000x128xf32, #tpu.memory_space<vmem_shared>>
        tpu.wait_indirect_dma semaphore(%arg15 : memref<!tpu.dma_semaphore, #tpu.memory_space<semaphore_mem>>) src(%arg11 : memref<125x128xf32, #tpu.memory_space<vmem>>) dst(%dma_wait3A_171 : memref<10000x128xf32, #tpu.memory_space<vmem_shared>>)
      } else {
      }
      %dma_start3A_136 = arith.constant 0 : i32
      %dma_start3A_137 = tpu.memref_slice %arg8[%add3A_119, %dma_start3A_136] : memref<40x125xi32, #tpu.memory_space<vmem>> -> memref<1x125xi32, #tpu.memory_space<vmem>>
      %dma_start3A_138 = tpu.memref_squeeze %dma_start3A_137 : memref<1x125xi32, #tpu.memory_space<vmem>> -> memref<125xi32, #tpu.memory_space<vmem>>
      %dma_start3A_139 = arith.constant 0 : i32
      %dma_start3A_140 = arith.constant 0 : i32
      %dma_start3A_141 = tpu.memref_slice %arg4[%dma_start3A_139, %dma_start3A_140] : memref<10000x128xf32, #tpu.memory_space<hbm>> -> memref<10000x128xf32, #tpu.memory_space<hbm>>
      tpu.enqueue_indirect_dma source(%dma_start3A_141 : memref<10000x128xf32, #tpu.memory_space<hbm>>) target(%arg11 : memref<125x128xf32, #tpu.memory_space<vmem>>) offsets(%dma_start3A_138 : memref<125xi32, #tpu.memory_space<vmem>>) semaphore(%arg13 : memref<!tpu.dma_semaphore, #tpu.memory_space<semaphore_mem>>)
      %dma_wait3A_142 = arith.constant 0 : i32
      %dma_wait3A_143 = tpu.memref_slice %arg8[%add3A_119, %dma_wait3A_142] : memref<40x125xi32, #tpu.memory_space<vmem>> -> memref<1x125xi32, #tpu.memory_space<vmem>>
      %dma_wait3A_144 = tpu.memref_squeeze %dma_wait3A_143 : memref<1x125xi32, #tpu.memory_space<vmem>> -> memref<125xi32, #tpu.memory_space<vmem>>
      %dma_wait3A_145 = arith.constant 0 : i32
      %dma_wait3A_146 = arith.constant 0 : i32
      %dma_wait3A_147 = tpu.memref_slice %arg4[%dma_wait3A_145, %dma_wait3A_146] : memref<10000x128xf32, #tpu.memory_space<hbm>> -> memref<10000x128xf32, #tpu.memory_space<hbm>>
      tpu.wait_indirect_dma semaphore(%arg13 : memref<!tpu.dma_semaphore, #tpu.memory_space<semaphore_mem>>) src(%dma_wait3A_147 : memref<10000x128xf32, #tpu.memory_space<hbm>>) dst(%arg11 : memref<125x128xf32, #tpu.memory_space<vmem>>)
      %dma_start3A_148 = arith.constant 0 : i32
      %dma_start3A_149 = tpu.memref_slice %arg9[%add3A_119, %dma_start3A_148] : memref<40x125xi32, #tpu.memory_space<vmem>> -> memref<1x125xi32, #tpu.memory_space<vmem>>
      %dma_start3A_150 = tpu.memref_squeeze %dma_start3A_149 : memref<1x125xi32, #tpu.memory_space<vmem>> -> memref<125xi32, #tpu.memory_space<vmem>>
      %dma_start3A_151 = arith.constant 0 : i32
      %dma_start3A_152 = arith.constant 0 : i32
      %dma_start3A_153 = tpu.memref_slice %arg16[%dma_start3A_151, %dma_start3A_152] : memref<10000x128xf32, #tpu.memory_space<vmem_shared>> -> memref<10000x128xf32, #tpu.memory_space<vmem_shared>>
      tpu.enqueue_indirect_dma source(%arg11 : memref<125x128xf32, #tpu.memory_space<vmem>>) target(%dma_start3A_153 : memref<10000x128xf32, #tpu.memory_space<vmem_shared>>) offsets(%dma_start3A_150 : memref<125xi32, #tpu.memory_space<vmem>>) semaphore(%arg15 : memref<!tpu.dma_semaphore, #tpu.memory_space<semaphore_mem>>) {add = true}
      %dma_wait3A_154 = arith.constant 0 : i32
      %dma_wait3A_155 = arith.constant 0 : i32
      %dma_wait3A_156 = tpu.memref_slice %arg9[%dma_wait3A_154, %dma_wait3A_155] : memref<40x125xi32, #tpu.memory_space<vmem>> -> memref<1x125xi32, #tpu.memory_space<vmem>>
      %dma_wait3A_157 = tpu.memref_squeeze %dma_wait3A_156 : memref<1x125xi32, #tpu.memory_space<vmem>> -> memref<125xi32, #tpu.memory_space<vmem>>
      %dma_wait3A_158 = arith.constant 0 : i32
      %dma_wait3A_159 = arith.constant 0 : i32
      %dma_wait3A_160 = tpu.memref_slice %arg16[%dma_wait3A_158, %dma_wait3A_159] : memref<10000x128xf32, #tpu.memory_space<vmem_shared>> -> memref<10000x128xf32, #tpu.memory_space<vmem_shared>>
      tpu.wait_indirect_dma semaphore(%arg14 : memref<!tpu.dma_semaphore, #tpu.memory_space<semaphore_mem>>) src(%arg10 : memref<125x128xf32, #tpu.memory_space<vmem>>) dst(%dma_wait3A_160 : memref<10000x128xf32, #tpu.memory_space<vmem_shared>>)
      %lt3A = arith.constant 19 : i32
      %lt3A_161 = arith.cmpi slt, %scan3A_115, %lt3A : i32
      %convert_element_type3A_162 = arith.extui %lt3A_161 : i1 to i32
      %cond3A_163 = arith.constant 0 : i32
      %cond3A_164 = arith.cmpi ne, %convert_element_type3A_162, %cond3A_163 : i32
      scf.if %cond3A_164 {
        %add3A_165 = arith.constant 2 : i32
        %add3A_166 = arith.addi %mul3A_117, %add3A_165 : i32
        %dma_start3A_167 = arith.constant 0 : i32
        %dma_start3A_168 = tpu.memref_slice %arg8[%add3A_166, %dma_start3A_167] : memref<40x125xi32, #tpu.memory_space<vmem>> -> memref<1x125xi32, #tpu.memory_space<vmem>>
        %dma_start3A_169 = tpu.memref_squeeze %dma_start3A_168 : memref<1x125xi32, #tpu.memory_space<vmem>> -> memref<125xi32, #tpu.memory_space<vmem>>
        %dma_start3A_170 = arith.constant 0 : i32
        %dma_start3A_171 = arith.constant 0 : i32
        %dma_start3A_172 = tpu.memref_slice %arg4[%dma_start3A_170, %dma_start3A_171] : memref<10000x128xf32, #tpu.memory_space<hbm>> -> memref<10000x128xf32, #tpu.memory_space<hbm>>
        tpu.enqueue_indirect_dma source(%dma_start3A_172 : memref<10000x128xf32, #tpu.memory_space<hbm>>) target(%arg10 : memref<125x128xf32, #tpu.memory_space<vmem>>) offsets(%dma_start3A_169 : memref<125xi32, #tpu.memory_space<vmem>>) semaphore(%arg12 : memref<!tpu.dma_semaphore, #tpu.memory_space<semaphore_mem>>)
      } else {
      }
    }
    %scan3A_79 = arith.constant 20 : i32
    %dma_wait3A_80 = arith.constant 0 : i32
    %dma_wait3A_81 = arith.constant 0 : i32
    %dma_wait3A_82 = tpu.memref_slice %arg9[%dma_wait3A_80, %dma_wait3A_81] : memref<40x125xi32, #tpu.memory_space<vmem>> -> memref<1x125xi32, #tpu.memory_space<vmem>>
    %dma_wait3A_83 = tpu.memref_squeeze %dma_wait3A_82 : memref<1x125xi32, #tpu.memory_space<vmem>> -> memref<125xi32, #tpu.memory_space<vmem>>
    %dma_wait3A_84 = arith.constant 0 : i32
    %dma_wait3A_85 = arith.constant 0 : i32
    %dma_wait3A_86 = tpu.memref_slice %arg16[%dma_wait3A_84, %dma_wait3A_85] : memref<10000x128xf32, #tpu.memory_space<vmem_shared>> -> memref<10000x128xf32, #tpu.memory_space<vmem_shared>>
    tpu.wait_indirect_dma semaphore(%arg15 : memref<!tpu.dma_semaphore, #tpu.memory_space<semaphore_mem>>) src(%arg11 : memref<125x128xf32, #tpu.memory_space<vmem>>) dst(%dma_wait3A_86 : memref<10000x128xf32, #tpu.memory_space<vmem_shared>>)
    %run_scoped3A_87 = arith.constant 1 : i32
    "tpu.region"() ({
      %run_scoped3A_115 = tpu.sem_alloc : memref<!tpu.dma_semaphore, #tpu.memory_space<semaphore_mem>>
      %dma_start3A_116 = arith.constant 40 : i32
      %dma_start3A_117 = arith.constant 0 : i32
      %dma_start3A_118 = tpu.memref_slice %arg2[%run_scoped3A_87, %add3A, %dma_start3A_116, %dma_start3A_117] : memref<2x32x80x125xi32, #tpu.memory_space<hbm>> -> memref<1x1x40x125xi32, #tpu.memory_space<hbm>>
      %dma_start3A_119 = tpu.memref_squeeze %dma_start3A_118 : memref<1x1x40x125xi32, #tpu.memory_space<hbm>> -> memref<40x125xi32, #tpu.memory_space<hbm>>
      %dma_start3A_120 = arith.constant 40 : i32
      %dma_start3A_121 = arith.constant 0 : i32
      %dma_start3A_122 = tpu.memref_slice %arg2[%run_scoped3A_87, %add3A, %dma_start3A_120, %dma_start3A_121] : memref<2x32x80x125xi32, #tpu.memory_space<hbm>> -> memref<1x1x40x125xi32, #tpu.memory_space<hbm>>
      %dma_start3A_123 = tpu.memref_squeeze %dma_start3A_122 : memref<1x1x40x125xi32, #tpu.memory_space<hbm>> -> memref<40x125xi32, #tpu.memory_space<hbm>>
      tpu.enqueue_dma source(%dma_start3A_123 : memref<40x125xi32, #tpu.memory_space<hbm>>) target(%arg8 : memref<40x125xi32, #tpu.memory_space<vmem>>) target_semaphore(%run_scoped3A_115 : memref<!tpu.dma_semaphore, #tpu.memory_space<semaphore_mem>>)
      %dma_wait3A_124 = arith.constant 40 : i32
      %dma_wait3A_125 = arith.constant 0 : i32
      %dma_wait3A_126 = tpu.memref_slice %arg2[%run_scoped3A_87, %add3A, %dma_wait3A_124, %dma_wait3A_125] : memref<2x32x80x125xi32, #tpu.memory_space<hbm>> -> memref<1x1x40x125xi32, #tpu.memory_space<hbm>>
      %dma_wait3A_127 = tpu.memref_squeeze %dma_wait3A_126 : memref<1x1x40x125xi32, #tpu.memory_space<hbm>> -> memref<40x125xi32, #tpu.memory_space<hbm>>
      %dma_wait3A_128 = arith.constant 40 : i32
      %dma_wait3A_129 = arith.constant 0 : i32
      %dma_wait3A_130 = tpu.memref_slice %arg2[%run_scoped3A_87, %add3A, %dma_wait3A_128, %dma_wait3A_129] : memref<2x32x80x125xi32, #tpu.memory_space<hbm>> -> memref<1x1x40x125xi32, #tpu.memory_space<hbm>>
      %dma_wait3A_131 = tpu.memref_squeeze %dma_wait3A_130 : memref<1x1x40x125xi32, #tpu.memory_space<hbm>> -> memref<40x125xi32, #tpu.memory_space<hbm>>
      tpu.wait_dma2 semaphore(%run_scoped3A_115 : memref<!tpu.dma_semaphore, #tpu.memory_space<semaphore_mem>>) src(%dma_wait3A_131 : memref<40x125xi32, #tpu.memory_space<hbm>>) dst(%arg8 : memref<40x125xi32, #tpu.memory_space<vmem>>)
      tpu.yield
    }) : () -> ()
    %run_scoped3A_88 = arith.constant 0 : i32
    "tpu.region"() ({
      %run_scoped3A_115 = tpu.sem_alloc : memref<!tpu.dma_semaphore, #tpu.memory_space<semaphore_mem>>
      %dma_start3A_116 = arith.constant 40 : i32
      %dma_start3A_117 = arith.constant 0 : i32
      %dma_start3A_118 = tpu.memref_slice %arg2[%run_scoped3A_88, %add3A, %dma_start3A_116, %dma_start3A_117] : memref<2x32x80x125xi32, #tpu.memory_space<hbm>> -> memref<1x1x40x125xi32, #tpu.memory_space<hbm>>
      %dma_start3A_119 = tpu.memref_squeeze %dma_start3A_118 : memref<1x1x40x125xi32, #tpu.memory_space<hbm>> -> memref<40x125xi32, #tpu.memory_space<hbm>>
      %dma_start3A_120 = arith.constant 40 : i32
      %dma_start3A_121 = arith.constant 0 : i32
      %dma_start3A_122 = tpu.memref_slice %arg2[%run_scoped3A_88, %add3A, %dma_start3A_120, %dma_start3A_121] : memref<2x32x80x125xi32, #tpu.memory_space<hbm>> -> memref<1x1x40x125xi32, #tpu.memory_space<hbm>>
      %dma_start3A_123 = tpu.memref_squeeze %dma_start3A_122 : memref<1x1x40x125xi32, #tpu.memory_space<hbm>> -> memref<40x125xi32, #tpu.memory_space<hbm>>
      tpu.enqueue_dma source(%dma_start3A_123 : memref<40x125xi32, #tpu.memory_space<hbm>>) target(%arg9 : memref<40x125xi32, #tpu.memory_space<vmem>>) target_semaphore(%run_scoped3A_115 : memref<!tpu.dma_semaphore, #tpu.memory_space<semaphore_mem>>)
      %dma_wait3A_124 = arith.constant 40 : i32
      %dma_wait3A_125 = arith.constant 0 : i32
      %dma_wait3A_126 = tpu.memref_slice %arg2[%run_scoped3A_88, %add3A, %dma_wait3A_124, %dma_wait3A_125] : memref<2x32x80x125xi32, #tpu.memory_space<hbm>> -> memref<1x1x40x125xi32, #tpu.memory_space<hbm>>
      %dma_wait3A_127 = tpu.memref_squeeze %dma_wait3A_126 : memref<1x1x40x125xi32, #tpu.memory_space<hbm>> -> memref<40x125xi32, #tpu.memory_space<hbm>>
      %dma_wait3A_128 = arith.constant 40 : i32
      %dma_wait3A_129 = arith.constant 0 : i32
      %dma_wait3A_130 = tpu.memref_slice %arg2[%run_scoped3A_88, %add3A, %dma_wait3A_128, %dma_wait3A_129] : memref<2x32x80x125xi32, #tpu.memory_space<hbm>> -> memref<1x1x40x125xi32, #tpu.memory_space<hbm>>
      %dma_wait3A_131 = tpu.memref_squeeze %dma_wait3A_130 : memref<1x1x40x125xi32, #tpu.memory_space<hbm>> -> memref<40x125xi32, #tpu.memory_space<hbm>>
      tpu.wait_dma2 semaphore(%run_scoped3A_115 : memref<!tpu.dma_semaphore, #tpu.memory_space<semaphore_mem>>) src(%dma_wait3A_131 : memref<40x125xi32, #tpu.memory_space<hbm>>) dst(%arg9 : memref<40x125xi32, #tpu.memory_space<vmem>>)
      tpu.yield
    }) : () -> ()
    %dma_start3A_89 = arith.constant 0 : i32
    %dma_start3A_90 = arith.constant 0 : i32
    %dma_start3A_91 = tpu.memref_slice %arg8[%dma_start3A_89, %dma_start3A_90] : memref<40x125xi32, #tpu.memory_space<vmem>> -> memref<1x125xi32, #tpu.memory_space<vmem>>
    %dma_start3A_92 = tpu.memref_squeeze %dma_start3A_91 : memref<1x125xi32, #tpu.memory_space<vmem>> -> memref<125xi32, #tpu.memory_space<vmem>>
    %dma_start3A_93 = arith.constant 0 : i32
    %dma_start3A_94 = arith.constant 0 : i32
    %dma_start3A_95 = tpu.memref_slice %arg4[%dma_start3A_93, %dma_start3A_94] : memref<10000x128xf32, #tpu.memory_space<hbm>> -> memref<10000x128xf32, #tpu.memory_space<hbm>>
    tpu.enqueue_indirect_dma source(%dma_start3A_95 : memref<10000x128xf32, #tpu.memory_space<hbm>>) target(%arg10 : memref<125x128xf32, #tpu.memory_space<vmem>>) offsets(%dma_start3A_92 : memref<125xi32, #tpu.memory_space<vmem>>) semaphore(%arg12 : memref<!tpu.dma_semaphore, #tpu.memory_space<semaphore_mem>>)
    %scan3A_96 = arith.constant 0 : i32
    %scan3A_97 = arith.constant 0 : i32
    %scan3A_98 = arith.constant 20 : i32
    %scan3A_99 = arith.addi %scan3A_97, %scan3A_98 : i32
    %scan3A_100 = arith.constant 1 : i32
    scf.for %scan3A_115 = %scan3A_97 to %scan3A_99 step %scan3A_100  : i32 {
      %mul3A_116 = arith.constant 2 : i32
      %mul3A_117 = arith.muli %mul3A_116, %scan3A_115 : i32
      %add3A_118 = arith.constant 1 : i32
      %add3A_119 = arith.addi %mul3A_117, %add3A_118 : i32
      %dma_wait3A_120 = arith.constant 0 : i32
      %dma_wait3A_121 = tpu.memref_slice %arg8[%mul3A_117, %dma_wait3A_120] : memref<40x125xi32, #tpu.memory_space<vmem>> -> memref<1x125xi32, #tpu.memory_space<vmem>>
      %dma_wait3A_122 = tpu.memref_squeeze %dma_wait3A_121 : memref<1x125xi32, #tpu.memory_space<vmem>> -> memref<125xi32, #tpu.memory_space<vmem>>
      %dma_wait3A_123 = arith.constant 0 : i32
      %dma_wait3A_124 = arith.constant 0 : i32
      %dma_wait3A_125 = tpu.memref_slice %arg4[%dma_wait3A_123, %dma_wait3A_124] : memref<10000x128xf32, #tpu.memory_space<hbm>> -> memref<10000x128xf32, #tpu.memory_space<hbm>>
      tpu.wait_indirect_dma semaphore(%arg12 : memref<!tpu.dma_semaphore, #tpu.memory_space<semaphore_mem>>) src(%dma_wait3A_125 : memref<10000x128xf32, #tpu.memory_space<hbm>>) dst(%arg10 : memref<125x128xf32, #tpu.memory_space<vmem>>)
      %dma_start3A_126 = arith.constant 0 : i32
      %dma_start3A_127 = tpu.memref_slice %arg9[%mul3A_117, %dma_start3A_126] : memref<40x125xi32, #tpu.memory_space<vmem>> -> memref<1x125xi32, #tpu.memory_space<vmem>>
      %dma_start3A_128 = tpu.memref_squeeze %dma_start3A_127 : memref<1x125xi32, #tpu.memory_space<vmem>> -> memref<125xi32, #tpu.memory_space<vmem>>
      %dma_start3A_129 = arith.constant 0 : i32
      %dma_start3A_130 = arith.constant 0 : i32
      %dma_start3A_131 = tpu.memref_slice %arg16[%dma_start3A_129, %dma_start3A_130] : memref<10000x128xf32, #tpu.memory_space<vmem_shared>> -> memref<10000x128xf32, #tpu.memory_space<vmem_shared>>
      tpu.enqueue_indirect_dma source(%arg10 : memref<125x128xf32, #tpu.memory_space<vmem>>) target(%dma_start3A_131 : memref<10000x128xf32, #tpu.memory_space<vmem_shared>>) offsets(%dma_start3A_128 : memref<125xi32, #tpu.memory_space<vmem>>) semaphore(%arg14 : memref<!tpu.dma_semaphore, #tpu.memory_space<semaphore_mem>>) {add = true}
      %gt3A = arith.constant 0 : i32
      %gt3A_132 = arith.cmpi sgt, %scan3A_115, %gt3A : i32
      %convert_element_type3A_133 = arith.extui %gt3A_132 : i1 to i32
      %cond3A_134 = arith.constant 0 : i32
      %cond3A_135 = arith.cmpi ne, %convert_element_type3A_133, %cond3A_134 : i32
      scf.if %cond3A_135 {
        %dma_wait3A_165 = arith.constant 0 : i32
        %dma_wait3A_166 = arith.constant 0 : i32
        %dma_wait3A_167 = tpu.memref_slice %arg9[%dma_wait3A_165, %dma_wait3A_166] : memref<40x125xi32, #tpu.memory_space<vmem>> -> memref<1x125xi32, #tpu.memory_space<vmem>>
        %dma_wait3A_168 = tpu.memref_squeeze %dma_wait3A_167 : memref<1x125xi32, #tpu.memory_space<vmem>> -> memref<125xi32, #tpu.memory_space<vmem>>
        %dma_wait3A_169 = arith.constant 0 : i32
        %dma_wait3A_170 = arith.constant 0 : i32
        %dma_wait3A_171 = tpu.memref_slice %arg16[%dma_wait3A_169, %dma_wait3A_170] : memref<10000x128xf32, #tpu.memory_space<vmem_shared>> -> memref<10000x128xf32, #tpu.memory_space<vmem_shared>>
        tpu.wait_indirect_dma semaphore(%arg15 : memref<!tpu.dma_semaphore, #tpu.memory_space<semaphore_mem>>) src(%arg11 : memref<125x128xf32, #tpu.memory_space<vmem>>) dst(%dma_wait3A_171 : memref<10000x128xf32, #tpu.memory_space<vmem_shared>>)
      } else {
      }
      %dma_start3A_136 = arith.constant 0 : i32
      %dma_start3A_137 = tpu.memref_slice %arg8[%add3A_119, %dma_start3A_136] : memref<40x125xi32, #tpu.memory_space<vmem>> -> memref<1x125xi32, #tpu.memory_space<vmem>>
      %dma_start3A_138 = tpu.memref_squeeze %dma_start3A_137 : memref<1x125xi32, #tpu.memory_space<vmem>> -> memref<125xi32, #tpu.memory_space<vmem>>
      %dma_start3A_139 = arith.constant 0 : i32
      %dma_start3A_140 = arith.constant 0 : i32
      %dma_start3A_141 = tpu.memref_slice %arg4[%dma_start3A_139, %dma_start3A_140] : memref<10000x128xf32, #tpu.memory_space<hbm>> -> memref<10000x128xf32, #tpu.memory_space<hbm>>
      tpu.enqueue_indirect_dma source(%dma_start3A_141 : memref<10000x128xf32, #tpu.memory_space<hbm>>) target(%arg11 : memref<125x128xf32, #tpu.memory_space<vmem>>) offsets(%dma_start3A_138 : memref<125xi32, #tpu.memory_space<vmem>>) semaphore(%arg13 : memref<!tpu.dma_semaphore, #tpu.memory_space<semaphore_mem>>)
      %dma_wait3A_142 = arith.constant 0 : i32
      %dma_wait3A_143 = tpu.memref_slice %arg8[%add3A_119, %dma_wait3A_142] : memref<40x125xi32, #tpu.memory_space<vmem>> -> memref<1x125xi32, #tpu.memory_space<vmem>>
      %dma_wait3A_144 = tpu.memref_squeeze %dma_wait3A_143 : memref<1x125xi32, #tpu.memory_space<vmem>> -> memref<125xi32, #tpu.memory_space<vmem>>
      %dma_wait3A_145 = arith.constant 0 : i32
      %dma_wait3A_146 = arith.constant 0 : i32
      %dma_wait3A_147 = tpu.memref_slice %arg4[%dma_wait3A_145, %dma_wait3A_146] : memref<10000x128xf32, #tpu.memory_space<hbm>> -> memref<10000x128xf32, #tpu.memory_space<hbm>>
      tpu.wait_indirect_dma semaphore(%arg13 : memref<!tpu.dma_semaphore, #tpu.memory_space<semaphore_mem>>) src(%dma_wait3A_147 : memref<10000x128xf32, #tpu.memory_space<hbm>>) dst(%arg11 : memref<125x128xf32, #tpu.memory_space<vmem>>)
      %dma_start3A_148 = arith.constant 0 : i32
      %dma_start3A_149 = tpu.memref_slice %arg9[%add3A_119, %dma_start3A_148] : memref<40x125xi32, #tpu.memory_space<vmem>> -> memref<1x125xi32, #tpu.memory_space<vmem>>
      %dma_start3A_150 = tpu.memref_squeeze %dma_start3A_149 : memref<1x125xi32, #tpu.memory_space<vmem>> -> memref<125xi32, #tpu.memory_space<vmem>>
      %dma_start3A_151 = arith.constant 0 : i32
      %dma_start3A_152 = arith.constant 0 : i32
      %dma_start3A_153 = tpu.memref_slice %arg16[%dma_start3A_151, %dma_start3A_152] : memref<10000x128xf32, #tpu.memory_space<vmem_shared>> -> memref<10000x128xf32, #tpu.memory_space<vmem_shared>>
      tpu.enqueue_indirect_dma source(%arg11 : memref<125x128xf32, #tpu.memory_space<vmem>>) target(%dma_start3A_153 : memref<10000x128xf32, #tpu.memory_space<vmem_shared>>) offsets(%dma_start3A_150 : memref<125xi32, #tpu.memory_space<vmem>>) semaphore(%arg15 : memref<!tpu.dma_semaphore, #tpu.memory_space<semaphore_mem>>) {add = true}
      %dma_wait3A_154 = arith.constant 0 : i32
      %dma_wait3A_155 = arith.constant 0 : i32
      %dma_wait3A_156 = tpu.memref_slice %arg9[%dma_wait3A_154, %dma_wait3A_155] : memref<40x125xi32, #tpu.memory_space<vmem>> -> memref<1x125xi32, #tpu.memory_space<vmem>>
      %dma_wait3A_157 = tpu.memref_squeeze %dma_wait3A_156 : memref<1x125xi32, #tpu.memory_space<vmem>> -> memref<125xi32, #tpu.memory_space<vmem>>
      %dma_wait3A_158 = arith.constant 0 : i32
      %dma_wait3A_159 = arith.constant 0 : i32
      %dma_wait3A_160 = tpu.memref_slice %arg16[%dma_wait3A_158, %dma_wait3A_159] : memref<10000x128xf32, #tpu.memory_space<vmem_shared>> -> memref<10000x128xf32, #tpu.memory_space<vmem_shared>>
      tpu.wait_indirect_dma semaphore(%arg14 : memref<!tpu.dma_semaphore, #tpu.memory_space<semaphore_mem>>) src(%arg10 : memref<125x128xf32, #tpu.memory_space<vmem>>) dst(%dma_wait3A_160 : memref<10000x128xf32, #tpu.memory_space<vmem_shared>>)
      %lt3A = arith.constant 19 : i32
      %lt3A_161 = arith.cmpi slt, %scan3A_115, %lt3A : i32
      %convert_element_type3A_162 = arith.extui %lt3A_161 : i1 to i32
      %cond3A_163 = arith.constant 0 : i32
      %cond3A_164 = arith.cmpi ne, %convert_element_type3A_162, %cond3A_163 : i32
      scf.if %cond3A_164 {
        %add3A_165 = arith.constant 2 : i32
        %add3A_166 = arith.addi %mul3A_117, %add3A_165 : i32
        %dma_start3A_167 = arith.constant 0 : i32
        %dma_start3A_168 = tpu.memref_slice %arg8[%add3A_166, %dma_start3A_167] : memref<40x125xi32, #tpu.memory_space<vmem>> -> memref<1x125xi32, #tpu.memory_space<vmem>>
        %dma_start3A_169 = tpu.memref_squeeze %dma_start3A_168 : memref<1x125xi32, #tpu.memory_space<vmem>> -> memref<125xi32, #tpu.memory_space<vmem>>
        %dma_start3A_170 = arith.constant 0 : i32
        %dma_start3A_171 = arith.constant 0 : i32
        %dma_start3A_172 = tpu.memref_slice %arg4[%dma_start3A_170, %dma_start3A_171] : memref<10000x128xf32, #tpu.memory_space<hbm>> -> memref<10000x128xf32, #tpu.memory_space<hbm>>
        tpu.enqueue_indirect_dma source(%dma_start3A_172 : memref<10000x128xf32, #tpu.memory_space<hbm>>) target(%arg10 : memref<125x128xf32, #tpu.memory_space<vmem>>) offsets(%dma_start3A_169 : memref<125xi32, #tpu.memory_space<vmem>>) semaphore(%arg12 : memref<!tpu.dma_semaphore, #tpu.memory_space<semaphore_mem>>)
      } else {
      }
    }
    %scan3A_101 = arith.constant 20 : i32
    %dma_wait3A_102 = arith.constant 0 : i32
    %dma_wait3A_103 = arith.constant 0 : i32
    %dma_wait3A_104 = tpu.memref_slice %arg9[%dma_wait3A_102, %dma_wait3A_103] : memref<40x125xi32, #tpu.memory_space<vmem>> -> memref<1x125xi32, #tpu.memory_space<vmem>>
    %dma_wait3A_105 = tpu.memref_squeeze %dma_wait3A_104 : memref<1x125xi32, #tpu.memory_space<vmem>> -> memref<125xi32, #tpu.memory_space<vmem>>
    %dma_wait3A_106 = arith.constant 0 : i32
    %dma_wait3A_107 = arith.constant 0 : i32
    %dma_wait3A_108 = tpu.memref_slice %arg16[%dma_wait3A_106, %dma_wait3A_107] : memref<10000x128xf32, #tpu.memory_space<vmem_shared>> -> memref<10000x128xf32, #tpu.memory_space<vmem_shared>>
    tpu.wait_indirect_dma semaphore(%arg15 : memref<!tpu.dma_semaphore, #tpu.memory_space<semaphore_mem>>) src(%arg11 : memref<125x128xf32, #tpu.memory_space<vmem>>) dst(%dma_wait3A_108 : memref<10000x128xf32, #tpu.memory_space<vmem_shared>>)
    %barrier3A_109 = arith.constant 0 : index
    tpu.barrier barrier_id(%barrier3A_109)
    %mul3A_110 = arith.constant 625 : i32
    %mul3A_111 = arith.muli %arg1, %mul3A_110 : i32
    %mul3A_112 = arith.constant 625 : i32
    %mul3A_113 = arith.muli %arg1, %mul3A_112 : i32
    "tpu.region"() ({
      %run_scoped3A_115 = tpu.sem_alloc : memref<!tpu.dma_semaphore, #tpu.memory_space<semaphore_mem>>
      %dma_start3A_116 = arith.constant 0 : i32
      %dma_start3A_117 = tpu.memref_slice %arg7[%arg0, %mul3A_113, %dma_start3A_116] : memref<2x10000x128xf32, #tpu.memory_space<hbm>> -> memref<1x625x128xf32, #tpu.memory_space<hbm>>
      %dma_start3A_118 = tpu.memref_squeeze %dma_start3A_117 : memref<1x625x128xf32, #tpu.memory_space<hbm>> -> memref<625x128xf32, #tpu.memory_space<hbm>>
      %dma_start3A_119 = arith.constant 0 : i32
      %dma_start3A_120 = tpu.memref_slice %arg16[%mul3A_111, %dma_start3A_119] : memref<10000x128xf32, #tpu.memory_space<vmem_shared>> -> memref<625x128xf32, #tpu.memory_space<vmem_shared>>
      tpu.enqueue_dma source(%dma_start3A_120 : memref<625x128xf32, #tpu.memory_space<vmem_shared>>) target(%dma_start3A_118 : memref<625x128xf32, #tpu.memory_space<hbm>>) target_semaphore(%run_scoped3A_115 : memref<!tpu.dma_semaphore, #tpu.memory_space<semaphore_mem>>)
      %dma_wait3A_121 = arith.constant 0 : i32
      %dma_wait3A_122 = tpu.memref_slice %arg7[%arg0, %mul3A_113, %dma_wait3A_121] : memref<2x10000x128xf32, #tpu.memory_space<hbm>> -> memref<1x625x128xf32, #tpu.memory_space<hbm>>
      %dma_wait3A_123 = tpu.memref_squeeze %dma_wait3A_122 : memref<1x625x128xf32, #tpu.memory_space<hbm>> -> memref<625x128xf32, #tpu.memory_space<hbm>>
      %dma_wait3A_124 = arith.constant 0 : i32
      %dma_wait3A_125 = tpu.memref_slice %arg16[%mul3A_111, %dma_wait3A_124] : memref<10000x128xf32, #tpu.memory_space<vmem_shared>> -> memref<625x128xf32, #tpu.memory_space<vmem_shared>>
      tpu.wait_dma2 semaphore(%run_scoped3A_115 : memref<!tpu.dma_semaphore, #tpu.memory_space<semaphore_mem>>) src(%dma_wait3A_125 : memref<625x128xf32, #tpu.memory_space<vmem_shared>>) dst(%dma_wait3A_123 : memref<625x128xf32, #tpu.memory_space<hbm>>)
      tpu.yield
    }) : () -> ()
    %barrier3A_114 = arith.constant 0 : index
    tpu.barrier barrier_id(%barrier3A_114)
    return
  }
}

#map = affine_map<(d0, d1) -> (0, 0, 0, 0)>
#map1 = affine_map<(d0, d1) -> (0, 0)>
#map2 = affine_map<(d0, d1) -> (0, 0, 0)>
module attributes {stable_mosaic.version = 14 : i64} {
  func.func @_prop_kernel(%arg0: i32, %arg1: i32, %arg2: memref<2x32x80x125xi32, #tpu.memory_space<hbm>>, %arg3: memref<10000x128xf32, #tpu.memory_space<hbm>>, %arg4: memref<10000x128xf32, #tpu.memory_space<hbm>>, %arg5: memref<10000x128xf32, #tpu.memory_space<hbm>>, %arg6: memref<2x10000x128xf32, #tpu.memory_space<hbm>>, %arg7: memref<2x10000x128xf32, #tpu.memory_space<hbm>>, %arg8: memref<40x125xi32, #tpu.memory_space<vmem>>, %arg9: memref<40x125xi32, #tpu.memory_space<vmem>>, %arg10: memref<125x128xf32, #tpu.memory_space<vmem>>, %arg11: memref<125x128xf32, #tpu.memory_space<vmem>>, %arg12: memref<!tpu.dma_semaphore, #tpu.memory_space<semaphore_mem>>, %arg13: memref<!tpu.dma_semaphore, #tpu.memory_space<semaphore_mem>>, %arg14: memref<!tpu.dma_semaphore, #tpu.memory_space<semaphore_mem>>, %arg15: memref<!tpu.dma_semaphore, #tpu.memory_space<semaphore_mem>>, %arg16: memref<10000x128xf32, #tpu.memory_space<vmem_shared>>) attributes {dimension_semantics = [#tpu.dimension_semantics<core_parallel>, #tpu.dimension_semantics<subcore_parallel>], iteration_bounds = array<i64: 2, 16>, scalar_prefetch = 0 : i64, scratch_operands = 9 : i64, tpu.core_type = #tpu.core_type<sc_vector_subcore>, window_params = [{transform_indices = #map}, {transform_indices = #map1}, {transform_indices = #map1}, {transform_indices = #map1}, {transform_indices = #map2}, {transform_indices = #map2}]} {
    %mul3A = arith.constant 2 : i32
    %mul3A_0 = arith.muli %arg1, %mul3A : i32
    %add3A = arith.addi %mul3A_0, %arg0 : i32
    %eq3A = arith.constant 0 : i32
    %eq3A_1 = arith.cmpi eq, %arg0, %eq3A : i32
    %convert_element_type3A = arith.extui %eq3A_1 : i1 to i32
    %cond3A = arith.constant 0 : i32
    %cond3A_2 = arith.cmpi ne, %convert_element_type3A, %cond3A : i32
    scf.if %cond3A_2 {
      %mul3A_115 = arith.constant 625 : i32
      %mul3A_116 = arith.muli %arg1, %mul3A_115 : i32
      %mul3A_117 = arith.constant 625 : i32
      %mul3A_118 = arith.muli %arg1, %mul3A_117 : i32
      "tpu.region"() ({
        %run_scoped3A_119 = tpu.sem_alloc : memref<!tpu.dma_semaphore, #tpu.memory_space<semaphore_mem>>
        %dma_start3A_120 = arith.constant 0 : i32
        %dma_start3A_121 = tpu.memref_slice %arg16[%mul3A_118, %dma_start3A_120] : memref<10000x128xf32, #tpu.memory_space<vmem_shared>> -> memref<625x128xf32, #tpu.memory_space<vmem_shared>>
        %dma_start3A_122 = arith.constant 0 : i32
        %dma_start3A_123 = tpu.memref_slice %arg3[%mul3A_116, %dma_start3A_122] : memref<10000x128xf32, #tpu.memory_space<hbm>> -> memref<625x128xf32, #tpu.memory_space<hbm>>
        tpu.enqueue_dma source(%dma_start3A_123 : memref<625x128xf32, #tpu.memory_space<hbm>>) target(%dma_start3A_121 : memref<625x128xf32, #tpu.memory_space<vmem_shared>>) target_semaphore(%run_scoped3A_119 : memref<!tpu.dma_semaphore, #tpu.memory_space<semaphore_mem>>)
        %dma_wait3A_124 = arith.constant 0 : i32
        %dma_wait3A_125 = tpu.memref_slice %arg16[%mul3A_118, %dma_wait3A_124] : memref<10000x128xf32, #tpu.memory_space<vmem_shared>> -> memref<625x128xf32, #tpu.memory_space<vmem_shared>>
        %dma_wait3A_126 = arith.constant 0 : i32
        %dma_wait3A_127 = tpu.memref_slice %arg3[%mul3A_116, %dma_wait3A_126] : memref<10000x128xf32, #tpu.memory_space<hbm>> -> memref<625x128xf32, #tpu.memory_space<hbm>>
        tpu.wait_dma2 semaphore(%run_scoped3A_119 : memref<!tpu.dma_semaphore, #tpu.memory_space<semaphore_mem>>) src(%dma_wait3A_127 : memref<625x128xf32, #tpu.memory_space<hbm>>) dst(%dma_wait3A_125 : memref<625x128xf32, #tpu.memory_space<vmem_shared>>)
        tpu.yield
      }) : () -> ()
    } else {
    }
    %eq3A_3 = arith.constant 1 : i32
    %eq3A_4 = arith.cmpi eq, %arg0, %eq3A_3 : i32
    %convert_element_type3A_5 = arith.extui %eq3A_4 : i1 to i32
    %cond3A_6 = arith.constant 0 : i32
    %cond3A_7 = arith.cmpi ne, %convert_element_type3A_5, %cond3A_6 : i32
    scf.if %cond3A_7 {
      %mul3A_115 = arith.constant 625 : i32
      %mul3A_116 = arith.muli %arg1, %mul3A_115 : i32
      %mul3A_117 = arith.constant 625 : i32
      %mul3A_118 = arith.muli %arg1, %mul3A_117 : i32
      "tpu.region"() ({
        %run_scoped3A_119 = tpu.sem_alloc : memref<!tpu.dma_semaphore, #tpu.memory_space<semaphore_mem>>
        %dma_start3A_120 = arith.constant 0 : i32
        %dma_start3A_121 = tpu.memref_slice %arg16[%mul3A_118, %dma_start3A_120] : memref<10000x128xf32, #tpu.memory_space<vmem_shared>> -> memref<625x128xf32, #tpu.memory_space<vmem_shared>>
        %dma_start3A_122 = arith.constant 0 : i32
        %dma_start3A_123 = tpu.memref_slice %arg5[%mul3A_116, %dma_start3A_122] : memref<10000x128xf32, #tpu.memory_space<hbm>> -> memref<625x128xf32, #tpu.memory_space<hbm>>
        tpu.enqueue_dma source(%dma_start3A_123 : memref<625x128xf32, #tpu.memory_space<hbm>>) target(%dma_start3A_121 : memref<625x128xf32, #tpu.memory_space<vmem_shared>>) target_semaphore(%run_scoped3A_119 : memref<!tpu.dma_semaphore, #tpu.memory_space<semaphore_mem>>)
        %dma_wait3A_124 = arith.constant 0 : i32
        %dma_wait3A_125 = tpu.memref_slice %arg16[%mul3A_118, %dma_wait3A_124] : memref<10000x128xf32, #tpu.memory_space<vmem_shared>> -> memref<625x128xf32, #tpu.memory_space<vmem_shared>>
        %dma_wait3A_126 = arith.constant 0 : i32
        %dma_wait3A_127 = tpu.memref_slice %arg5[%mul3A_116, %dma_wait3A_126] : memref<10000x128xf32, #tpu.memory_space<hbm>> -> memref<625x128xf32, #tpu.memory_space<hbm>>
        tpu.wait_dma2 semaphore(%run_scoped3A_119 : memref<!tpu.dma_semaphore, #tpu.memory_space<semaphore_mem>>) src(%dma_wait3A_127 : memref<625x128xf32, #tpu.memory_space<hbm>>) dst(%dma_wait3A_125 : memref<625x128xf32, #tpu.memory_space<vmem_shared>>)
        tpu.yield
      }) : () -> ()
    } else {
    }
    %barrier3A = arith.constant 0 : index
    tpu.barrier barrier_id(%barrier3A)
    %run_scoped3A = arith.constant 0 : i32
    "tpu.region"() ({
      %run_scoped3A_115 = tpu.sem_alloc : memref<!tpu.dma_semaphore, #tpu.memory_space<semaphore_mem>>
      %dma_start3A_116 = arith.constant 0 : i32
      %dma_start3A_117 = arith.constant 0 : i32
      %dma_start3A_118 = tpu.memref_slice %arg2[%run_scoped3A, %add3A, %dma_start3A_116, %dma_start3A_117] : memref<2x32x80x125xi32, #tpu.memory_space<hbm>> -> memref<1x1x40x125xi32, #tpu.memory_space<hbm>>
      %dma_start3A_119 = tpu.memref_squeeze %dma_start3A_118 : memref<1x1x40x125xi32, #tpu.memory_space<hbm>> -> memref<40x125xi32, #tpu.memory_space<hbm>>
      %dma_start3A_120 = arith.constant 0 : i32
      %dma_start3A_121 = arith.constant 0 : i32
      %dma_start3A_122 = tpu.memref_slice %arg2[%run_scoped3A, %add3A, %dma_start3A_120, %dma_start3A_121] : memref<2x32x80x125xi32, #tpu.memory_space<hbm>> -> memref<1x1x40x125xi32, #tpu.memory_space<hbm>>
      %dma_start3A_123 = tpu.memref_squeeze %dma_start3A_122 : memref<1x1x40x125xi32, #tpu.memory_space<hbm>> -> memref<40x125xi32, #tpu.memory_space<hbm>>
      tpu.enqueue_dma source(%dma_start3A_123 : memref<40x125xi32, #tpu.memory_space<hbm>>) target(%arg8 : memref<40x125xi32, #tpu.memory_space<vmem>>) target_semaphore(%run_scoped3A_115 : memref<!tpu.dma_semaphore, #tpu.memory_space<semaphore_mem>>)
      %dma_wait3A_124 = arith.constant 0 : i32
      %dma_wait3A_125 = arith.constant 0 : i32
      %dma_wait3A_126 = tpu.memref_slice %arg2[%run_scoped3A, %add3A, %dma_wait3A_124, %dma_wait3A_125] : memref<2x32x80x125xi32, #tpu.memory_space<hbm>> -> memref<1x1x40x125xi32, #tpu.memory_space<hbm>>
      %dma_wait3A_127 = tpu.memref_squeeze %dma_wait3A_126 : memref<1x1x40x125xi32, #tpu.memory_space<hbm>> -> memref<40x125xi32, #tpu.memory_space<hbm>>
      %dma_wait3A_128 = arith.constant 0 : i32
      %dma_wait3A_129 = arith.constant 0 : i32
      %dma_wait3A_130 = tpu.memref_slice %arg2[%run_scoped3A, %add3A, %dma_wait3A_128, %dma_wait3A_129] : memref<2x32x80x125xi32, #tpu.memory_space<hbm>> -> memref<1x1x40x125xi32, #tpu.memory_space<hbm>>
      %dma_wait3A_131 = tpu.memref_squeeze %dma_wait3A_130 : memref<1x1x40x125xi32, #tpu.memory_space<hbm>> -> memref<40x125xi32, #tpu.memory_space<hbm>>
      tpu.wait_dma2 semaphore(%run_scoped3A_115 : memref<!tpu.dma_semaphore, #tpu.memory_space<semaphore_mem>>) src(%dma_wait3A_131 : memref<40x125xi32, #tpu.memory_space<hbm>>) dst(%arg8 : memref<40x125xi32, #tpu.memory_space<vmem>>)
      tpu.yield
    }) : () -> ()
    %run_scoped3A_8 = arith.constant 1 : i32
    "tpu.region"() ({
      %run_scoped3A_115 = tpu.sem_alloc : memref<!tpu.dma_semaphore, #tpu.memory_space<semaphore_mem>>
      %dma_start3A_116 = arith.constant 0 : i32
      %dma_start3A_117 = arith.constant 0 : i32
      %dma_start3A_118 = tpu.memref_slice %arg2[%run_scoped3A_8, %add3A, %dma_start3A_116, %dma_start3A_117] : memref<2x32x80x125xi32, #tpu.memory_space<hbm>> -> memref<1x1x40x125xi32, #tpu.memory_space<hbm>>
      %dma_start3A_119 = tpu.memref_squeeze %dma_start3A_118 : memref<1x1x40x125xi32, #tpu.memory_space<hbm>> -> memref<40x125xi32, #tpu.memory_space<hbm>>
      %dma_start3A_120 = arith.constant 0 : i32
      %dma_start3A_121 = arith.constant 0 : i32
      %dma_start3A_122 = tpu.memref_slice %arg2[%run_scoped3A_8, %add3A, %dma_start3A_120, %dma_start3A_121] : memref<2x32x80x125xi32, #tpu.memory_space<hbm>> -> memref<1x1x40x125xi32, #tpu.memory_space<hbm>>
      %dma_start3A_123 = tpu.memref_squeeze %dma_start3A_122 : memref<1x1x40x125xi32, #tpu.memory_space<hbm>> -> memref<40x125xi32, #tpu.memory_space<hbm>>
      tpu.enqueue_dma source(%dma_start3A_123 : memref<40x125xi32, #tpu.memory_space<hbm>>) target(%arg9 : memref<40x125xi32, #tpu.memory_space<vmem>>) target_semaphore(%run_scoped3A_115 : memref<!tpu.dma_semaphore, #tpu.memory_space<semaphore_mem>>)
      %dma_wait3A_124 = arith.constant 0 : i32
      %dma_wait3A_125 = arith.constant 0 : i32
      %dma_wait3A_126 = tpu.memref_slice %arg2[%run_scoped3A_8, %add3A, %dma_wait3A_124, %dma_wait3A_125] : memref<2x32x80x125xi32, #tpu.memory_space<hbm>> -> memref<1x1x40x125xi32, #tpu.memory_space<hbm>>
      %dma_wait3A_127 = tpu.memref_squeeze %dma_wait3A_126 : memref<1x1x40x125xi32, #tpu.memory_space<hbm>> -> memref<40x125xi32, #tpu.memory_space<hbm>>
      %dma_wait3A_128 = arith.constant 0 : i32
      %dma_wait3A_129 = arith.constant 0 : i32
      %dma_wait3A_130 = tpu.memref_slice %arg2[%run_scoped3A_8, %add3A, %dma_wait3A_128, %dma_wait3A_129] : memref<2x32x80x125xi32, #tpu.memory_space<hbm>> -> memref<1x1x40x125xi32, #tpu.memory_space<hbm>>
      %dma_wait3A_131 = tpu.memref_squeeze %dma_wait3A_130 : memref<1x1x40x125xi32, #tpu.memory_space<hbm>> -> memref<40x125xi32, #tpu.memory_space<hbm>>
      tpu.wait_dma2 semaphore(%run_scoped3A_115 : memref<!tpu.dma_semaphore, #tpu.memory_space<semaphore_mem>>) src(%dma_wait3A_131 : memref<40x125xi32, #tpu.memory_space<hbm>>) dst(%arg9 : memref<40x125xi32, #tpu.memory_space<vmem>>)
      tpu.yield
    }) : () -> ()
    %dma_start3A = arith.constant 0 : i32
    %dma_start3A_9 = arith.constant 0 : i32
    %dma_start3A_10 = tpu.memref_slice %arg8[%dma_start3A, %dma_start3A_9] : memref<40x125xi32, #tpu.memory_space<vmem>> -> memref<1x125xi32, #tpu.memory_space<vmem>>
    %dma_start3A_11 = tpu.memref_squeeze %dma_start3A_10 : memref<1x125xi32, #tpu.memory_space<vmem>> -> memref<125xi32, #tpu.memory_space<vmem>>
    %dma_start3A_12 = arith.constant 0 : i32
    %dma_start3A_13 = arith.constant 0 : i32
    %dma_start3A_14 = tpu.memref_slice %arg3[%dma_start3A_12, %dma_start3A_13] : memref<10000x128xf32, #tpu.memory_space<hbm>> -> memref<10000x128xf32, #tpu.memory_space<hbm>>
    tpu.enqueue_indirect_dma source(%dma_start3A_14 : memref<10000x128xf32, #tpu.memory_space<hbm>>) target(%arg10 : memref<125x128xf32, #tpu.memory_space<vmem>>) offsets(%dma_start3A_11 : memref<125xi32, #tpu.memory_space<vmem>>) semaphore(%arg12 : memref<!tpu.dma_semaphore, #tpu.memory_space<semaphore_mem>>)
    %scan3A = arith.constant 0 : i32
    %scan3A_15 = arith.constant 0 : i32
    %scan3A_16 = arith.constant 20 : i32
    %scan3A_17 = arith.addi %scan3A_15, %scan3A_16 : i32
    %scan3A_18 = arith.constant 1 : i32
    scf.for %scan3A_115 = %scan3A_15 to %scan3A_17 step %scan3A_18  : i32 {
      %mul3A_116 = arith.constant 2 : i32
      %mul3A_117 = arith.muli %mul3A_116, %scan3A_115 : i32
      %add3A_118 = arith.constant 1 : i32
      %add3A_119 = arith.addi %mul3A_117, %add3A_118 : i32
      %dma_wait3A_120 = arith.constant 0 : i32
      %dma_wait3A_121 = tpu.memref_slice %arg8[%mul3A_117, %dma_wait3A_120] : memref<40x125xi32, #tpu.memory_space<vmem>> -> memref<1x125xi32, #tpu.memory_space<vmem>>
      %dma_wait3A_122 = tpu.memref_squeeze %dma_wait3A_121 : memref<1x125xi32, #tpu.memory_space<vmem>> -> memref<125xi32, #tpu.memory_space<vmem>>
      %dma_wait3A_123 = arith.constant 0 : i32
      %dma_wait3A_124 = arith.constant 0 : i32
      %dma_wait3A_125 = tpu.memref_slice %arg3[%dma_wait3A_123, %dma_wait3A_124] : memref<10000x128xf32, #tpu.memory_space<hbm>> -> memref<10000x128xf32, #tpu.memory_space<hbm>>
      tpu.wait_indirect_dma semaphore(%arg12 : memref<!tpu.dma_semaphore, #tpu.memory_space<semaphore_mem>>) src(%dma_wait3A_125 : memref<10000x128xf32, #tpu.memory_space<hbm>>) dst(%arg10 : memref<125x128xf32, #tpu.memory_space<vmem>>)
      %dma_start3A_126 = arith.constant 0 : i32
      %dma_start3A_127 = tpu.memref_slice %arg9[%mul3A_117, %dma_start3A_126] : memref<40x125xi32, #tpu.memory_space<vmem>> -> memref<1x125xi32, #tpu.memory_space<vmem>>
      %dma_start3A_128 = tpu.memref_squeeze %dma_start3A_127 : memref<1x125xi32, #tpu.memory_space<vmem>> -> memref<125xi32, #tpu.memory_space<vmem>>
      %dma_start3A_129 = arith.constant 0 : i32
      %dma_start3A_130 = arith.constant 0 : i32
      %dma_start3A_131 = tpu.memref_slice %arg16[%dma_start3A_129, %dma_start3A_130] : memref<10000x128xf32, #tpu.memory_space<vmem_shared>> -> memref<10000x128xf32, #tpu.memory_space<vmem_shared>>
      tpu.enqueue_indirect_dma source(%arg10 : memref<125x128xf32, #tpu.memory_space<vmem>>) target(%dma_start3A_131 : memref<10000x128xf32, #tpu.memory_space<vmem_shared>>) offsets(%dma_start3A_128 : memref<125xi32, #tpu.memory_space<vmem>>) semaphore(%arg14 : memref<!tpu.dma_semaphore, #tpu.memory_space<semaphore_mem>>) {add = true}
      %gt3A = arith.constant 0 : i32
      %gt3A_132 = arith.cmpi sgt, %scan3A_115, %gt3A : i32
      %convert_element_type3A_133 = arith.extui %gt3A_132 : i1 to i32
      %cond3A_134 = arith.constant 0 : i32
      %cond3A_135 = arith.cmpi ne, %convert_element_type3A_133, %cond3A_134 : i32
      scf.if %cond3A_135 {
        %dma_wait3A_165 = arith.constant 0 : i32
        %dma_wait3A_166 = arith.constant 0 : i32
        %dma_wait3A_167 = tpu.memref_slice %arg9[%dma_wait3A_165, %dma_wait3A_166] : memref<40x125xi32, #tpu.memory_space<vmem>> -> memref<1x125xi32, #tpu.memory_space<vmem>>
        %dma_wait3A_168 = tpu.memref_squeeze %dma_wait3A_167 : memref<1x125xi32, #tpu.memory_space<vmem>> -> memref<125xi32, #tpu.memory_space<vmem>>
        %dma_wait3A_169 = arith.constant 0 : i32
        %dma_wait3A_170 = arith.constant 0 : i32
        %dma_wait3A_171 = tpu.memref_slice %arg16[%dma_wait3A_169, %dma_wait3A_170] : memref<10000x128xf32, #tpu.memory_space<vmem_shared>> -> memref<10000x128xf32, #tpu.memory_space<vmem_shared>>
        tpu.wait_indirect_dma semaphore(%arg15 : memref<!tpu.dma_semaphore, #tpu.memory_space<semaphore_mem>>) src(%arg11 : memref<125x128xf32, #tpu.memory_space<vmem>>) dst(%dma_wait3A_171 : memref<10000x128xf32, #tpu.memory_space<vmem_shared>>)
      } else {
      }
      %dma_start3A_136 = arith.constant 0 : i32
      %dma_start3A_137 = tpu.memref_slice %arg8[%add3A_119, %dma_start3A_136] : memref<40x125xi32, #tpu.memory_space<vmem>> -> memref<1x125xi32, #tpu.memory_space<vmem>>
      %dma_start3A_138 = tpu.memref_squeeze %dma_start3A_137 : memref<1x125xi32, #tpu.memory_space<vmem>> -> memref<125xi32, #tpu.memory_space<vmem>>
      %dma_start3A_139 = arith.constant 0 : i32
      %dma_start3A_140 = arith.constant 0 : i32
      %dma_start3A_141 = tpu.memref_slice %arg3[%dma_start3A_139, %dma_start3A_140] : memref<10000x128xf32, #tpu.memory_space<hbm>> -> memref<10000x128xf32, #tpu.memory_space<hbm>>
      tpu.enqueue_indirect_dma source(%dma_start3A_141 : memref<10000x128xf32, #tpu.memory_space<hbm>>) target(%arg11 : memref<125x128xf32, #tpu.memory_space<vmem>>) offsets(%dma_start3A_138 : memref<125xi32, #tpu.memory_space<vmem>>) semaphore(%arg13 : memref<!tpu.dma_semaphore, #tpu.memory_space<semaphore_mem>>)
      %dma_wait3A_142 = arith.constant 0 : i32
      %dma_wait3A_143 = tpu.memref_slice %arg8[%add3A_119, %dma_wait3A_142] : memref<40x125xi32, #tpu.memory_space<vmem>> -> memref<1x125xi32, #tpu.memory_space<vmem>>
      %dma_wait3A_144 = tpu.memref_squeeze %dma_wait3A_143 : memref<1x125xi32, #tpu.memory_space<vmem>> -> memref<125xi32, #tpu.memory_space<vmem>>
      %dma_wait3A_145 = arith.constant 0 : i32
      %dma_wait3A_146 = arith.constant 0 : i32
      %dma_wait3A_147 = tpu.memref_slice %arg3[%dma_wait3A_145, %dma_wait3A_146] : memref<10000x128xf32, #tpu.memory_space<hbm>> -> memref<10000x128xf32, #tpu.memory_space<hbm>>
      tpu.wait_indirect_dma semaphore(%arg13 : memref<!tpu.dma_semaphore, #tpu.memory_space<semaphore_mem>>) src(%dma_wait3A_147 : memref<10000x128xf32, #tpu.memory_space<hbm>>) dst(%arg11 : memref<125x128xf32, #tpu.memory_space<vmem>>)
      %dma_start3A_148 = arith.constant 0 : i32
      %dma_start3A_149 = tpu.memref_slice %arg9[%add3A_119, %dma_start3A_148] : memref<40x125xi32, #tpu.memory_space<vmem>> -> memref<1x125xi32, #tpu.memory_space<vmem>>
      %dma_start3A_150 = tpu.memref_squeeze %dma_start3A_149 : memref<1x125xi32, #tpu.memory_space<vmem>> -> memref<125xi32, #tpu.memory_space<vmem>>
      %dma_start3A_151 = arith.constant 0 : i32
      %dma_start3A_152 = arith.constant 0 : i32
      %dma_start3A_153 = tpu.memref_slice %arg16[%dma_start3A_151, %dma_start3A_152] : memref<10000x128xf32, #tpu.memory_space<vmem_shared>> -> memref<10000x128xf32, #tpu.memory_space<vmem_shared>>
      tpu.enqueue_indirect_dma source(%arg11 : memref<125x128xf32, #tpu.memory_space<vmem>>) target(%dma_start3A_153 : memref<10000x128xf32, #tpu.memory_space<vmem_shared>>) offsets(%dma_start3A_150 : memref<125xi32, #tpu.memory_space<vmem>>) semaphore(%arg15 : memref<!tpu.dma_semaphore, #tpu.memory_space<semaphore_mem>>) {add = true}
      %dma_wait3A_154 = arith.constant 0 : i32
      %dma_wait3A_155 = arith.constant 0 : i32
      %dma_wait3A_156 = tpu.memref_slice %arg9[%dma_wait3A_154, %dma_wait3A_155] : memref<40x125xi32, #tpu.memory_space<vmem>> -> memref<1x125xi32, #tpu.memory_space<vmem>>
      %dma_wait3A_157 = tpu.memref_squeeze %dma_wait3A_156 : memref<1x125xi32, #tpu.memory_space<vmem>> -> memref<125xi32, #tpu.memory_space<vmem>>
      %dma_wait3A_158 = arith.constant 0 : i32
      %dma_wait3A_159 = arith.constant 0 : i32
      %dma_wait3A_160 = tpu.memref_slice %arg16[%dma_wait3A_158, %dma_wait3A_159] : memref<10000x128xf32, #tpu.memory_space<vmem_shared>> -> memref<10000x128xf32, #tpu.memory_space<vmem_shared>>
      tpu.wait_indirect_dma semaphore(%arg14 : memref<!tpu.dma_semaphore, #tpu.memory_space<semaphore_mem>>) src(%arg10 : memref<125x128xf32, #tpu.memory_space<vmem>>) dst(%dma_wait3A_160 : memref<10000x128xf32, #tpu.memory_space<vmem_shared>>)
      %lt3A = arith.constant 19 : i32
      %lt3A_161 = arith.cmpi slt, %scan3A_115, %lt3A : i32
      %convert_element_type3A_162 = arith.extui %lt3A_161 : i1 to i32
      %cond3A_163 = arith.constant 0 : i32
      %cond3A_164 = arith.cmpi ne, %convert_element_type3A_162, %cond3A_163 : i32
      scf.if %cond3A_164 {
        %add3A_165 = arith.constant 2 : i32
        %add3A_166 = arith.addi %mul3A_117, %add3A_165 : i32
        %dma_start3A_167 = arith.constant 0 : i32
        %dma_start3A_168 = tpu.memref_slice %arg8[%add3A_166, %dma_start3A_167] : memref<40x125xi32, #tpu.memory_space<vmem>> -> memref<1x125xi32, #tpu.memory_space<vmem>>
        %dma_start3A_169 = tpu.memref_squeeze %dma_start3A_168 : memref<1x125xi32, #tpu.memory_space<vmem>> -> memref<125xi32, #tpu.memory_space<vmem>>
        %dma_start3A_170 = arith.constant 0 : i32
        %dma_start3A_171 = arith.constant 0 : i32
        %dma_start3A_172 = tpu.memref_slice %arg3[%dma_start3A_170, %dma_start3A_171] : memref<10000x128xf32, #tpu.memory_space<hbm>> -> memref<10000x128xf32, #tpu.memory_space<hbm>>
        tpu.enqueue_indirect_dma source(%dma_start3A_172 : memref<10000x128xf32, #tpu.memory_space<hbm>>) target(%arg10 : memref<125x128xf32, #tpu.memory_space<vmem>>) offsets(%dma_start3A_169 : memref<125xi32, #tpu.memory_space<vmem>>) semaphore(%arg12 : memref<!tpu.dma_semaphore, #tpu.memory_space<semaphore_mem>>)
      } else {
      }
    }
    %scan3A_19 = arith.constant 20 : i32
    %dma_wait3A = arith.constant 0 : i32
    %dma_wait3A_20 = arith.constant 0 : i32
    %dma_wait3A_21 = tpu.memref_slice %arg9[%dma_wait3A, %dma_wait3A_20] : memref<40x125xi32, #tpu.memory_space<vmem>> -> memref<1x125xi32, #tpu.memory_space<vmem>>
    %dma_wait3A_22 = tpu.memref_squeeze %dma_wait3A_21 : memref<1x125xi32, #tpu.memory_space<vmem>> -> memref<125xi32, #tpu.memory_space<vmem>>
    %dma_wait3A_23 = arith.constant 0 : i32
    %dma_wait3A_24 = arith.constant 0 : i32
    %dma_wait3A_25 = tpu.memref_slice %arg16[%dma_wait3A_23, %dma_wait3A_24] : memref<10000x128xf32, #tpu.memory_space<vmem_shared>> -> memref<10000x128xf32, #tpu.memory_space<vmem_shared>>
    tpu.wait_indirect_dma semaphore(%arg15 : memref<!tpu.dma_semaphore, #tpu.memory_space<semaphore_mem>>) src(%arg11 : memref<125x128xf32, #tpu.memory_space<vmem>>) dst(%dma_wait3A_25 : memref<10000x128xf32, #tpu.memory_space<vmem_shared>>)
    %run_scoped3A_26 = arith.constant 0 : i32
    "tpu.region"() ({
      %run_scoped3A_115 = tpu.sem_alloc : memref<!tpu.dma_semaphore, #tpu.memory_space<semaphore_mem>>
      %dma_start3A_116 = arith.constant 40 : i32
      %dma_start3A_117 = arith.constant 0 : i32
      %dma_start3A_118 = tpu.memref_slice %arg2[%run_scoped3A_26, %add3A, %dma_start3A_116, %dma_start3A_117] : memref<2x32x80x125xi32, #tpu.memory_space<hbm>> -> memref<1x1x40x125xi32, #tpu.memory_space<hbm>>
      %dma_start3A_119 = tpu.memref_squeeze %dma_start3A_118 : memref<1x1x40x125xi32, #tpu.memory_space<hbm>> -> memref<40x125xi32, #tpu.memory_space<hbm>>
      %dma_start3A_120 = arith.constant 40 : i32
      %dma_start3A_121 = arith.constant 0 : i32
      %dma_start3A_122 = tpu.memref_slice %arg2[%run_scoped3A_26, %add3A, %dma_start3A_120, %dma_start3A_121] : memref<2x32x80x125xi32, #tpu.memory_space<hbm>> -> memref<1x1x40x125xi32, #tpu.memory_space<hbm>>
      %dma_start3A_123 = tpu.memref_squeeze %dma_start3A_122 : memref<1x1x40x125xi32, #tpu.memory_space<hbm>> -> memref<40x125xi32, #tpu.memory_space<hbm>>
      tpu.enqueue_dma source(%dma_start3A_123 : memref<40x125xi32, #tpu.memory_space<hbm>>) target(%arg8 : memref<40x125xi32, #tpu.memory_space<vmem>>) target_semaphore(%run_scoped3A_115 : memref<!tpu.dma_semaphore, #tpu.memory_space<semaphore_mem>>)
      %dma_wait3A_124 = arith.constant 40 : i32
      %dma_wait3A_125 = arith.constant 0 : i32
      %dma_wait3A_126 = tpu.memref_slice %arg2[%run_scoped3A_26, %add3A, %dma_wait3A_124, %dma_wait3A_125] : memref<2x32x80x125xi32, #tpu.memory_space<hbm>> -> memref<1x1x40x125xi32, #tpu.memory_space<hbm>>
      %dma_wait3A_127 = tpu.memref_squeeze %dma_wait3A_126 : memref<1x1x40x125xi32, #tpu.memory_space<hbm>> -> memref<40x125xi32, #tpu.memory_space<hbm>>
      %dma_wait3A_128 = arith.constant 40 : i32
      %dma_wait3A_129 = arith.constant 0 : i32
      %dma_wait3A_130 = tpu.memref_slice %arg2[%run_scoped3A_26, %add3A, %dma_wait3A_128, %dma_wait3A_129] : memref<2x32x80x125xi32, #tpu.memory_space<hbm>> -> memref<1x1x40x125xi32, #tpu.memory_space<hbm>>
      %dma_wait3A_131 = tpu.memref_squeeze %dma_wait3A_130 : memref<1x1x40x125xi32, #tpu.memory_space<hbm>> -> memref<40x125xi32, #tpu.memory_space<hbm>>
      tpu.wait_dma2 semaphore(%run_scoped3A_115 : memref<!tpu.dma_semaphore, #tpu.memory_space<semaphore_mem>>) src(%dma_wait3A_131 : memref<40x125xi32, #tpu.memory_space<hbm>>) dst(%arg8 : memref<40x125xi32, #tpu.memory_space<vmem>>)
      tpu.yield
    }) : () -> ()
    %run_scoped3A_27 = arith.constant 1 : i32
    "tpu.region"() ({
      %run_scoped3A_115 = tpu.sem_alloc : memref<!tpu.dma_semaphore, #tpu.memory_space<semaphore_mem>>
      %dma_start3A_116 = arith.constant 40 : i32
      %dma_start3A_117 = arith.constant 0 : i32
      %dma_start3A_118 = tpu.memref_slice %arg2[%run_scoped3A_27, %add3A, %dma_start3A_116, %dma_start3A_117] : memref<2x32x80x125xi32, #tpu.memory_space<hbm>> -> memref<1x1x40x125xi32, #tpu.memory_space<hbm>>
      %dma_start3A_119 = tpu.memref_squeeze %dma_start3A_118 : memref<1x1x40x125xi32, #tpu.memory_space<hbm>> -> memref<40x125xi32, #tpu.memory_space<hbm>>
      %dma_start3A_120 = arith.constant 40 : i32
      %dma_start3A_121 = arith.constant 0 : i32
      %dma_start3A_122 = tpu.memref_slice %arg2[%run_scoped3A_27, %add3A, %dma_start3A_120, %dma_start3A_121] : memref<2x32x80x125xi32, #tpu.memory_space<hbm>> -> memref<1x1x40x125xi32, #tpu.memory_space<hbm>>
      %dma_start3A_123 = tpu.memref_squeeze %dma_start3A_122 : memref<1x1x40x125xi32, #tpu.memory_space<hbm>> -> memref<40x125xi32, #tpu.memory_space<hbm>>
      tpu.enqueue_dma source(%dma_start3A_123 : memref<40x125xi32, #tpu.memory_space<hbm>>) target(%arg9 : memref<40x125xi32, #tpu.memory_space<vmem>>) target_semaphore(%run_scoped3A_115 : memref<!tpu.dma_semaphore, #tpu.memory_space<semaphore_mem>>)
      %dma_wait3A_124 = arith.constant 40 : i32
      %dma_wait3A_125 = arith.constant 0 : i32
      %dma_wait3A_126 = tpu.memref_slice %arg2[%run_scoped3A_27, %add3A, %dma_wait3A_124, %dma_wait3A_125] : memref<2x32x80x125xi32, #tpu.memory_space<hbm>> -> memref<1x1x40x125xi32, #tpu.memory_space<hbm>>
      %dma_wait3A_127 = tpu.memref_squeeze %dma_wait3A_126 : memref<1x1x40x125xi32, #tpu.memory_space<hbm>> -> memref<40x125xi32, #tpu.memory_space<hbm>>
      %dma_wait3A_128 = arith.constant 40 : i32
      %dma_wait3A_129 = arith.constant 0 : i32
      %dma_wait3A_130 = tpu.memref_slice %arg2[%run_scoped3A_27, %add3A, %dma_wait3A_128, %dma_wait3A_129] : memref<2x32x80x125xi32, #tpu.memory_space<hbm>> -> memref<1x1x40x125xi32, #tpu.memory_space<hbm>>
      %dma_wait3A_131 = tpu.memref_squeeze %dma_wait3A_130 : memref<1x1x40x125xi32, #tpu.memory_space<hbm>> -> memref<40x125xi32, #tpu.memory_space<hbm>>
      tpu.wait_dma2 semaphore(%run_scoped3A_115 : memref<!tpu.dma_semaphore, #tpu.memory_space<semaphore_mem>>) src(%dma_wait3A_131 : memref<40x125xi32, #tpu.memory_space<hbm>>) dst(%arg9 : memref<40x125xi32, #tpu.memory_space<vmem>>)
      tpu.yield
    }) : () -> ()
    %dma_start3A_28 = arith.constant 0 : i32
    %dma_start3A_29 = arith.constant 0 : i32
    %dma_start3A_30 = tpu.memref_slice %arg8[%dma_start3A_28, %dma_start3A_29] : memref<40x125xi32, #tpu.memory_space<vmem>> -> memref<1x125xi32, #tpu.memory_space<vmem>>
    %dma_start3A_31 = tpu.memref_squeeze %dma_start3A_30 : memref<1x125xi32, #tpu.memory_space<vmem>> -> memref<125xi32, #tpu.memory_space<vmem>>
    %dma_start3A_32 = arith.constant 0 : i32
    %dma_start3A_33 = arith.constant 0 : i32
    %dma_start3A_34 = tpu.memref_slice %arg3[%dma_start3A_32, %dma_start3A_33] : memref<10000x128xf32, #tpu.memory_space<hbm>> -> memref<10000x128xf32, #tpu.memory_space<hbm>>
    tpu.enqueue_indirect_dma source(%dma_start3A_34 : memref<10000x128xf32, #tpu.memory_space<hbm>>) target(%arg10 : memref<125x128xf32, #tpu.memory_space<vmem>>) offsets(%dma_start3A_31 : memref<125xi32, #tpu.memory_space<vmem>>) semaphore(%arg12 : memref<!tpu.dma_semaphore, #tpu.memory_space<semaphore_mem>>)
    %scan3A_35 = arith.constant 0 : i32
    %scan3A_36 = arith.constant 0 : i32
    %scan3A_37 = arith.constant 20 : i32
    %scan3A_38 = arith.addi %scan3A_36, %scan3A_37 : i32
    %scan3A_39 = arith.constant 1 : i32
    scf.for %scan3A_115 = %scan3A_36 to %scan3A_38 step %scan3A_39  : i32 {
      %mul3A_116 = arith.constant 2 : i32
      %mul3A_117 = arith.muli %mul3A_116, %scan3A_115 : i32
      %add3A_118 = arith.constant 1 : i32
      %add3A_119 = arith.addi %mul3A_117, %add3A_118 : i32
      %dma_wait3A_120 = arith.constant 0 : i32
      %dma_wait3A_121 = tpu.memref_slice %arg8[%mul3A_117, %dma_wait3A_120] : memref<40x125xi32, #tpu.memory_space<vmem>> -> memref<1x125xi32, #tpu.memory_space<vmem>>
      %dma_wait3A_122 = tpu.memref_squeeze %dma_wait3A_121 : memref<1x125xi32, #tpu.memory_space<vmem>> -> memref<125xi32, #tpu.memory_space<vmem>>
      %dma_wait3A_123 = arith.constant 0 : i32
      %dma_wait3A_124 = arith.constant 0 : i32
      %dma_wait3A_125 = tpu.memref_slice %arg3[%dma_wait3A_123, %dma_wait3A_124] : memref<10000x128xf32, #tpu.memory_space<hbm>> -> memref<10000x128xf32, #tpu.memory_space<hbm>>
      tpu.wait_indirect_dma semaphore(%arg12 : memref<!tpu.dma_semaphore, #tpu.memory_space<semaphore_mem>>) src(%dma_wait3A_125 : memref<10000x128xf32, #tpu.memory_space<hbm>>) dst(%arg10 : memref<125x128xf32, #tpu.memory_space<vmem>>)
      %dma_start3A_126 = arith.constant 0 : i32
      %dma_start3A_127 = tpu.memref_slice %arg9[%mul3A_117, %dma_start3A_126] : memref<40x125xi32, #tpu.memory_space<vmem>> -> memref<1x125xi32, #tpu.memory_space<vmem>>
      %dma_start3A_128 = tpu.memref_squeeze %dma_start3A_127 : memref<1x125xi32, #tpu.memory_space<vmem>> -> memref<125xi32, #tpu.memory_space<vmem>>
      %dma_start3A_129 = arith.constant 0 : i32
      %dma_start3A_130 = arith.constant 0 : i32
      %dma_start3A_131 = tpu.memref_slice %arg16[%dma_start3A_129, %dma_start3A_130] : memref<10000x128xf32, #tpu.memory_space<vmem_shared>> -> memref<10000x128xf32, #tpu.memory_space<vmem_shared>>
      tpu.enqueue_indirect_dma source(%arg10 : memref<125x128xf32, #tpu.memory_space<vmem>>) target(%dma_start3A_131 : memref<10000x128xf32, #tpu.memory_space<vmem_shared>>) offsets(%dma_start3A_128 : memref<125xi32, #tpu.memory_space<vmem>>) semaphore(%arg14 : memref<!tpu.dma_semaphore, #tpu.memory_space<semaphore_mem>>) {add = true}
      %gt3A = arith.constant 0 : i32
      %gt3A_132 = arith.cmpi sgt, %scan3A_115, %gt3A : i32
      %convert_element_type3A_133 = arith.extui %gt3A_132 : i1 to i32
      %cond3A_134 = arith.constant 0 : i32
      %cond3A_135 = arith.cmpi ne, %convert_element_type3A_133, %cond3A_134 : i32
      scf.if %cond3A_135 {
        %dma_wait3A_165 = arith.constant 0 : i32
        %dma_wait3A_166 = arith.constant 0 : i32
        %dma_wait3A_167 = tpu.memref_slice %arg9[%dma_wait3A_165, %dma_wait3A_166] : memref<40x125xi32, #tpu.memory_space<vmem>> -> memref<1x125xi32, #tpu.memory_space<vmem>>
        %dma_wait3A_168 = tpu.memref_squeeze %dma_wait3A_167 : memref<1x125xi32, #tpu.memory_space<vmem>> -> memref<125xi32, #tpu.memory_space<vmem>>
        %dma_wait3A_169 = arith.constant 0 : i32
        %dma_wait3A_170 = arith.constant 0 : i32
        %dma_wait3A_171 = tpu.memref_slice %arg16[%dma_wait3A_169, %dma_wait3A_170] : memref<10000x128xf32, #tpu.memory_space<vmem_shared>> -> memref<10000x128xf32, #tpu.memory_space<vmem_shared>>
        tpu.wait_indirect_dma semaphore(%arg15 : memref<!tpu.dma_semaphore, #tpu.memory_space<semaphore_mem>>) src(%arg11 : memref<125x128xf32, #tpu.memory_space<vmem>>) dst(%dma_wait3A_171 : memref<10000x128xf32, #tpu.memory_space<vmem_shared>>)
      } else {
      }
      %dma_start3A_136 = arith.constant 0 : i32
      %dma_start3A_137 = tpu.memref_slice %arg8[%add3A_119, %dma_start3A_136] : memref<40x125xi32, #tpu.memory_space<vmem>> -> memref<1x125xi32, #tpu.memory_space<vmem>>
      %dma_start3A_138 = tpu.memref_squeeze %dma_start3A_137 : memref<1x125xi32, #tpu.memory_space<vmem>> -> memref<125xi32, #tpu.memory_space<vmem>>
      %dma_start3A_139 = arith.constant 0 : i32
      %dma_start3A_140 = arith.constant 0 : i32
      %dma_start3A_141 = tpu.memref_slice %arg3[%dma_start3A_139, %dma_start3A_140] : memref<10000x128xf32, #tpu.memory_space<hbm>> -> memref<10000x128xf32, #tpu.memory_space<hbm>>
      tpu.enqueue_indirect_dma source(%dma_start3A_141 : memref<10000x128xf32, #tpu.memory_space<hbm>>) target(%arg11 : memref<125x128xf32, #tpu.memory_space<vmem>>) offsets(%dma_start3A_138 : memref<125xi32, #tpu.memory_space<vmem>>) semaphore(%arg13 : memref<!tpu.dma_semaphore, #tpu.memory_space<semaphore_mem>>)
      %dma_wait3A_142 = arith.constant 0 : i32
      %dma_wait3A_143 = tpu.memref_slice %arg8[%add3A_119, %dma_wait3A_142] : memref<40x125xi32, #tpu.memory_space<vmem>> -> memref<1x125xi32, #tpu.memory_space<vmem>>
      %dma_wait3A_144 = tpu.memref_squeeze %dma_wait3A_143 : memref<1x125xi32, #tpu.memory_space<vmem>> -> memref<125xi32, #tpu.memory_space<vmem>>
      %dma_wait3A_145 = arith.constant 0 : i32
      %dma_wait3A_146 = arith.constant 0 : i32
      %dma_wait3A_147 = tpu.memref_slice %arg3[%dma_wait3A_145, %dma_wait3A_146] : memref<10000x128xf32, #tpu.memory_space<hbm>> -> memref<10000x128xf32, #tpu.memory_space<hbm>>
      tpu.wait_indirect_dma semaphore(%arg13 : memref<!tpu.dma_semaphore, #tpu.memory_space<semaphore_mem>>) src(%dma_wait3A_147 : memref<10000x128xf32, #tpu.memory_space<hbm>>) dst(%arg11 : memref<125x128xf32, #tpu.memory_space<vmem>>)
      %dma_start3A_148 = arith.constant 0 : i32
      %dma_start3A_149 = tpu.memref_slice %arg9[%add3A_119, %dma_start3A_148] : memref<40x125xi32, #tpu.memory_space<vmem>> -> memref<1x125xi32, #tpu.memory_space<vmem>>
      %dma_start3A_150 = tpu.memref_squeeze %dma_start3A_149 : memref<1x125xi32, #tpu.memory_space<vmem>> -> memref<125xi32, #tpu.memory_space<vmem>>
      %dma_start3A_151 = arith.constant 0 : i32
      %dma_start3A_152 = arith.constant 0 : i32
      %dma_start3A_153 = tpu.memref_slice %arg16[%dma_start3A_151, %dma_start3A_152] : memref<10000x128xf32, #tpu.memory_space<vmem_shared>> -> memref<10000x128xf32, #tpu.memory_space<vmem_shared>>
      tpu.enqueue_indirect_dma source(%arg11 : memref<125x128xf32, #tpu.memory_space<vmem>>) target(%dma_start3A_153 : memref<10000x128xf32, #tpu.memory_space<vmem_shared>>) offsets(%dma_start3A_150 : memref<125xi32, #tpu.memory_space<vmem>>) semaphore(%arg15 : memref<!tpu.dma_semaphore, #tpu.memory_space<semaphore_mem>>) {add = true}
      %dma_wait3A_154 = arith.constant 0 : i32
      %dma_wait3A_155 = arith.constant 0 : i32
      %dma_wait3A_156 = tpu.memref_slice %arg9[%dma_wait3A_154, %dma_wait3A_155] : memref<40x125xi32, #tpu.memory_space<vmem>> -> memref<1x125xi32, #tpu.memory_space<vmem>>
      %dma_wait3A_157 = tpu.memref_squeeze %dma_wait3A_156 : memref<1x125xi32, #tpu.memory_space<vmem>> -> memref<125xi32, #tpu.memory_space<vmem>>
      %dma_wait3A_158 = arith.constant 0 : i32
      %dma_wait3A_159 = arith.constant 0 : i32
      %dma_wait3A_160 = tpu.memref_slice %arg16[%dma_wait3A_158, %dma_wait3A_159] : memref<10000x128xf32, #tpu.memory_space<vmem_shared>> -> memref<10000x128xf32, #tpu.memory_space<vmem_shared>>
      tpu.wait_indirect_dma semaphore(%arg14 : memref<!tpu.dma_semaphore, #tpu.memory_space<semaphore_mem>>) src(%arg10 : memref<125x128xf32, #tpu.memory_space<vmem>>) dst(%dma_wait3A_160 : memref<10000x128xf32, #tpu.memory_space<vmem_shared>>)
      %lt3A = arith.constant 19 : i32
      %lt3A_161 = arith.cmpi slt, %scan3A_115, %lt3A : i32
      %convert_element_type3A_162 = arith.extui %lt3A_161 : i1 to i32
      %cond3A_163 = arith.constant 0 : i32
      %cond3A_164 = arith.cmpi ne, %convert_element_type3A_162, %cond3A_163 : i32
      scf.if %cond3A_164 {
        %add3A_165 = arith.constant 2 : i32
        %add3A_166 = arith.addi %mul3A_117, %add3A_165 : i32
        %dma_start3A_167 = arith.constant 0 : i32
        %dma_start3A_168 = tpu.memref_slice %arg8[%add3A_166, %dma_start3A_167] : memref<40x125xi32, #tpu.memory_space<vmem>> -> memref<1x125xi32, #tpu.memory_space<vmem>>
        %dma_start3A_169 = tpu.memref_squeeze %dma_start3A_168 : memref<1x125xi32, #tpu.memory_space<vmem>> -> memref<125xi32, #tpu.memory_space<vmem>>
        %dma_start3A_170 = arith.constant 0 : i32
        %dma_start3A_171 = arith.constant 0 : i32
        %dma_start3A_172 = tpu.memref_slice %arg3[%dma_start3A_170, %dma_start3A_171] : memref<10000x128xf32, #tpu.memory_space<hbm>> -> memref<10000x128xf32, #tpu.memory_space<hbm>>
        tpu.enqueue_indirect_dma source(%dma_start3A_172 : memref<10000x128xf32, #tpu.memory_space<hbm>>) target(%arg10 : memref<125x128xf32, #tpu.memory_space<vmem>>) offsets(%dma_start3A_169 : memref<125xi32, #tpu.memory_space<vmem>>) semaphore(%arg12 : memref<!tpu.dma_semaphore, #tpu.memory_space<semaphore_mem>>)
      } else {
      }
    }
    %scan3A_40 = arith.constant 20 : i32
    %dma_wait3A_41 = arith.constant 0 : i32
    %dma_wait3A_42 = arith.constant 0 : i32
    %dma_wait3A_43 = tpu.memref_slice %arg9[%dma_wait3A_41, %dma_wait3A_42] : memref<40x125xi32, #tpu.memory_space<vmem>> -> memref<1x125xi32, #tpu.memory_space<vmem>>
    %dma_wait3A_44 = tpu.memref_squeeze %dma_wait3A_43 : memref<1x125xi32, #tpu.memory_space<vmem>> -> memref<125xi32, #tpu.memory_space<vmem>>
    %dma_wait3A_45 = arith.constant 0 : i32
    %dma_wait3A_46 = arith.constant 0 : i32
    %dma_wait3A_47 = tpu.memref_slice %arg16[%dma_wait3A_45, %dma_wait3A_46] : memref<10000x128xf32, #tpu.memory_space<vmem_shared>> -> memref<10000x128xf32, #tpu.memory_space<vmem_shared>>
    tpu.wait_indirect_dma semaphore(%arg15 : memref<!tpu.dma_semaphore, #tpu.memory_space<semaphore_mem>>) src(%arg11 : memref<125x128xf32, #tpu.memory_space<vmem>>) dst(%dma_wait3A_47 : memref<10000x128xf32, #tpu.memory_space<vmem_shared>>)
    %barrier3A_48 = arith.constant 0 : index
    tpu.barrier barrier_id(%barrier3A_48)
    %mul3A_49 = arith.constant 625 : i32
    %mul3A_50 = arith.muli %arg1, %mul3A_49 : i32
    %mul3A_51 = arith.constant 625 : i32
    %mul3A_52 = arith.muli %arg1, %mul3A_51 : i32
    "tpu.region"() ({
      %run_scoped3A_115 = tpu.sem_alloc : memref<!tpu.dma_semaphore, #tpu.memory_space<semaphore_mem>>
      %dma_start3A_116 = arith.constant 0 : i32
      %dma_start3A_117 = tpu.memref_slice %arg6[%arg0, %mul3A_52, %dma_start3A_116] : memref<2x10000x128xf32, #tpu.memory_space<hbm>> -> memref<1x625x128xf32, #tpu.memory_space<hbm>>
      %dma_start3A_118 = tpu.memref_squeeze %dma_start3A_117 : memref<1x625x128xf32, #tpu.memory_space<hbm>> -> memref<625x128xf32, #tpu.memory_space<hbm>>
      %dma_start3A_119 = arith.constant 0 : i32
      %dma_start3A_120 = tpu.memref_slice %arg16[%mul3A_50, %dma_start3A_119] : memref<10000x128xf32, #tpu.memory_space<vmem_shared>> -> memref<625x128xf32, #tpu.memory_space<vmem_shared>>
      tpu.enqueue_dma source(%dma_start3A_120 : memref<625x128xf32, #tpu.memory_space<vmem_shared>>) target(%dma_start3A_118 : memref<625x128xf32, #tpu.memory_space<hbm>>) target_semaphore(%run_scoped3A_115 : memref<!tpu.dma_semaphore, #tpu.memory_space<semaphore_mem>>)
      %dma_wait3A_121 = arith.constant 0 : i32
      %dma_wait3A_122 = tpu.memref_slice %arg6[%arg0, %mul3A_52, %dma_wait3A_121] : memref<2x10000x128xf32, #tpu.memory_space<hbm>> -> memref<1x625x128xf32, #tpu.memory_space<hbm>>
      %dma_wait3A_123 = tpu.memref_squeeze %dma_wait3A_122 : memref<1x625x128xf32, #tpu.memory_space<hbm>> -> memref<625x128xf32, #tpu.memory_space<hbm>>
      %dma_wait3A_124 = arith.constant 0 : i32
      %dma_wait3A_125 = tpu.memref_slice %arg16[%mul3A_50, %dma_wait3A_124] : memref<10000x128xf32, #tpu.memory_space<vmem_shared>> -> memref<625x128xf32, #tpu.memory_space<vmem_shared>>
      tpu.wait_dma2 semaphore(%run_scoped3A_115 : memref<!tpu.dma_semaphore, #tpu.memory_space<semaphore_mem>>) src(%dma_wait3A_125 : memref<625x128xf32, #tpu.memory_space<vmem_shared>>) dst(%dma_wait3A_123 : memref<625x128xf32, #tpu.memory_space<hbm>>)
      tpu.yield
    }) : () -> ()
    %barrier3A_53 = arith.constant 0 : index
    tpu.barrier barrier_id(%barrier3A_53)
    %eq3A_54 = arith.constant 0 : i32
    %eq3A_55 = arith.cmpi eq, %arg0, %eq3A_54 : i32
    %convert_element_type3A_56 = arith.extui %eq3A_55 : i1 to i32
    %cond3A_57 = arith.constant 0 : i32
    %cond3A_58 = arith.cmpi ne, %convert_element_type3A_56, %cond3A_57 : i32
    scf.if %cond3A_58 {
      %mul3A_115 = arith.constant 625 : i32
      %mul3A_116 = arith.muli %arg1, %mul3A_115 : i32
      %mul3A_117 = arith.constant 625 : i32
      %mul3A_118 = arith.muli %arg1, %mul3A_117 : i32
      "tpu.region"() ({
        %run_scoped3A_119 = tpu.sem_alloc : memref<!tpu.dma_semaphore, #tpu.memory_space<semaphore_mem>>
        %dma_start3A_120 = arith.constant 0 : i32
        %dma_start3A_121 = tpu.memref_slice %arg16[%mul3A_118, %dma_start3A_120] : memref<10000x128xf32, #tpu.memory_space<vmem_shared>> -> memref<625x128xf32, #tpu.memory_space<vmem_shared>>
        %dma_start3A_122 = arith.constant 0 : i32
        %dma_start3A_123 = tpu.memref_slice %arg4[%mul3A_116, %dma_start3A_122] : memref<10000x128xf32, #tpu.memory_space<hbm>> -> memref<625x128xf32, #tpu.memory_space<hbm>>
        tpu.enqueue_dma source(%dma_start3A_123 : memref<625x128xf32, #tpu.memory_space<hbm>>) target(%dma_start3A_121 : memref<625x128xf32, #tpu.memory_space<vmem_shared>>) target_semaphore(%run_scoped3A_119 : memref<!tpu.dma_semaphore, #tpu.memory_space<semaphore_mem>>)
        %dma_wait3A_124 = arith.constant 0 : i32
        %dma_wait3A_125 = tpu.memref_slice %arg16[%mul3A_118, %dma_wait3A_124] : memref<10000x128xf32, #tpu.memory_space<vmem_shared>> -> memref<625x128xf32, #tpu.memory_space<vmem_shared>>
        %dma_wait3A_126 = arith.constant 0 : i32
        %dma_wait3A_127 = tpu.memref_slice %arg4[%mul3A_116, %dma_wait3A_126] : memref<10000x128xf32, #tpu.memory_space<hbm>> -> memref<625x128xf32, #tpu.memory_space<hbm>>
        tpu.wait_dma2 semaphore(%run_scoped3A_119 : memref<!tpu.dma_semaphore, #tpu.memory_space<semaphore_mem>>) src(%dma_wait3A_127 : memref<625x128xf32, #tpu.memory_space<hbm>>) dst(%dma_wait3A_125 : memref<625x128xf32, #tpu.memory_space<vmem_shared>>)
        tpu.yield
      }) : () -> ()
    } else {
    }
    %eq3A_59 = arith.constant 1 : i32
    %eq3A_60 = arith.cmpi eq, %arg0, %eq3A_59 : i32
    %convert_element_type3A_61 = arith.extui %eq3A_60 : i1 to i32
    %cond3A_62 = arith.constant 0 : i32
    %cond3A_63 = arith.cmpi ne, %convert_element_type3A_61, %cond3A_62 : i32
    scf.if %cond3A_63 {
      %mul3A_115 = arith.constant 625 : i32
      %mul3A_116 = arith.muli %arg1, %mul3A_115 : i32
      %mul3A_117 = arith.constant 625 : i32
      %mul3A_118 = arith.muli %arg1, %mul3A_117 : i32
      "tpu.region"() ({
        %run_scoped3A_119 = tpu.sem_alloc : memref<!tpu.dma_semaphore, #tpu.memory_space<semaphore_mem>>
        %dma_start3A_120 = arith.constant 0 : i32
        %dma_start3A_121 = tpu.memref_slice %arg16[%mul3A_118, %dma_start3A_120] : memref<10000x128xf32, #tpu.memory_space<vmem_shared>> -> memref<625x128xf32, #tpu.memory_space<vmem_shared>>
        %dma_start3A_122 = arith.constant 0 : i32
        %dma_start3A_123 = tpu.memref_slice %arg5[%mul3A_116, %dma_start3A_122] : memref<10000x128xf32, #tpu.memory_space<hbm>> -> memref<625x128xf32, #tpu.memory_space<hbm>>
        tpu.enqueue_dma source(%dma_start3A_123 : memref<625x128xf32, #tpu.memory_space<hbm>>) target(%dma_start3A_121 : memref<625x128xf32, #tpu.memory_space<vmem_shared>>) target_semaphore(%run_scoped3A_119 : memref<!tpu.dma_semaphore, #tpu.memory_space<semaphore_mem>>)
        %dma_wait3A_124 = arith.constant 0 : i32
        %dma_wait3A_125 = tpu.memref_slice %arg16[%mul3A_118, %dma_wait3A_124] : memref<10000x128xf32, #tpu.memory_space<vmem_shared>> -> memref<625x128xf32, #tpu.memory_space<vmem_shared>>
        %dma_wait3A_126 = arith.constant 0 : i32
        %dma_wait3A_127 = tpu.memref_slice %arg5[%mul3A_116, %dma_wait3A_126] : memref<10000x128xf32, #tpu.memory_space<hbm>> -> memref<625x128xf32, #tpu.memory_space<hbm>>
        tpu.wait_dma2 semaphore(%run_scoped3A_119 : memref<!tpu.dma_semaphore, #tpu.memory_space<semaphore_mem>>) src(%dma_wait3A_127 : memref<625x128xf32, #tpu.memory_space<hbm>>) dst(%dma_wait3A_125 : memref<625x128xf32, #tpu.memory_space<vmem_shared>>)
        tpu.yield
      }) : () -> ()
    } else {
    }
    %barrier3A_64 = arith.constant 0 : index
    tpu.barrier barrier_id(%barrier3A_64)
    %run_scoped3A_65 = arith.constant 1 : i32
    "tpu.region"() ({
      %run_scoped3A_115 = tpu.sem_alloc : memref<!tpu.dma_semaphore, #tpu.memory_space<semaphore_mem>>
      %dma_start3A_116 = arith.constant 0 : i32
      %dma_start3A_117 = arith.constant 0 : i32
      %dma_start3A_118 = tpu.memref_slice %arg2[%run_scoped3A_65, %add3A, %dma_start3A_116, %dma_start3A_117] : memref<2x32x80x125xi32, #tpu.memory_space<hbm>> -> memref<1x1x40x125xi32, #tpu.memory_space<hbm>>
      %dma_start3A_119 = tpu.memref_squeeze %dma_start3A_118 : memref<1x1x40x125xi32, #tpu.memory_space<hbm>> -> memref<40x125xi32, #tpu.memory_space<hbm>>
      %dma_start3A_120 = arith.constant 0 : i32
      %dma_start3A_121 = arith.constant 0 : i32
      %dma_start3A_122 = tpu.memref_slice %arg2[%run_scoped3A_65, %add3A, %dma_start3A_120, %dma_start3A_121] : memref<2x32x80x125xi32, #tpu.memory_space<hbm>> -> memref<1x1x40x125xi32, #tpu.memory_space<hbm>>
      %dma_start3A_123 = tpu.memref_squeeze %dma_start3A_122 : memref<1x1x40x125xi32, #tpu.memory_space<hbm>> -> memref<40x125xi32, #tpu.memory_space<hbm>>
      tpu.enqueue_dma source(%dma_start3A_123 : memref<40x125xi32, #tpu.memory_space<hbm>>) target(%arg8 : memref<40x125xi32, #tpu.memory_space<vmem>>) target_semaphore(%run_scoped3A_115 : memref<!tpu.dma_semaphore, #tpu.memory_space<semaphore_mem>>)
      %dma_wait3A_124 = arith.constant 0 : i32
      %dma_wait3A_125 = arith.constant 0 : i32
      %dma_wait3A_126 = tpu.memref_slice %arg2[%run_scoped3A_65, %add3A, %dma_wait3A_124, %dma_wait3A_125] : memref<2x32x80x125xi32, #tpu.memory_space<hbm>> -> memref<1x1x40x125xi32, #tpu.memory_space<hbm>>
      %dma_wait3A_127 = tpu.memref_squeeze %dma_wait3A_126 : memref<1x1x40x125xi32, #tpu.memory_space<hbm>> -> memref<40x125xi32, #tpu.memory_space<hbm>>
      %dma_wait3A_128 = arith.constant 0 : i32
      %dma_wait3A_129 = arith.constant 0 : i32
      %dma_wait3A_130 = tpu.memref_slice %arg2[%run_scoped3A_65, %add3A, %dma_wait3A_128, %dma_wait3A_129] : memref<2x32x80x125xi32, #tpu.memory_space<hbm>> -> memref<1x1x40x125xi32, #tpu.memory_space<hbm>>
      %dma_wait3A_131 = tpu.memref_squeeze %dma_wait3A_130 : memref<1x1x40x125xi32, #tpu.memory_space<hbm>> -> memref<40x125xi32, #tpu.memory_space<hbm>>
      tpu.wait_dma2 semaphore(%run_scoped3A_115 : memref<!tpu.dma_semaphore, #tpu.memory_space<semaphore_mem>>) src(%dma_wait3A_131 : memref<40x125xi32, #tpu.memory_space<hbm>>) dst(%arg8 : memref<40x125xi32, #tpu.memory_space<vmem>>)
      tpu.yield
    }) : () -> ()
    %run_scoped3A_66 = arith.constant 0 : i32
    "tpu.region"() ({
      %run_scoped3A_115 = tpu.sem_alloc : memref<!tpu.dma_semaphore, #tpu.memory_space<semaphore_mem>>
      %dma_start3A_116 = arith.constant 0 : i32
      %dma_start3A_117 = arith.constant 0 : i32
      %dma_start3A_118 = tpu.memref_slice %arg2[%run_scoped3A_66, %add3A, %dma_start3A_116, %dma_start3A_117] : memref<2x32x80x125xi32, #tpu.memory_space<hbm>> -> memref<1x1x40x125xi32, #tpu.memory_space<hbm>>
      %dma_start3A_119 = tpu.memref_squeeze %dma_start3A_118 : memref<1x1x40x125xi32, #tpu.memory_space<hbm>> -> memref<40x125xi32, #tpu.memory_space<hbm>>
      %dma_start3A_120 = arith.constant 0 : i32
      %dma_start3A_121 = arith.constant 0 : i32
      %dma_start3A_122 = tpu.memref_slice %arg2[%run_scoped3A_66, %add3A, %dma_start3A_120, %dma_start3A_121] : memref<2x32x80x125xi32, #tpu.memory_space<hbm>> -> memref<1x1x40x125xi32, #tpu.memory_space<hbm>>
      %dma_start3A_123 = tpu.memref_squeeze %dma_start3A_122 : memref<1x1x40x125xi32, #tpu.memory_space<hbm>> -> memref<40x125xi32, #tpu.memory_space<hbm>>
      tpu.enqueue_dma source(%dma_start3A_123 : memref<40x125xi32, #tpu.memory_space<hbm>>) target(%arg9 : memref<40x125xi32, #tpu.memory_space<vmem>>) target_semaphore(%run_scoped3A_115 : memref<!tpu.dma_semaphore, #tpu.memory_space<semaphore_mem>>)
      %dma_wait3A_124 = arith.constant 0 : i32
      %dma_wait3A_125 = arith.constant 0 : i32
      %dma_wait3A_126 = tpu.memref_slice %arg2[%run_scoped3A_66, %add3A, %dma_wait3A_124, %dma_wait3A_125] : memref<2x32x80x125xi32, #tpu.memory_space<hbm>> -> memref<1x1x40x125xi32, #tpu.memory_space<hbm>>
      %dma_wait3A_127 = tpu.memref_squeeze %dma_wait3A_126 : memref<1x1x40x125xi32, #tpu.memory_space<hbm>> -> memref<40x125xi32, #tpu.memory_space<hbm>>
      %dma_wait3A_128 = arith.constant 0 : i32
      %dma_wait3A_129 = arith.constant 0 : i32
      %dma_wait3A_130 = tpu.memref_slice %arg2[%run_scoped3A_66, %add3A, %dma_wait3A_128, %dma_wait3A_129] : memref<2x32x80x125xi32, #tpu.memory_space<hbm>> -> memref<1x1x40x125xi32, #tpu.memory_space<hbm>>
      %dma_wait3A_131 = tpu.memref_squeeze %dma_wait3A_130 : memref<1x1x40x125xi32, #tpu.memory_space<hbm>> -> memref<40x125xi32, #tpu.memory_space<hbm>>
      tpu.wait_dma2 semaphore(%run_scoped3A_115 : memref<!tpu.dma_semaphore, #tpu.memory_space<semaphore_mem>>) src(%dma_wait3A_131 : memref<40x125xi32, #tpu.memory_space<hbm>>) dst(%arg9 : memref<40x125xi32, #tpu.memory_space<vmem>>)
      tpu.yield
    }) : () -> ()
    %dma_start3A_67 = arith.constant 0 : i32
    %dma_start3A_68 = arith.constant 0 : i32
    %dma_start3A_69 = tpu.memref_slice %arg8[%dma_start3A_67, %dma_start3A_68] : memref<40x125xi32, #tpu.memory_space<vmem>> -> memref<1x125xi32, #tpu.memory_space<vmem>>
    %dma_start3A_70 = tpu.memref_squeeze %dma_start3A_69 : memref<1x125xi32, #tpu.memory_space<vmem>> -> memref<125xi32, #tpu.memory_space<vmem>>
    %dma_start3A_71 = arith.constant 0 : i32
    %dma_start3A_72 = arith.constant 0 : i32
    %dma_start3A_73 = tpu.memref_slice %arg4[%dma_start3A_71, %dma_start3A_72] : memref<10000x128xf32, #tpu.memory_space<hbm>> -> memref<10000x128xf32, #tpu.memory_space<hbm>>
    tpu.enqueue_indirect_dma source(%dma_start3A_73 : memref<10000x128xf32, #tpu.memory_space<hbm>>) target(%arg10 : memref<125x128xf32, #tpu.memory_space<vmem>>) offsets(%dma_start3A_70 : memref<125xi32, #tpu.memory_space<vmem>>) semaphore(%arg12 : memref<!tpu.dma_semaphore, #tpu.memory_space<semaphore_mem>>)
    %scan3A_74 = arith.constant 0 : i32
    %scan3A_75 = arith.constant 0 : i32
    %scan3A_76 = arith.constant 20 : i32
    %scan3A_77 = arith.addi %scan3A_75, %scan3A_76 : i32
    %scan3A_78 = arith.constant 1 : i32
    scf.for %scan3A_115 = %scan3A_75 to %scan3A_77 step %scan3A_78  : i32 {
      %mul3A_116 = arith.constant 2 : i32
      %mul3A_117 = arith.muli %mul3A_116, %scan3A_115 : i32
      %add3A_118 = arith.constant 1 : i32
      %add3A_119 = arith.addi %mul3A_117, %add3A_118 : i32
      %dma_wait3A_120 = arith.constant 0 : i32
      %dma_wait3A_121 = tpu.memref_slice %arg8[%mul3A_117, %dma_wait3A_120] : memref<40x125xi32, #tpu.memory_space<vmem>> -> memref<1x125xi32, #tpu.memory_space<vmem>>
      %dma_wait3A_122 = tpu.memref_squeeze %dma_wait3A_121 : memref<1x125xi32, #tpu.memory_space<vmem>> -> memref<125xi32, #tpu.memory_space<vmem>>
      %dma_wait3A_123 = arith.constant 0 : i32
      %dma_wait3A_124 = arith.constant 0 : i32
      %dma_wait3A_125 = tpu.memref_slice %arg4[%dma_wait3A_123, %dma_wait3A_124] : memref<10000x128xf32, #tpu.memory_space<hbm>> -> memref<10000x128xf32, #tpu.memory_space<hbm>>
      tpu.wait_indirect_dma semaphore(%arg12 : memref<!tpu.dma_semaphore, #tpu.memory_space<semaphore_mem>>) src(%dma_wait3A_125 : memref<10000x128xf32, #tpu.memory_space<hbm>>) dst(%arg10 : memref<125x128xf32, #tpu.memory_space<vmem>>)
      %dma_start3A_126 = arith.constant 0 : i32
      %dma_start3A_127 = tpu.memref_slice %arg9[%mul3A_117, %dma_start3A_126] : memref<40x125xi32, #tpu.memory_space<vmem>> -> memref<1x125xi32, #tpu.memory_space<vmem>>
      %dma_start3A_128 = tpu.memref_squeeze %dma_start3A_127 : memref<1x125xi32, #tpu.memory_space<vmem>> -> memref<125xi32, #tpu.memory_space<vmem>>
      %dma_start3A_129 = arith.constant 0 : i32
      %dma_start3A_130 = arith.constant 0 : i32
      %dma_start3A_131 = tpu.memref_slice %arg16[%dma_start3A_129, %dma_start3A_130] : memref<10000x128xf32, #tpu.memory_space<vmem_shared>> -> memref<10000x128xf32, #tpu.memory_space<vmem_shared>>
      tpu.enqueue_indirect_dma source(%arg10 : memref<125x128xf32, #tpu.memory_space<vmem>>) target(%dma_start3A_131 : memref<10000x128xf32, #tpu.memory_space<vmem_shared>>) offsets(%dma_start3A_128 : memref<125xi32, #tpu.memory_space<vmem>>) semaphore(%arg14 : memref<!tpu.dma_semaphore, #tpu.memory_space<semaphore_mem>>) {add = true}
      %gt3A = arith.constant 0 : i32
      %gt3A_132 = arith.cmpi sgt, %scan3A_115, %gt3A : i32
      %convert_element_type3A_133 = arith.extui %gt3A_132 : i1 to i32
      %cond3A_134 = arith.constant 0 : i32
      %cond3A_135 = arith.cmpi ne, %convert_element_type3A_133, %cond3A_134 : i32
      scf.if %cond3A_135 {
        %dma_wait3A_165 = arith.constant 0 : i32
        %dma_wait3A_166 = arith.constant 0 : i32
        %dma_wait3A_167 = tpu.memref_slice %arg9[%dma_wait3A_165, %dma_wait3A_166] : memref<40x125xi32, #tpu.memory_space<vmem>> -> memref<1x125xi32, #tpu.memory_space<vmem>>
        %dma_wait3A_168 = tpu.memref_squeeze %dma_wait3A_167 : memref<1x125xi32, #tpu.memory_space<vmem>> -> memref<125xi32, #tpu.memory_space<vmem>>
        %dma_wait3A_169 = arith.constant 0 : i32
        %dma_wait3A_170 = arith.constant 0 : i32
        %dma_wait3A_171 = tpu.memref_slice %arg16[%dma_wait3A_169, %dma_wait3A_170] : memref<10000x128xf32, #tpu.memory_space<vmem_shared>> -> memref<10000x128xf32, #tpu.memory_space<vmem_shared>>
        tpu.wait_indirect_dma semaphore(%arg15 : memref<!tpu.dma_semaphore, #tpu.memory_space<semaphore_mem>>) src(%arg11 : memref<125x128xf32, #tpu.memory_space<vmem>>) dst(%dma_wait3A_171 : memref<10000x128xf32, #tpu.memory_space<vmem_shared>>)
      } else {
      }
      %dma_start3A_136 = arith.constant 0 : i32
      %dma_start3A_137 = tpu.memref_slice %arg8[%add3A_119, %dma_start3A_136] : memref<40x125xi32, #tpu.memory_space<vmem>> -> memref<1x125xi32, #tpu.memory_space<vmem>>
      %dma_start3A_138 = tpu.memref_squeeze %dma_start3A_137 : memref<1x125xi32, #tpu.memory_space<vmem>> -> memref<125xi32, #tpu.memory_space<vmem>>
      %dma_start3A_139 = arith.constant 0 : i32
      %dma_start3A_140 = arith.constant 0 : i32
      %dma_start3A_141 = tpu.memref_slice %arg4[%dma_start3A_139, %dma_start3A_140] : memref<10000x128xf32, #tpu.memory_space<hbm>> -> memref<10000x128xf32, #tpu.memory_space<hbm>>
      tpu.enqueue_indirect_dma source(%dma_start3A_141 : memref<10000x128xf32, #tpu.memory_space<hbm>>) target(%arg11 : memref<125x128xf32, #tpu.memory_space<vmem>>) offsets(%dma_start3A_138 : memref<125xi32, #tpu.memory_space<vmem>>) semaphore(%arg13 : memref<!tpu.dma_semaphore, #tpu.memory_space<semaphore_mem>>)
      %dma_wait3A_142 = arith.constant 0 : i32
      %dma_wait3A_143 = tpu.memref_slice %arg8[%add3A_119, %dma_wait3A_142] : memref<40x125xi32, #tpu.memory_space<vmem>> -> memref<1x125xi32, #tpu.memory_space<vmem>>
      %dma_wait3A_144 = tpu.memref_squeeze %dma_wait3A_143 : memref<1x125xi32, #tpu.memory_space<vmem>> -> memref<125xi32, #tpu.memory_space<vmem>>
      %dma_wait3A_145 = arith.constant 0 : i32
      %dma_wait3A_146 = arith.constant 0 : i32
      %dma_wait3A_147 = tpu.memref_slice %arg4[%dma_wait3A_145, %dma_wait3A_146] : memref<10000x128xf32, #tpu.memory_space<hbm>> -> memref<10000x128xf32, #tpu.memory_space<hbm>>
      tpu.wait_indirect_dma semaphore(%arg13 : memref<!tpu.dma_semaphore, #tpu.memory_space<semaphore_mem>>) src(%dma_wait3A_147 : memref<10000x128xf32, #tpu.memory_space<hbm>>) dst(%arg11 : memref<125x128xf32, #tpu.memory_space<vmem>>)
      %dma_start3A_148 = arith.constant 0 : i32
      %dma_start3A_149 = tpu.memref_slice %arg9[%add3A_119, %dma_start3A_148] : memref<40x125xi32, #tpu.memory_space<vmem>> -> memref<1x125xi32, #tpu.memory_space<vmem>>
      %dma_start3A_150 = tpu.memref_squeeze %dma_start3A_149 : memref<1x125xi32, #tpu.memory_space<vmem>> -> memref<125xi32, #tpu.memory_space<vmem>>
      %dma_start3A_151 = arith.constant 0 : i32
      %dma_start3A_152 = arith.constant 0 : i32
      %dma_start3A_153 = tpu.memref_slice %arg16[%dma_start3A_151, %dma_start3A_152] : memref<10000x128xf32, #tpu.memory_space<vmem_shared>> -> memref<10000x128xf32, #tpu.memory_space<vmem_shared>>
      tpu.enqueue_indirect_dma source(%arg11 : memref<125x128xf32, #tpu.memory_space<vmem>>) target(%dma_start3A_153 : memref<10000x128xf32, #tpu.memory_space<vmem_shared>>) offsets(%dma_start3A_150 : memref<125xi32, #tpu.memory_space<vmem>>) semaphore(%arg15 : memref<!tpu.dma_semaphore, #tpu.memory_space<semaphore_mem>>) {add = true}
      %dma_wait3A_154 = arith.constant 0 : i32
      %dma_wait3A_155 = arith.constant 0 : i32
      %dma_wait3A_156 = tpu.memref_slice %arg9[%dma_wait3A_154, %dma_wait3A_155] : memref<40x125xi32, #tpu.memory_space<vmem>> -> memref<1x125xi32, #tpu.memory_space<vmem>>
      %dma_wait3A_157 = tpu.memref_squeeze %dma_wait3A_156 : memref<1x125xi32, #tpu.memory_space<vmem>> -> memref<125xi32, #tpu.memory_space<vmem>>
      %dma_wait3A_158 = arith.constant 0 : i32
      %dma_wait3A_159 = arith.constant 0 : i32
      %dma_wait3A_160 = tpu.memref_slice %arg16[%dma_wait3A_158, %dma_wait3A_159] : memref<10000x128xf32, #tpu.memory_space<vmem_shared>> -> memref<10000x128xf32, #tpu.memory_space<vmem_shared>>
      tpu.wait_indirect_dma semaphore(%arg14 : memref<!tpu.dma_semaphore, #tpu.memory_space<semaphore_mem>>) src(%arg10 : memref<125x128xf32, #tpu.memory_space<vmem>>) dst(%dma_wait3A_160 : memref<10000x128xf32, #tpu.memory_space<vmem_shared>>)
      %lt3A = arith.constant 19 : i32
      %lt3A_161 = arith.cmpi slt, %scan3A_115, %lt3A : i32
      %convert_element_type3A_162 = arith.extui %lt3A_161 : i1 to i32
      %cond3A_163 = arith.constant 0 : i32
      %cond3A_164 = arith.cmpi ne, %convert_element_type3A_162, %cond3A_163 : i32
      scf.if %cond3A_164 {
        %add3A_165 = arith.constant 2 : i32
        %add3A_166 = arith.addi %mul3A_117, %add3A_165 : i32
        %dma_start3A_167 = arith.constant 0 : i32
        %dma_start3A_168 = tpu.memref_slice %arg8[%add3A_166, %dma_start3A_167] : memref<40x125xi32, #tpu.memory_space<vmem>> -> memref<1x125xi32, #tpu.memory_space<vmem>>
        %dma_start3A_169 = tpu.memref_squeeze %dma_start3A_168 : memref<1x125xi32, #tpu.memory_space<vmem>> -> memref<125xi32, #tpu.memory_space<vmem>>
        %dma_start3A_170 = arith.constant 0 : i32
        %dma_start3A_171 = arith.constant 0 : i32
        %dma_start3A_172 = tpu.memref_slice %arg4[%dma_start3A_170, %dma_start3A_171] : memref<10000x128xf32, #tpu.memory_space<hbm>> -> memref<10000x128xf32, #tpu.memory_space<hbm>>
        tpu.enqueue_indirect_dma source(%dma_start3A_172 : memref<10000x128xf32, #tpu.memory_space<hbm>>) target(%arg10 : memref<125x128xf32, #tpu.memory_space<vmem>>) offsets(%dma_start3A_169 : memref<125xi32, #tpu.memory_space<vmem>>) semaphore(%arg12 : memref<!tpu.dma_semaphore, #tpu.memory_space<semaphore_mem>>)
      } else {
      }
    }
    %scan3A_79 = arith.constant 20 : i32
    %dma_wait3A_80 = arith.constant 0 : i32
    %dma_wait3A_81 = arith.constant 0 : i32
    %dma_wait3A_82 = tpu.memref_slice %arg9[%dma_wait3A_80, %dma_wait3A_81] : memref<40x125xi32, #tpu.memory_space<vmem>> -> memref<1x125xi32, #tpu.memory_space<vmem>>
    %dma_wait3A_83 = tpu.memref_squeeze %dma_wait3A_82 : memref<1x125xi32, #tpu.memory_space<vmem>> -> memref<125xi32, #tpu.memory_space<vmem>>
    %dma_wait3A_84 = arith.constant 0 : i32
    %dma_wait3A_85 = arith.constant 0 : i32
    %dma_wait3A_86 = tpu.memref_slice %arg16[%dma_wait3A_84, %dma_wait3A_85] : memref<10000x128xf32, #tpu.memory_space<vmem_shared>> -> memref<10000x128xf32, #tpu.memory_space<vmem_shared>>
    tpu.wait_indirect_dma semaphore(%arg15 : memref<!tpu.dma_semaphore, #tpu.memory_space<semaphore_mem>>) src(%arg11 : memref<125x128xf32, #tpu.memory_space<vmem>>) dst(%dma_wait3A_86 : memref<10000x128xf32, #tpu.memory_space<vmem_shared>>)
    %run_scoped3A_87 = arith.constant 1 : i32
    "tpu.region"() ({
      %run_scoped3A_115 = tpu.sem_alloc : memref<!tpu.dma_semaphore, #tpu.memory_space<semaphore_mem>>
      %dma_start3A_116 = arith.constant 40 : i32
      %dma_start3A_117 = arith.constant 0 : i32
      %dma_start3A_118 = tpu.memref_slice %arg2[%run_scoped3A_87, %add3A, %dma_start3A_116, %dma_start3A_117] : memref<2x32x80x125xi32, #tpu.memory_space<hbm>> -> memref<1x1x40x125xi32, #tpu.memory_space<hbm>>
      %dma_start3A_119 = tpu.memref_squeeze %dma_start3A_118 : memref<1x1x40x125xi32, #tpu.memory_space<hbm>> -> memref<40x125xi32, #tpu.memory_space<hbm>>
      %dma_start3A_120 = arith.constant 40 : i32
      %dma_start3A_121 = arith.constant 0 : i32
      %dma_start3A_122 = tpu.memref_slice %arg2[%run_scoped3A_87, %add3A, %dma_start3A_120, %dma_start3A_121] : memref<2x32x80x125xi32, #tpu.memory_space<hbm>> -> memref<1x1x40x125xi32, #tpu.memory_space<hbm>>
      %dma_start3A_123 = tpu.memref_squeeze %dma_start3A_122 : memref<1x1x40x125xi32, #tpu.memory_space<hbm>> -> memref<40x125xi32, #tpu.memory_space<hbm>>
      tpu.enqueue_dma source(%dma_start3A_123 : memref<40x125xi32, #tpu.memory_space<hbm>>) target(%arg8 : memref<40x125xi32, #tpu.memory_space<vmem>>) target_semaphore(%run_scoped3A_115 : memref<!tpu.dma_semaphore, #tpu.memory_space<semaphore_mem>>)
      %dma_wait3A_124 = arith.constant 40 : i32
      %dma_wait3A_125 = arith.constant 0 : i32
      %dma_wait3A_126 = tpu.memref_slice %arg2[%run_scoped3A_87, %add3A, %dma_wait3A_124, %dma_wait3A_125] : memref<2x32x80x125xi32, #tpu.memory_space<hbm>> -> memref<1x1x40x125xi32, #tpu.memory_space<hbm>>
      %dma_wait3A_127 = tpu.memref_squeeze %dma_wait3A_126 : memref<1x1x40x125xi32, #tpu.memory_space<hbm>> -> memref<40x125xi32, #tpu.memory_space<hbm>>
      %dma_wait3A_128 = arith.constant 40 : i32
      %dma_wait3A_129 = arith.constant 0 : i32
      %dma_wait3A_130 = tpu.memref_slice %arg2[%run_scoped3A_87, %add3A, %dma_wait3A_128, %dma_wait3A_129] : memref<2x32x80x125xi32, #tpu.memory_space<hbm>> -> memref<1x1x40x125xi32, #tpu.memory_space<hbm>>
      %dma_wait3A_131 = tpu.memref_squeeze %dma_wait3A_130 : memref<1x1x40x125xi32, #tpu.memory_space<hbm>> -> memref<40x125xi32, #tpu.memory_space<hbm>>
      tpu.wait_dma2 semaphore(%run_scoped3A_115 : memref<!tpu.dma_semaphore, #tpu.memory_space<semaphore_mem>>) src(%dma_wait3A_131 : memref<40x125xi32, #tpu.memory_space<hbm>>) dst(%arg8 : memref<40x125xi32, #tpu.memory_space<vmem>>)
      tpu.yield
    }) : () -> ()
    %run_scoped3A_88 = arith.constant 0 : i32
    "tpu.region"() ({
      %run_scoped3A_115 = tpu.sem_alloc : memref<!tpu.dma_semaphore, #tpu.memory_space<semaphore_mem>>
      %dma_start3A_116 = arith.constant 40 : i32
      %dma_start3A_117 = arith.constant 0 : i32
      %dma_start3A_118 = tpu.memref_slice %arg2[%run_scoped3A_88, %add3A, %dma_start3A_116, %dma_start3A_117] : memref<2x32x80x125xi32, #tpu.memory_space<hbm>> -> memref<1x1x40x125xi32, #tpu.memory_space<hbm>>
      %dma_start3A_119 = tpu.memref_squeeze %dma_start3A_118 : memref<1x1x40x125xi32, #tpu.memory_space<hbm>> -> memref<40x125xi32, #tpu.memory_space<hbm>>
      %dma_start3A_120 = arith.constant 40 : i32
      %dma_start3A_121 = arith.constant 0 : i32
      %dma_start3A_122 = tpu.memref_slice %arg2[%run_scoped3A_88, %add3A, %dma_start3A_120, %dma_start3A_121] : memref<2x32x80x125xi32, #tpu.memory_space<hbm>> -> memref<1x1x40x125xi32, #tpu.memory_space<hbm>>
      %dma_start3A_123 = tpu.memref_squeeze %dma_start3A_122 : memref<1x1x40x125xi32, #tpu.memory_space<hbm>> -> memref<40x125xi32, #tpu.memory_space<hbm>>
      tpu.enqueue_dma source(%dma_start3A_123 : memref<40x125xi32, #tpu.memory_space<hbm>>) target(%arg9 : memref<40x125xi32, #tpu.memory_space<vmem>>) target_semaphore(%run_scoped3A_115 : memref<!tpu.dma_semaphore, #tpu.memory_space<semaphore_mem>>)
      %dma_wait3A_124 = arith.constant 40 : i32
      %dma_wait3A_125 = arith.constant 0 : i32
      %dma_wait3A_126 = tpu.memref_slice %arg2[%run_scoped3A_88, %add3A, %dma_wait3A_124, %dma_wait3A_125] : memref<2x32x80x125xi32, #tpu.memory_space<hbm>> -> memref<1x1x40x125xi32, #tpu.memory_space<hbm>>
      %dma_wait3A_127 = tpu.memref_squeeze %dma_wait3A_126 : memref<1x1x40x125xi32, #tpu.memory_space<hbm>> -> memref<40x125xi32, #tpu.memory_space<hbm>>
      %dma_wait3A_128 = arith.constant 40 : i32
      %dma_wait3A_129 = arith.constant 0 : i32
      %dma_wait3A_130 = tpu.memref_slice %arg2[%run_scoped3A_88, %add3A, %dma_wait3A_128, %dma_wait3A_129] : memref<2x32x80x125xi32, #tpu.memory_space<hbm>> -> memref<1x1x40x125xi32, #tpu.memory_space<hbm>>
      %dma_wait3A_131 = tpu.memref_squeeze %dma_wait3A_130 : memref<1x1x40x125xi32, #tpu.memory_space<hbm>> -> memref<40x125xi32, #tpu.memory_space<hbm>>
      tpu.wait_dma2 semaphore(%run_scoped3A_115 : memref<!tpu.dma_semaphore, #tpu.memory_space<semaphore_mem>>) src(%dma_wait3A_131 : memref<40x125xi32, #tpu.memory_space<hbm>>) dst(%arg9 : memref<40x125xi32, #tpu.memory_space<vmem>>)
      tpu.yield
    }) : () -> ()
    %dma_start3A_89 = arith.constant 0 : i32
    %dma_start3A_90 = arith.constant 0 : i32
    %dma_start3A_91 = tpu.memref_slice %arg8[%dma_start3A_89, %dma_start3A_90] : memref<40x125xi32, #tpu.memory_space<vmem>> -> memref<1x125xi32, #tpu.memory_space<vmem>>
    %dma_start3A_92 = tpu.memref_squeeze %dma_start3A_91 : memref<1x125xi32, #tpu.memory_space<vmem>> -> memref<125xi32, #tpu.memory_space<vmem>>
    %dma_start3A_93 = arith.constant 0 : i32
    %dma_start3A_94 = arith.constant 0 : i32
    %dma_start3A_95 = tpu.memref_slice %arg4[%dma_start3A_93, %dma_start3A_94] : memref<10000x128xf32, #tpu.memory_space<hbm>> -> memref<10000x128xf32, #tpu.memory_space<hbm>>
    tpu.enqueue_indirect_dma source(%dma_start3A_95 : memref<10000x128xf32, #tpu.memory_space<hbm>>) target(%arg10 : memref<125x128xf32, #tpu.memory_space<vmem>>) offsets(%dma_start3A_92 : memref<125xi32, #tpu.memory_space<vmem>>) semaphore(%arg12 : memref<!tpu.dma_semaphore, #tpu.memory_space<semaphore_mem>>)
    %scan3A_96 = arith.constant 0 : i32
    %scan3A_97 = arith.constant 0 : i32
    %scan3A_98 = arith.constant 20 : i32
    %scan3A_99 = arith.addi %scan3A_97, %scan3A_98 : i32
    %scan3A_100 = arith.constant 1 : i32
    scf.for %scan3A_115 = %scan3A_97 to %scan3A_99 step %scan3A_100  : i32 {
      %mul3A_116 = arith.constant 2 : i32
      %mul3A_117 = arith.muli %mul3A_116, %scan3A_115 : i32
      %add3A_118 = arith.constant 1 : i32
      %add3A_119 = arith.addi %mul3A_117, %add3A_118 : i32
      %dma_wait3A_120 = arith.constant 0 : i32
      %dma_wait3A_121 = tpu.memref_slice %arg8[%mul3A_117, %dma_wait3A_120] : memref<40x125xi32, #tpu.memory_space<vmem>> -> memref<1x125xi32, #tpu.memory_space<vmem>>
      %dma_wait3A_122 = tpu.memref_squeeze %dma_wait3A_121 : memref<1x125xi32, #tpu.memory_space<vmem>> -> memref<125xi32, #tpu.memory_space<vmem>>
      %dma_wait3A_123 = arith.constant 0 : i32
      %dma_wait3A_124 = arith.constant 0 : i32
      %dma_wait3A_125 = tpu.memref_slice %arg4[%dma_wait3A_123, %dma_wait3A_124] : memref<10000x128xf32, #tpu.memory_space<hbm>> -> memref<10000x128xf32, #tpu.memory_space<hbm>>
      tpu.wait_indirect_dma semaphore(%arg12 : memref<!tpu.dma_semaphore, #tpu.memory_space<semaphore_mem>>) src(%dma_wait3A_125 : memref<10000x128xf32, #tpu.memory_space<hbm>>) dst(%arg10 : memref<125x128xf32, #tpu.memory_space<vmem>>)
      %dma_start3A_126 = arith.constant 0 : i32
      %dma_start3A_127 = tpu.memref_slice %arg9[%mul3A_117, %dma_start3A_126] : memref<40x125xi32, #tpu.memory_space<vmem>> -> memref<1x125xi32, #tpu.memory_space<vmem>>
      %dma_start3A_128 = tpu.memref_squeeze %dma_start3A_127 : memref<1x125xi32, #tpu.memory_space<vmem>> -> memref<125xi32, #tpu.memory_space<vmem>>
      %dma_start3A_129 = arith.constant 0 : i32
      %dma_start3A_130 = arith.constant 0 : i32
      %dma_start3A_131 = tpu.memref_slice %arg16[%dma_start3A_129, %dma_start3A_130] : memref<10000x128xf32, #tpu.memory_space<vmem_shared>> -> memref<10000x128xf32, #tpu.memory_space<vmem_shared>>
      tpu.enqueue_indirect_dma source(%arg10 : memref<125x128xf32, #tpu.memory_space<vmem>>) target(%dma_start3A_131 : memref<10000x128xf32, #tpu.memory_space<vmem_shared>>) offsets(%dma_start3A_128 : memref<125xi32, #tpu.memory_space<vmem>>) semaphore(%arg14 : memref<!tpu.dma_semaphore, #tpu.memory_space<semaphore_mem>>) {add = true}
      %gt3A = arith.constant 0 : i32
      %gt3A_132 = arith.cmpi sgt, %scan3A_115, %gt3A : i32
      %convert_element_type3A_133 = arith.extui %gt3A_132 : i1 to i32
      %cond3A_134 = arith.constant 0 : i32
      %cond3A_135 = arith.cmpi ne, %convert_element_type3A_133, %cond3A_134 : i32
      scf.if %cond3A_135 {
        %dma_wait3A_165 = arith.constant 0 : i32
        %dma_wait3A_166 = arith.constant 0 : i32
        %dma_wait3A_167 = tpu.memref_slice %arg9[%dma_wait3A_165, %dma_wait3A_166] : memref<40x125xi32, #tpu.memory_space<vmem>> -> memref<1x125xi32, #tpu.memory_space<vmem>>
        %dma_wait3A_168 = tpu.memref_squeeze %dma_wait3A_167 : memref<1x125xi32, #tpu.memory_space<vmem>> -> memref<125xi32, #tpu.memory_space<vmem>>
        %dma_wait3A_169 = arith.constant 0 : i32
        %dma_wait3A_170 = arith.constant 0 : i32
        %dma_wait3A_171 = tpu.memref_slice %arg16[%dma_wait3A_169, %dma_wait3A_170] : memref<10000x128xf32, #tpu.memory_space<vmem_shared>> -> memref<10000x128xf32, #tpu.memory_space<vmem_shared>>
        tpu.wait_indirect_dma semaphore(%arg15 : memref<!tpu.dma_semaphore, #tpu.memory_space<semaphore_mem>>) src(%arg11 : memref<125x128xf32, #tpu.memory_space<vmem>>) dst(%dma_wait3A_171 : memref<10000x128xf32, #tpu.memory_space<vmem_shared>>)
      } else {
      }
      %dma_start3A_136 = arith.constant 0 : i32
      %dma_start3A_137 = tpu.memref_slice %arg8[%add3A_119, %dma_start3A_136] : memref<40x125xi32, #tpu.memory_space<vmem>> -> memref<1x125xi32, #tpu.memory_space<vmem>>
      %dma_start3A_138 = tpu.memref_squeeze %dma_start3A_137 : memref<1x125xi32, #tpu.memory_space<vmem>> -> memref<125xi32, #tpu.memory_space<vmem>>
      %dma_start3A_139 = arith.constant 0 : i32
      %dma_start3A_140 = arith.constant 0 : i32
      %dma_start3A_141 = tpu.memref_slice %arg4[%dma_start3A_139, %dma_start3A_140] : memref<10000x128xf32, #tpu.memory_space<hbm>> -> memref<10000x128xf32, #tpu.memory_space<hbm>>
      tpu.enqueue_indirect_dma source(%dma_start3A_141 : memref<10000x128xf32, #tpu.memory_space<hbm>>) target(%arg11 : memref<125x128xf32, #tpu.memory_space<vmem>>) offsets(%dma_start3A_138 : memref<125xi32, #tpu.memory_space<vmem>>) semaphore(%arg13 : memref<!tpu.dma_semaphore, #tpu.memory_space<semaphore_mem>>)
      %dma_wait3A_142 = arith.constant 0 : i32
      %dma_wait3A_143 = tpu.memref_slice %arg8[%add3A_119, %dma_wait3A_142] : memref<40x125xi32, #tpu.memory_space<vmem>> -> memref<1x125xi32, #tpu.memory_space<vmem>>
      %dma_wait3A_144 = tpu.memref_squeeze %dma_wait3A_143 : memref<1x125xi32, #tpu.memory_space<vmem>> -> memref<125xi32, #tpu.memory_space<vmem>>
      %dma_wait3A_145 = arith.constant 0 : i32
      %dma_wait3A_146 = arith.constant 0 : i32
      %dma_wait3A_147 = tpu.memref_slice %arg4[%dma_wait3A_145, %dma_wait3A_146] : memref<10000x128xf32, #tpu.memory_space<hbm>> -> memref<10000x128xf32, #tpu.memory_space<hbm>>
      tpu.wait_indirect_dma semaphore(%arg13 : memref<!tpu.dma_semaphore, #tpu.memory_space<semaphore_mem>>) src(%dma_wait3A_147 : memref<10000x128xf32, #tpu.memory_space<hbm>>) dst(%arg11 : memref<125x128xf32, #tpu.memory_space<vmem>>)
      %dma_start3A_148 = arith.constant 0 : i32
      %dma_start3A_149 = tpu.memref_slice %arg9[%add3A_119, %dma_start3A_148] : memref<40x125xi32, #tpu.memory_space<vmem>> -> memref<1x125xi32, #tpu.memory_space<vmem>>
      %dma_start3A_150 = tpu.memref_squeeze %dma_start3A_149 : memref<1x125xi32, #tpu.memory_space<vmem>> -> memref<125xi32, #tpu.memory_space<vmem>>
      %dma_start3A_151 = arith.constant 0 : i32
      %dma_start3A_152 = arith.constant 0 : i32
      %dma_start3A_153 = tpu.memref_slice %arg16[%dma_start3A_151, %dma_start3A_152] : memref<10000x128xf32, #tpu.memory_space<vmem_shared>> -> memref<10000x128xf32, #tpu.memory_space<vmem_shared>>
      tpu.enqueue_indirect_dma source(%arg11 : memref<125x128xf32, #tpu.memory_space<vmem>>) target(%dma_start3A_153 : memref<10000x128xf32, #tpu.memory_space<vmem_shared>>) offsets(%dma_start3A_150 : memref<125xi32, #tpu.memory_space<vmem>>) semaphore(%arg15 : memref<!tpu.dma_semaphore, #tpu.memory_space<semaphore_mem>>) {add = true}
      %dma_wait3A_154 = arith.constant 0 : i32
      %dma_wait3A_155 = arith.constant 0 : i32
      %dma_wait3A_156 = tpu.memref_slice %arg9[%dma_wait3A_154, %dma_wait3A_155] : memref<40x125xi32, #tpu.memory_space<vmem>> -> memref<1x125xi32, #tpu.memory_space<vmem>>
      %dma_wait3A_157 = tpu.memref_squeeze %dma_wait3A_156 : memref<1x125xi32, #tpu.memory_space<vmem>> -> memref<125xi32, #tpu.memory_space<vmem>>
      %dma_wait3A_158 = arith.constant 0 : i32
      %dma_wait3A_159 = arith.constant 0 : i32
      %dma_wait3A_160 = tpu.memref_slice %arg16[%dma_wait3A_158, %dma_wait3A_159] : memref<10000x128xf32, #tpu.memory_space<vmem_shared>> -> memref<10000x128xf32, #tpu.memory_space<vmem_shared>>
      tpu.wait_indirect_dma semaphore(%arg14 : memref<!tpu.dma_semaphore, #tpu.memory_space<semaphore_mem>>) src(%arg10 : memref<125x128xf32, #tpu.memory_space<vmem>>) dst(%dma_wait3A_160 : memref<10000x128xf32, #tpu.memory_space<vmem_shared>>)
      %lt3A = arith.constant 19 : i32
      %lt3A_161 = arith.cmpi slt, %scan3A_115, %lt3A : i32
      %convert_element_type3A_162 = arith.extui %lt3A_161 : i1 to i32
      %cond3A_163 = arith.constant 0 : i32
      %cond3A_164 = arith.cmpi ne, %convert_element_type3A_162, %cond3A_163 : i32
      scf.if %cond3A_164 {
        %add3A_165 = arith.constant 2 : i32
        %add3A_166 = arith.addi %mul3A_117, %add3A_165 : i32
        %dma_start3A_167 = arith.constant 0 : i32
        %dma_start3A_168 = tpu.memref_slice %arg8[%add3A_166, %dma_start3A_167] : memref<40x125xi32, #tpu.memory_space<vmem>> -> memref<1x125xi32, #tpu.memory_space<vmem>>
        %dma_start3A_169 = tpu.memref_squeeze %dma_start3A_168 : memref<1x125xi32, #tpu.memory_space<vmem>> -> memref<125xi32, #tpu.memory_space<vmem>>
        %dma_start3A_170 = arith.constant 0 : i32
        %dma_start3A_171 = arith.constant 0 : i32
        %dma_start3A_172 = tpu.memref_slice %arg4[%dma_start3A_170, %dma_start3A_171] : memref<10000x128xf32, #tpu.memory_space<hbm>> -> memref<10000x128xf32, #tpu.memory_space<hbm>>
        tpu.enqueue_indirect_dma source(%dma_start3A_172 : memref<10000x128xf32, #tpu.memory_space<hbm>>) target(%arg10 : memref<125x128xf32, #tpu.memory_space<vmem>>) offsets(%dma_start3A_169 : memref<125xi32, #tpu.memory_space<vmem>>) semaphore(%arg12 : memref<!tpu.dma_semaphore, #tpu.memory_space<semaphore_mem>>)
      } else {
      }
    }
    %scan3A_101 = arith.constant 20 : i32
    %dma_wait3A_102 = arith.constant 0 : i32
    %dma_wait3A_103 = arith.constant 0 : i32
    %dma_wait3A_104 = tpu.memref_slice %arg9[%dma_wait3A_102, %dma_wait3A_103] : memref<40x125xi32, #tpu.memory_space<vmem>> -> memref<1x125xi32, #tpu.memory_space<vmem>>
    %dma_wait3A_105 = tpu.memref_squeeze %dma_wait3A_104 : memref<1x125xi32, #tpu.memory_space<vmem>> -> memref<125xi32, #tpu.memory_space<vmem>>
    %dma_wait3A_106 = arith.constant 0 : i32
    %dma_wait3A_107 = arith.constant 0 : i32
    %dma_wait3A_108 = tpu.memref_slice %arg16[%dma_wait3A_106, %dma_wait3A_107] : memref<10000x128xf32, #tpu.memory_space<vmem_shared>> -> memref<10000x128xf32, #tpu.memory_space<vmem_shared>>
    tpu.wait_indirect_dma semaphore(%arg15 : memref<!tpu.dma_semaphore, #tpu.memory_space<semaphore_mem>>) src(%arg11 : memref<125x128xf32, #tpu.memory_space<vmem>>) dst(%dma_wait3A_108 : memref<10000x128xf32, #tpu.memory_space<vmem_shared>>)
    %barrier3A_109 = arith.constant 0 : index
    tpu.barrier barrier_id(%barrier3A_109)
    %mul3A_110 = arith.constant 625 : i32
    %mul3A_111 = arith.muli %arg1, %mul3A_110 : i32
    %mul3A_112 = arith.constant 625 : i32
    %mul3A_113 = arith.muli %arg1, %mul3A_112 : i32
    "tpu.region"() ({
      %run_scoped3A_115 = tpu.sem_alloc : memref<!tpu.dma_semaphore, #tpu.memory_space<semaphore_mem>>
      %dma_start3A_116 = arith.constant 0 : i32
      %dma_start3A_117 = tpu.memref_slice %arg7[%arg0, %mul3A_113, %dma_start3A_116] : memref<2x10000x128xf32, #tpu.memory_space<hbm>> -> memref<1x625x128xf32, #tpu.memory_space<hbm>>
      %dma_start3A_118 = tpu.memref_squeeze %dma_start3A_117 : memref<1x625x128xf32, #tpu.memory_space<hbm>> -> memref<625x128xf32, #tpu.memory_space<hbm>>
      %dma_start3A_119 = arith.constant 0 : i32
      %dma_start3A_120 = tpu.memref_slice %arg16[%mul3A_111, %dma_start3A_119] : memref<10000x128xf32, #tpu.memory_space<vmem_shared>> -> memref<625x128xf32, #tpu.memory_space<vmem_shared>>
      tpu.enqueue_dma source(%dma_start3A_120 : memref<625x128xf32, #tpu.memory_space<vmem_shared>>) target(%dma_start3A_118 : memref<625x128xf32, #tpu.memory_space<hbm>>) target_semaphore(%run_scoped3A_115 : memref<!tpu.dma_semaphore, #tpu.memory_space<semaphore_mem>>)
      %dma_wait3A_121 = arith.constant 0 : i32
      %dma_wait3A_122 = tpu.memref_slice %arg7[%arg0, %mul3A_113, %dma_wait3A_121] : memref<2x10000x128xf32, #tpu.memory_space<hbm>> -> memref<1x625x128xf32, #tpu.memory_space<hbm>>
      %dma_wait3A_123 = tpu.memref_squeeze %dma_wait3A_122 : memref<1x625x128xf32, #tpu.memory_space<hbm>> -> memref<625x128xf32, #tpu.memory_space<hbm>>
      %dma_wait3A_124 = arith.constant 0 : i32
      %dma_wait3A_125 = tpu.memref_slice %arg16[%mul3A_111, %dma_wait3A_124] : memref<10000x128xf32, #tpu.memory_space<vmem_shared>> -> memref<625x128xf32, #tpu.memory_space<vmem_shared>>
      tpu.wait_dma2 semaphore(%run_scoped3A_115 : memref<!tpu.dma_semaphore, #tpu.memory_space<semaphore_mem>>) src(%dma_wait3A_125 : memref<625x128xf32, #tpu.memory_space<vmem_shared>>) dst(%dma_wait3A_123 : memref<625x128xf32, #tpu.memory_space<hbm>>)
      tpu.yield
    }) : () -> ()
    %barrier3A_114 = arith.constant 0 : index
    tpu.barrier barrier_id(%barrier3A_114)
    return
  }
}

module attributes {stable_mosaic.version = 14 : i64} {
  func.func @_tc1_body(%arg0: i32, %arg1: memref<10000x128xf32, #tpu.memory_space<vmem>>, %arg2: memref<128x128xf32, #tpu.memory_space<vmem>>, %arg3: memref<128x128xf32, #tpu.memory_space<vmem>>, %arg4: memref<10000x128xf32, #tpu.memory_space<vmem>>, %arg5: memref<10000x128xf32, #tpu.memory_space<vmem>>, %arg6: memref<10000x128xf32, #tpu.memory_space<vmem>>, %arg7: memref<10000x128xf32, #tpu.memory_space<vmem>>) attributes {dimension_semantics = [#tpu.dimension_semantics<arbitrary>], iteration_bounds = array<i64: 1>, scalar_prefetch = 0 : i64, scratch_operands = 0 : i64, tpu.core_type = #tpu.core_type<tc>, window_params = [{transform_indices = @transform_0, window_bounds = array<i64: 10000, 128>}, {pipeline_mode = #tpu.pipeline_mode<synchronous>, transform_indices = @transform_1, window_bounds = array<i64: 128, 128>}, {pipeline_mode = #tpu.pipeline_mode<synchronous>, transform_indices = @transform_2, window_bounds = array<i64: 128, 128>}, {transform_indices = @transform_3, window_bounds = array<i64: 10000, 128>}, {transform_indices = @transform_4, window_bounds = array<i64: 10000, 128>}, {transform_indices = @transform_5, window_bounds = array<i64: 10000, 128>}, {transform_indices = @transform_6, window_bounds = array<i64: 10000, 128>}]} {
    %get3A = arith.constant 0 : index
    %get3A_0 = arith.constant 0 : index
    %get3A_1 = vector.load %arg4[%get3A, %get3A_0] : memref<10000x128xf32, #tpu.memory_space<vmem>>, vector<10000x128xf32>
    %get3A_2 = arith.constant 0 : index
    %get3A_3 = arith.constant 0 : index
    %get3A_4 = vector.load %arg5[%get3A_2, %get3A_3] : memref<10000x128xf32, #tpu.memory_space<vmem>>, vector<10000x128xf32>
    %get3A_5 = arith.constant 0 : index
    %get3A_6 = arith.constant 0 : index
    %get3A_7 = vector.load %arg1[%get3A_5, %get3A_6] : memref<10000x128xf32, #tpu.memory_space<vmem>>, vector<10000x128xf32>
    %get3A_8 = arith.constant 0 : index
    %get3A_9 = arith.constant 0 : index
    %get3A_10 = vector.load %arg2[%get3A_8, %get3A_9] : memref<128x128xf32, #tpu.memory_space<vmem>>, vector<128x128xf32>
    %dot_general3A = arith.constant dense<0.000000e+00> : vector<10000x128xf32>
    %dot_general3A_11 = tpu.matmul %get3A_7, %get3A_10, %dot_general3A {dimension_numbers = #tpu.dot_dimension_numbers<[1], [0], [0], [1], [0, 0, 1, 1], [], []>, transpose_lhs_hint = false} : vector<10000x128xf32>, vector<128x128xf32>, vector<10000x128xf32> -> vector<10000x128xf32>
    %mul3A = arith.mulf %get3A_1, %dot_general3A_11 : vector<10000x128xf32>
    %swap3A = arith.constant 0 : index
    %swap3A_12 = arith.constant 0 : index
    %swap3A_13 = vector.load %arg6[%swap3A, %swap3A_12] : memref<10000x128xf32, #tpu.memory_space<vmem>>, vector<10000x128xf32>
    tpu.vector_store %arg6[%swap3A, %swap3A_12], %mul3A {strides = array<i32>} : memref<10000x128xf32, #tpu.memory_space<vmem>>, vector<10000x128xf32>,
    %get3A_14 = arith.constant 0 : index
    %get3A_15 = arith.constant 0 : index
    %get3A_16 = vector.load %arg3[%get3A_14, %get3A_15] : memref<128x128xf32, #tpu.memory_space<vmem>>, vector<128x128xf32>
    %dot_general3A_17 = arith.constant dense<0.000000e+00> : vector<10000x128xf32>
    %dot_general3A_18 = tpu.matmul %get3A_7, %get3A_16, %dot_general3A_17 {dimension_numbers = #tpu.dot_dimension_numbers<[1], [0], [0], [1], [0, 0, 1, 1], [], []>, transpose_lhs_hint = false} : vector<10000x128xf32>, vector<128x128xf32>, vector<10000x128xf32> -> vector<10000x128xf32>
    %mul3A_19 = arith.mulf %get3A_4, %dot_general3A_18 : vector<10000x128xf32>
    %swap3A_20 = arith.constant 0 : index
    %swap3A_21 = arith.constant 0 : index
    %swap3A_22 = vector.load %arg7[%swap3A_20, %swap3A_21] : memref<10000x128xf32, #tpu.memory_space<vmem>>, vector<10000x128xf32>
    tpu.vector_store %arg7[%swap3A_20, %swap3A_21], %mul3A_19 {strides = array<i32>} : memref<10000x128xf32, #tpu.memory_space<vmem>>, vector<10000x128xf32>,
    return
  }
  func.func @transform_0(%arg0: i32) -> (i32, i32) {
    %c0_i32 = arith.constant 0 : i32
    %c0_i32_0 = arith.constant 0 : i32
    return %arg0, %c0_i32 : i32, i32
  }
  func.func @transform_1(%arg0: i32) -> (i32, i32) {
    %c0_i32 = arith.constant 0 : i32
    %c0_i32_0 = arith.constant 0 : i32
    %c0_i32_1 = arith.constant 0 : i32
    return %c0_i32, %c0_i32_0 : i32, i32
  }
  func.func @transform_2(%arg0: i32) -> (i32, i32) {
    %c0_i32 = arith.constant 0 : i32
    %c0_i32_0 = arith.constant 0 : i32
    %c0_i32_1 = arith.constant 0 : i32
    return %c0_i32, %c0_i32_0 : i32, i32
  }
  func.func @transform_3(%arg0: i32) -> (i32, i32) {
    %c0_i32 = arith.constant 0 : i32
    %c0_i32_0 = arith.constant 0 : i32
    return %arg0, %c0_i32 : i32, i32
  }
  func.func @transform_4(%arg0: i32) -> (i32, i32) {
    %c0_i32 = arith.constant 0 : i32
    %c0_i32_0 = arith.constant 0 : i32
    return %arg0, %c0_i32 : i32, i32
  }
  func.func @transform_5(%arg0: i32) -> (i32, i32) {
    %c0_i32 = arith.constant 0 : i32
    %c0_i32_0 = arith.constant 0 : i32
    return %arg0, %c0_i32 : i32, i32
  }
  func.func @transform_6(%arg0: i32) -> (i32, i32) {
    %c0_i32 = arith.constant 0 : i32
    %c0_i32_0 = arith.constant 0 : i32
    return %arg0, %c0_i32 : i32, i32
  }
}

module attributes {stable_mosaic.version = 14 : i64} {
  func.func @_tc2_body(%arg0: i32, %arg1: memref<2x10000x128xf32, #tpu.memory_space<vmem>>, %arg2: memref<1x128xf32, #tpu.memory_space<vmem>>, %arg3: memref<128x128xf32, #tpu.memory_space<vmem>>, %arg4: memref<10000x128xf32, #tpu.memory_space<vmem>>, %arg5: memref<2x10000x128xf32, #tpu.memory_space<vmem>>, %arg6: memref<1x128xf32, #tpu.memory_space<vmem>>, %arg7: memref<128x128xf32, #tpu.memory_space<vmem>>, %arg8: memref<10000x128xf32, #tpu.memory_space<vmem>>, %arg9: memref<10000x128xf32, #tpu.memory_space<vmem>>, %arg10: memref<10000x128xf32, #tpu.memory_space<vmem>>) attributes {dimension_semantics = [#tpu.dimension_semantics<arbitrary>], iteration_bounds = array<i64: 1>, scalar_prefetch = 0 : i64, scratch_operands = 0 : i64, tpu.core_type = #tpu.core_type<tc>, window_params = [{transform_indices = @transform_0, window_bounds = array<i64: 2, 10000, 128>}, {pipeline_mode = #tpu.pipeline_mode<synchronous>, transform_indices = @transform_1, window_bounds = array<i64: 1, 128>}, {pipeline_mode = #tpu.pipeline_mode<synchronous>, transform_indices = @transform_2, window_bounds = array<i64: 128, 128>}, {transform_indices = @transform_3, window_bounds = array<i64: 10000, 128>}, {transform_indices = @transform_4, window_bounds = array<i64: 2, 10000, 128>}, {pipeline_mode = #tpu.pipeline_mode<synchronous>, transform_indices = @transform_5, window_bounds = array<i64: 1, 128>}, {pipeline_mode = #tpu.pipeline_mode<synchronous>, transform_indices = @transform_6, window_bounds = array<i64: 128, 128>}, {transform_indices = @transform_7, window_bounds = array<i64: 10000, 128>}, {transform_indices = @transform_8, window_bounds = array<i64: 10000, 128>}, {transform_indices = @transform_9, window_bounds = array<i64: 10000, 128>}]} {
    %get3A = arith.constant 0 : index
    %get3A_0 = arith.constant 0 : index
    %get3A_1 = vector.load %arg4[%get3A, %get3A_0] : memref<10000x128xf32, #tpu.memory_space<vmem>>, vector<10000x128xf32>
    %get3A_2 = arith.constant 0 : index
    %get3A_3 = arith.constant 0 : index
    %get3A_4 = vector.load %arg8[%get3A_2, %get3A_3] : memref<10000x128xf32, #tpu.memory_space<vmem>>, vector<10000x128xf32>
    %get3A_5 = arith.constant 0 : index
    %get3A_6 = arith.constant 0 : index
    %get3A_7 = arith.constant 0 : index
    %get3A_8 = vector.load %arg1[%get3A_5, %get3A_6, %get3A_7] : memref<2x10000x128xf32, #tpu.memory_space<vmem>>, vector<1x10000x128xf32>
    %get3A_9 = vector.shape_cast %get3A_8 : vector<1x10000x128xf32> to vector<10000x128xf32>
    %get3A_10 = arith.constant 1 : index
    %get3A_11 = arith.constant 0 : index
    %get3A_12 = arith.constant 0 : index
    %get3A_13 = vector.load %arg1[%get3A_10, %get3A_11, %get3A_12] : memref<2x10000x128xf32, #tpu.memory_space<vmem>>, vector<1x10000x128xf32>
    %get3A_14 = vector.shape_cast %get3A_13 : vector<1x10000x128xf32> to vector<10000x128xf32>
    %add3A = arith.addf %get3A_9, %get3A_14 : vector<10000x128xf32>
    %mul3A = arith.mulf %get3A_1, %add3A : vector<10000x128xf32>
    %get3A_15 = arith.constant 0 : index
    %get3A_16 = arith.constant 0 : index
    %get3A_17 = vector.load %arg2[%get3A_15, %get3A_16] : memref<1x128xf32, #tpu.memory_space<vmem>>, vector<1x128xf32>
    %add3A_18 = vector.broadcast %get3A_17 : vector<1x128xf32> to vector<10000x128xf32>
    %add3A_19 = arith.addf %mul3A, %add3A_18 : vector<10000x128xf32>
    %max3A = arith.constant 0.000000e+00 : f32
    %max3A_20 = vector.broadcast %max3A : f32 to vector<10000x128xf32>
    %max3A_21 = arith.maximumf %add3A_19, %max3A_20 : vector<10000x128xf32>
    %get3A_22 = arith.constant 0 : index
    %get3A_23 = arith.constant 0 : index
    %get3A_24 = arith.constant 0 : index
    %get3A_25 = vector.load %arg5[%get3A_22, %get3A_23, %get3A_24] : memref<2x10000x128xf32, #tpu.memory_space<vmem>>, vector<1x10000x128xf32>
    %get3A_26 = vector.shape_cast %get3A_25 : vector<1x10000x128xf32> to vector<10000x128xf32>
    %get3A_27 = arith.constant 1 : index
    %get3A_28 = arith.constant 0 : index
    %get3A_29 = arith.constant 0 : index
    %get3A_30 = vector.load %arg5[%get3A_27, %get3A_28, %get3A_29] : memref<2x10000x128xf32, #tpu.memory_space<vmem>>, vector<1x10000x128xf32>
    %get3A_31 = vector.shape_cast %get3A_30 : vector<1x10000x128xf32> to vector<10000x128xf32>
    %add3A_32 = arith.addf %get3A_26, %get3A_31 : vector<10000x128xf32>
    %mul3A_33 = arith.mulf %get3A_4, %add3A_32 : vector<10000x128xf32>
    %get3A_34 = arith.constant 0 : index
    %get3A_35 = arith.constant 0 : index
    %get3A_36 = vector.load %arg6[%get3A_34, %get3A_35] : memref<1x128xf32, #tpu.memory_space<vmem>>, vector<1x128xf32>
    %add3A_37 = vector.broadcast %get3A_36 : vector<1x128xf32> to vector<10000x128xf32>
    %add3A_38 = arith.addf %mul3A_33, %add3A_37 : vector<10000x128xf32>
    %max3A_39 = arith.constant 0.000000e+00 : f32
    %max3A_40 = vector.broadcast %max3A_39 : f32 to vector<10000x128xf32>
    %max3A_41 = arith.maximumf %add3A_38, %max3A_40 : vector<10000x128xf32>
    %get3A_42 = arith.constant 0 : index
    %get3A_43 = arith.constant 0 : index
    %get3A_44 = vector.load %arg3[%get3A_42, %get3A_43] : memref<128x128xf32, #tpu.memory_space<vmem>>, vector<128x128xf32>
    %dot_general3A = arith.constant dense<0.000000e+00> : vector<10000x128xf32>
    %dot_general3A_45 = tpu.matmul %max3A_21, %get3A_44, %dot_general3A {dimension_numbers = #tpu.dot_dimension_numbers<[1], [0], [0], [1], [0, 0, 1, 1], [], []>, transpose_lhs_hint = false} : vector<10000x128xf32>, vector<128x128xf32>, vector<10000x128xf32> -> vector<10000x128xf32>
    %mul3A_46 = arith.mulf %get3A_1, %dot_general3A_45 : vector<10000x128xf32>
    %swap3A = arith.constant 0 : index
    %swap3A_47 = arith.constant 0 : index
    %swap3A_48 = vector.load %arg9[%swap3A, %swap3A_47] : memref<10000x128xf32, #tpu.memory_space<vmem>>, vector<10000x128xf32>
    tpu.vector_store %arg9[%swap3A, %swap3A_47], %mul3A_46 {strides = array<i32>} : memref<10000x128xf32, #tpu.memory_space<vmem>>, vector<10000x128xf32>,
    %get3A_49 = arith.constant 0 : index
    %get3A_50 = arith.constant 0 : index
    %get3A_51 = vector.load %arg7[%get3A_49, %get3A_50] : memref<128x128xf32, #tpu.memory_space<vmem>>, vector<128x128xf32>
    %dot_general3A_52 = arith.constant dense<0.000000e+00> : vector<10000x128xf32>
    %dot_general3A_53 = tpu.matmul %max3A_41, %get3A_51, %dot_general3A_52 {dimension_numbers = #tpu.dot_dimension_numbers<[1], [0], [0], [1], [0, 0, 1, 1], [], []>, transpose_lhs_hint = false} : vector<10000x128xf32>, vector<128x128xf32>, vector<10000x128xf32> -> vector<10000x128xf32>
    %mul3A_54 = arith.mulf %get3A_4, %dot_general3A_53 : vector<10000x128xf32>
    %swap3A_55 = arith.constant 0 : index
    %swap3A_56 = arith.constant 0 : index
    %swap3A_57 = vector.load %arg10[%swap3A_55, %swap3A_56] : memref<10000x128xf32, #tpu.memory_space<vmem>>, vector<10000x128xf32>
    tpu.vector_store %arg10[%swap3A_55, %swap3A_56], %mul3A_54 {strides = array<i32>} : memref<10000x128xf32, #tpu.memory_space<vmem>>, vector<10000x128xf32>,
    return
  }
  func.func @transform_0(%arg0: i32) -> (i32, i32, i32) {
    %c0_i32 = arith.constant 0 : i32
    %c0_i32_0 = arith.constant 0 : i32
    %c0_i32_1 = arith.constant 0 : i32
    return %c0_i32, %arg0, %c0_i32_0 : i32, i32, i32
  }
  func.func @transform_1(%arg0: i32) -> (i32, i32) {
    %c0_i32 = arith.constant 0 : i32
    %c0_i32_0 = arith.constant 0 : i32
    %c0_i32_1 = arith.constant 0 : i32
    return %c0_i32, %c0_i32_0 : i32, i32
  }
  func.func @transform_2(%arg0: i32) -> (i32, i32) {
    %c0_i32 = arith.constant 0 : i32
    %c0_i32_0 = arith.constant 0 : i32
    %c0_i32_1 = arith.constant 0 : i32
    return %c0_i32, %c0_i32_0 : i32, i32
  }
  func.func @transform_3(%arg0: i32) -> (i32, i32) {
    %c0_i32 = arith.constant 0 : i32
    %c0_i32_0 = arith.constant 0 : i32
    return %arg0, %c0_i32 : i32, i32
  }
  func.func @transform_4(%arg0: i32) -> (i32, i32, i32) {
    %c0_i32 = arith.constant 0 : i32
    %c0_i32_0 = arith.constant 0 : i32
    %c0_i32_1 = arith.constant 0 : i32
    return %c0_i32, %arg0, %c0_i32_0 : i32, i32, i32
  }
  func.func @transform_5(%arg0: i32) -> (i32, i32) {
    %c0_i32 = arith.constant 0 : i32
    %c0_i32_0 = arith.constant 0 : i32
    %c0_i32_1 = arith.constant 0 : i32
    return %c0_i32, %c0_i32_0 : i32, i32
  }
  func.func @transform_6(%arg0: i32) -> (i32, i32) {
    %c0_i32 = arith.constant 0 : i32
    %c0_i32_0 = arith.constant 0 : i32
    %c0_i32_1 = arith.constant 0 : i32
    return %c0_i32, %c0_i32_0 : i32, i32
  }
  func.func @transform_7(%arg0: i32) -> (i32, i32) {
    %c0_i32 = arith.constant 0 : i32
    %c0_i32_0 = arith.constant 0 : i32
    return %arg0, %c0_i32 : i32, i32
  }
  func.func @transform_8(%arg0: i32) -> (i32, i32) {
    %c0_i32 = arith.constant 0 : i32
    %c0_i32_0 = arith.constant 0 : i32
    return %arg0, %c0_i32 : i32, i32
  }
  func.func @transform_9(%arg0: i32) -> (i32, i32) {
    %c0_i32 = arith.constant 0 : i32
    %c0_i32_0 = arith.constant 0 : i32
    return %arg0, %c0_i32 : i32, i32
  }
}

module attributes {stable_mosaic.version = 14 : i64} {
  func.func @_tc3_body(%arg0: i32, %arg1: memref<2x10000x128xf32, #tpu.memory_space<vmem>>, %arg2: memref<1x128xf32, #tpu.memory_space<vmem>>, %arg3: memref<128x128xf32, #tpu.memory_space<vmem>>, %arg4: memref<10000x128xf32, #tpu.memory_space<vmem>>, %arg5: memref<2x10000x128xf32, #tpu.memory_space<vmem>>, %arg6: memref<1x128xf32, #tpu.memory_space<vmem>>, %arg7: memref<128x128xf32, #tpu.memory_space<vmem>>, %arg8: memref<10000x128xf32, #tpu.memory_space<vmem>>, %arg9: memref<1x128xf32, #tpu.memory_space<vmem>>, %arg10: memref<10000x128xf32, #tpu.memory_space<vmem>>) attributes {dimension_semantics = [#tpu.dimension_semantics<arbitrary>], iteration_bounds = array<i64: 1>, scalar_prefetch = 0 : i64, scratch_operands = 0 : i64, tpu.core_type = #tpu.core_type<tc>, window_params = [{transform_indices = @transform_0, window_bounds = array<i64: 2, 10000, 128>}, {pipeline_mode = #tpu.pipeline_mode<synchronous>, transform_indices = @transform_1, window_bounds = array<i64: 1, 128>}, {pipeline_mode = #tpu.pipeline_mode<synchronous>, transform_indices = @transform_2, window_bounds = array<i64: 128, 128>}, {transform_indices = @transform_3, window_bounds = array<i64: 10000, 128>}, {transform_indices = @transform_4, window_bounds = array<i64: 2, 10000, 128>}, {pipeline_mode = #tpu.pipeline_mode<synchronous>, transform_indices = @transform_5, window_bounds = array<i64: 1, 128>}, {pipeline_mode = #tpu.pipeline_mode<synchronous>, transform_indices = @transform_6, window_bounds = array<i64: 128, 128>}, {transform_indices = @transform_7, window_bounds = array<i64: 10000, 128>}, {pipeline_mode = #tpu.pipeline_mode<synchronous>, transform_indices = @transform_8, window_bounds = array<i64: 1, 128>}, {transform_indices = @transform_9, window_bounds = array<i64: 10000, 128>}]} {
    %get3A = arith.constant 0 : index
    %get3A_0 = arith.constant 0 : index
    %get3A_1 = vector.load %arg4[%get3A, %get3A_0] : memref<10000x128xf32, #tpu.memory_space<vmem>>, vector<10000x128xf32>
    %get3A_2 = arith.constant 0 : index
    %get3A_3 = arith.constant 0 : index
    %get3A_4 = vector.load %arg8[%get3A_2, %get3A_3] : memref<10000x128xf32, #tpu.memory_space<vmem>>, vector<10000x128xf32>
    %get3A_5 = arith.constant 0 : index
    %get3A_6 = arith.constant 0 : index
    %get3A_7 = arith.constant 0 : index
    %get3A_8 = vector.load %arg1[%get3A_5, %get3A_6, %get3A_7] : memref<2x10000x128xf32, #tpu.memory_space<vmem>>, vector<1x10000x128xf32>
    %get3A_9 = vector.shape_cast %get3A_8 : vector<1x10000x128xf32> to vector<10000x128xf32>
    %get3A_10 = arith.constant 1 : index
    %get3A_11 = arith.constant 0 : index
    %get3A_12 = arith.constant 0 : index
    %get3A_13 = vector.load %arg1[%get3A_10, %get3A_11, %get3A_12] : memref<2x10000x128xf32, #tpu.memory_space<vmem>>, vector<1x10000x128xf32>
    %get3A_14 = vector.shape_cast %get3A_13 : vector<1x10000x128xf32> to vector<10000x128xf32>
    %add3A = arith.addf %get3A_9, %get3A_14 : vector<10000x128xf32>
    %mul3A = arith.mulf %get3A_1, %add3A : vector<10000x128xf32>
    %get3A_15 = arith.constant 0 : index
    %get3A_16 = arith.constant 0 : index
    %get3A_17 = vector.load %arg2[%get3A_15, %get3A_16] : memref<1x128xf32, #tpu.memory_space<vmem>>, vector<1x128xf32>
    %add3A_18 = vector.broadcast %get3A_17 : vector<1x128xf32> to vector<10000x128xf32>
    %add3A_19 = arith.addf %mul3A, %add3A_18 : vector<10000x128xf32>
    %get3A_20 = arith.constant 0 : index
    %get3A_21 = arith.constant 0 : index
    %get3A_22 = arith.constant 0 : index
    %get3A_23 = vector.load %arg5[%get3A_20, %get3A_21, %get3A_22] : memref<2x10000x128xf32, #tpu.memory_space<vmem>>, vector<1x10000x128xf32>
    %get3A_24 = vector.shape_cast %get3A_23 : vector<1x10000x128xf32> to vector<10000x128xf32>
    %get3A_25 = arith.constant 1 : index
    %get3A_26 = arith.constant 0 : index
    %get3A_27 = arith.constant 0 : index
    %get3A_28 = vector.load %arg5[%get3A_25, %get3A_26, %get3A_27] : memref<2x10000x128xf32, #tpu.memory_space<vmem>>, vector<1x10000x128xf32>
    %get3A_29 = vector.shape_cast %get3A_28 : vector<1x10000x128xf32> to vector<10000x128xf32>
    %add3A_30 = arith.addf %get3A_24, %get3A_29 : vector<10000x128xf32>
    %mul3A_31 = arith.mulf %get3A_4, %add3A_30 : vector<10000x128xf32>
    %get3A_32 = arith.constant 0 : index
    %get3A_33 = arith.constant 0 : index
    %get3A_34 = vector.load %arg6[%get3A_32, %get3A_33] : memref<1x128xf32, #tpu.memory_space<vmem>>, vector<1x128xf32>
    %add3A_35 = vector.broadcast %get3A_34 : vector<1x128xf32> to vector<10000x128xf32>
    %add3A_36 = arith.addf %mul3A_31, %add3A_35 : vector<10000x128xf32>
    %get3A_37 = arith.constant 0 : index
    %get3A_38 = arith.constant 0 : index
    %get3A_39 = vector.load %arg3[%get3A_37, %get3A_38] : memref<128x128xf32, #tpu.memory_space<vmem>>, vector<128x128xf32>
    %dot_general3A = arith.constant dense<0.000000e+00> : vector<10000x128xf32>
    %dot_general3A_40 = tpu.matmul %add3A_19, %get3A_39, %dot_general3A {dimension_numbers = #tpu.dot_dimension_numbers<[1], [0], [0], [1], [0, 0, 1, 1], [], []>, transpose_lhs_hint = false} : vector<10000x128xf32>, vector<128x128xf32>, vector<10000x128xf32> -> vector<10000x128xf32>
    %get3A_41 = arith.constant 0 : index
    %get3A_42 = arith.constant 0 : index
    %get3A_43 = vector.load %arg7[%get3A_41, %get3A_42] : memref<128x128xf32, #tpu.memory_space<vmem>>, vector<128x128xf32>
    %dot_general3A_44 = arith.constant dense<0.000000e+00> : vector<10000x128xf32>
    %dot_general3A_45 = tpu.matmul %add3A_36, %get3A_43, %dot_general3A_44 {dimension_numbers = #tpu.dot_dimension_numbers<[1], [0], [0], [1], [0, 0, 1, 1], [], []>, transpose_lhs_hint = false} : vector<10000x128xf32>, vector<128x128xf32>, vector<10000x128xf32> -> vector<10000x128xf32>
    %add3A_46 = arith.addf %dot_general3A_40, %dot_general3A_45 : vector<10000x128xf32>
    %get3A_47 = arith.constant 0 : index
    %get3A_48 = arith.constant 0 : index
    %get3A_49 = vector.load %arg9[%get3A_47, %get3A_48] : memref<1x128xf32, #tpu.memory_space<vmem>>, vector<1x128xf32>
    %add3A_50 = vector.broadcast %get3A_49 : vector<1x128xf32> to vector<10000x128xf32>
    %add3A_51 = arith.addf %add3A_46, %add3A_50 : vector<10000x128xf32>
    %swap3A = arith.constant 0 : index
    %swap3A_52 = arith.constant 0 : index
    %swap3A_53 = vector.load %arg10[%swap3A, %swap3A_52] : memref<10000x128xf32, #tpu.memory_space<vmem>>, vector<10000x128xf32>
    tpu.vector_store %arg10[%swap3A, %swap3A_52], %add3A_51 {strides = array<i32>} : memref<10000x128xf32, #tpu.memory_space<vmem>>, vector<10000x128xf32>,
    return
  }
  func.func @transform_0(%arg0: i32) -> (i32, i32, i32) {
    %c0_i32 = arith.constant 0 : i32
    %c0_i32_0 = arith.constant 0 : i32
    %c0_i32_1 = arith.constant 0 : i32
    return %c0_i32, %arg0, %c0_i32_0 : i32, i32, i32
  }
  func.func @transform_1(%arg0: i32) -> (i32, i32) {
    %c0_i32 = arith.constant 0 : i32
    %c0_i32_0 = arith.constant 0 : i32
    %c0_i32_1 = arith.constant 0 : i32
    return %c0_i32, %c0_i32_0 : i32, i32
  }
  func.func @transform_2(%arg0: i32) -> (i32, i32) {
    %c0_i32 = arith.constant 0 : i32
    %c0_i32_0 = arith.constant 0 : i32
    %c0_i32_1 = arith.constant 0 : i32
    return %c0_i32, %c0_i32_0 : i32, i32
  }
  func.func @transform_3(%arg0: i32) -> (i32, i32) {
    %c0_i32 = arith.constant 0 : i32
    %c0_i32_0 = arith.constant 0 : i32
    return %arg0, %c0_i32 : i32, i32
  }
  func.func @transform_4(%arg0: i32) -> (i32, i32, i32) {
    %c0_i32 = arith.constant 0 : i32
    %c0_i32_0 = arith.constant 0 : i32
    %c0_i32_1 = arith.constant 0 : i32
    return %c0_i32, %arg0, %c0_i32_0 : i32, i32, i32
  }
  func.func @transform_5(%arg0: i32) -> (i32, i32) {
    %c0_i32 = arith.constant 0 : i32
    %c0_i32_0 = arith.constant 0 : i32
    %c0_i32_1 = arith.constant 0 : i32
    return %c0_i32, %c0_i32_0 : i32, i32
  }
  func.func @transform_6(%arg0: i32) -> (i32, i32) {
    %c0_i32 = arith.constant 0 : i32
    %c0_i32_0 = arith.constant 0 : i32
    %c0_i32_1 = arith.constant 0 : i32
    return %c0_i32, %c0_i32_0 : i32, i32
  }
  func.func @transform_7(%arg0: i32) -> (i32, i32) {
    %c0_i32 = arith.constant 0 : i32
    %c0_i32_0 = arith.constant 0 : i32
    return %arg0, %c0_i32 : i32, i32
  }
  func.func @transform_8(%arg0: i32) -> (i32, i32) {
    %c0_i32 = arith.constant 0 : i32
    %c0_i32_0 = arith.constant 0 : i32
    %c0_i32_1 = arith.constant 0 : i32
    return %c0_i32, %c0_i32_0 : i32, i32
  }
  func.func @transform_9(%arg0: i32) -> (i32, i32) {
    %c0_i32 = arith.constant 0 : i32
    %c0_i32_0 = arith.constant 0 : i32
    return %arg0, %c0_i32 : i32, i32
  }
}

</mosaic_0001>

<sc_bundles>
// kernel: kernel.11.cloned.1.call-start
scs
__scs_entry_jumppad:
0x0: {  	(pc) =	sbr.rel $0x88, $3  }
0x1: {  	(tag) =	ssettag $0x0;
	lr =	simm.s32 $0x1  }
0x2: {  	[smem:$0x3F95] =	sst lr;
	_ =	strace $0xD0000000  }
0x3: {  	_ = 	snop  }
0x4: {  	_ = 	snop  }
0x5: {  	_ = 	snop  }
0x6: {  	_ = 	snop  }
0x7: {  	_ = 	snop  }
__scs_overlays_trampoline_lowered:
0x8: {  	[smem:$0x3FA4] =	sst s0  }
0x9: {  	[smem:$0x3FA5] =	sst s1  }
0xa: {  	[smem:$0x3FA6] =	sst s2  }
0xb: {  	[smem:$0x3FA7] =	sst s3  }
0xc: {  	[smem:$0x3FA8] =	sst s4  }
0xd: {  	[smem:$0x3FA9] =	sst s5  }
0xe: {  	[smem:$0x3FAA] =	sst s6  }
0xf: {  	[smem:$0x3FAB] =	sst s7  }
0x10: {  	[smem:$0x3FAC] =	sst s8  }
0x11: {  	[smem:$0x3FAD] =	sst s9;
	s0 =	simm.s32 @!p0 $0x0  }
0x12: {  	s1 =	sld [smem:$0x3F93];
	s0 =	simm.s32 @p0 $0x1  }
0x13: {  	[smem:$0x3FAE] =	sst s0;
	s0 =	simm.s32 @!p1 $0x0  }
0x14: {  	s2 =	sld [smem:$0x3F92];
	s0 =	simm.s32 @p1 $0x1  }
0x15: {  	[smem:$0x3FAF] =	sst s0;
	s0 =	simm.s32 @!p2 $0x0  }
0x16: {  	s3 =	sld [smem:$0x3FDB];
	s0 =	simm.s32 @p2 $0x1  }
0x17: {  	s4 =	simm.s32 $0x1BF5;
	[smem:$0x3FB1] =	sst s0  }
0x18: {  	s0 =	sld [smem:$0x3F94];
	_ =	swait.ge [sflag:s4], $0x0  }
0x19: {  	s7 =	sld [smem:$0x3F95]  }
0x1a: {  	s8 =	sadd.s32 $0xFFFFE003, lr  }
0x1b: {  	s9 =	sadd.s32 $0xFFFFFEF7, lr;
	s5 =	simm.s32 $0xFFFFFFFF;
	p2 =	slt.u32 s8, $0xFFFFF086  }
0x1c: {  	p1 =	slt.u32 s9, $0xF7A;
	s5 =	simm.s32 @!p2 $0x0  }
0x1d: {  	s5 =	simm.s32 @p1 $0x1;
	p0 =	seq.s32 s7, s2  }
0x1e: {  	s7 =	smul.u32 @!p0 $0xF7A, s2;
	p2 =	seq.s32 @!p0 s5, $0x0  }
0x1f: {  	s9 =	smul.u32 $0xF7A, s1;
	s8 =	simm.s32 @!p0 $0x1BF5;
	p2 =	por !p2, p0  }
0x20: {  	[sflag:s8] =	ssyncset.s32 @!p0 $0xFFFFF086;
	s6 =	sadd.s32 @!p0 s3, s7;
	s7 =	simm.s32 @!p0 $0x108  }
0x21: {  	s3 =	sadd.s32 s3, s9;
	s6 =	sadd.s32 @!p0 $0x88, s6;
	s7 =	simm.s32 @p2 $0x1082  }
0x22: {  	[simem:s7], [sflag:s8] =	dma.local @!p0 [hbm:s6], $0xF7A  }
0x23: {  	s9 =	sor.u32 $0xD0000000, s2;
	s6 =	simm.s32 $0x108;
	_ =	swait.ge @!p0 [sflag:s8], $0x0  }
0x24: {  	s3 =	sadd.s32 $0x88, s3;
	s6 =	simm.s32 @!p1 $0x1082;
	[sflag:s4] =	ssyncset.s32 $0xFFFFF086  }
0x25: {  	[simem:s6], [sflag:s4] =	dma.local [hbm:s3], $0xF7A  }
0x26: {  	[smem:$0x3F95] =	sst s1;
	(tag) =	ssettag s2;
	_ =	strace s9  }
0x27: {  	s1 =	sld [smem:$0x3FA5]  }
0x28: {  	s2 =	sld [smem:$0x3FA6]  }
0x29: {  	s4 =	sld [smem:$0x3FA8]  }
0x2a: {  	p0 =	seq.s32 s5, $0x0;
	s5 =	sld [smem:$0x3FA9]  }
0x2b: {  	s6 =	sld [smem:$0x3FAA]  }
0x2c: {  	s7 =	sld [smem:$0x3FAB]  }
0x2d: {  	s3 =	simm.s32 $0x108;
	s8 =	sld [smem:$0x3FAC]  }
0x2e: {  	s3 =	simm.s32 @!p0 $0x1082;
	s9 =	sld [smem:$0x3FAD]  }
0x2f: {  	lr =	sadd.s32 s0, s3;
	s0 =	sld [smem:$0x3FA4]  }
0x30: {  	s3 =	sld [smem:$0x3FA7]  }
0x31: {  	[smem:$0x3FB0] =	sst s10  }
0x32: {  	s10 =	sld [smem:$0x3FAE];
	_ =	sdelay $0x3  }
0x33: {  	p0 =	seq.s32 s10, $0x1;
	s10 =	sld [smem:$0x3FB0];
	_ =	sdelay $0x3  }
0x34: {  	[smem:$0x3FB0] =	sst s10  }
0x35: {  	s10 =	sld [smem:$0x3FAF];
	_ =	sdelay $0x3  }
0x36: {  	p1 =	seq.s32 s10, $0x1;
	s10 =	sld [smem:$0x3FB0];
	_ =	sdelay $0x3  }
0x37: {  	[smem:$0x3FB0] =	sst s10  }
0x38: {  	s10 =	sld [smem:$0x3FB1]  }
0x39: {  	_ = 	snop;
	(pc) =	sbr.ind lr, $3  }
0x3a: {  	_ = 	snop  }
0x3b: {  	_ = 	snop  }
0x3c: {  	p2 =	seq.s32 s10, $0x1;
	s10 =	sld [smem:$0x3FB0]  }
0x3d: {  	_ =	shalt  }
0x3e: {  	_ =	shalt  }
0x3f: {  	_ =	shalt  }
0x40: {  	_ =	shalt  }
0x41: {  	_ =	shalt  }
0x42: {  	_ =	shalt  }
0x43: {  	_ =	shalt  }
0x44: {  	_ =	shalt  }
0x45: {  	_ =	shalt  }
0x46: {  	_ =	shalt  }
0x47: {  	_ =	shalt  }
0x48: {  	_ =	shalt  }
0x49: {  	_ =	shalt  }
0x4a: {  	_ =	shalt  }
0x4b: {  	_ =	shalt  }
0x4c: {  	_ =	shalt  }
0x4d: {  	_ =	shalt  }
0x4e: {  	_ =	shalt  }
0x4f: {  	_ =	shalt  }
0x50: {  	_ =	shalt  }
0x51: {  	_ =	shalt  }
0x52: {  	_ =	shalt  }
0x53: {  	_ =	shalt  }
0x54: {  	_ =	shalt  }
0x55: {  	_ =	shalt  }
0x56: {  	_ =	shalt  }
0x57: {  	_ =	shalt  }
0x58: {  	_ =	shalt  }
0x59: {  	_ =	shalt  }
0x5a: {  	_ =	shalt  }
0x5b: {  	_ =	shalt  }
0x5c: {  	_ =	shalt  }
0x5d: {  	_ =	shalt  }
0x5e: {  	_ =	shalt  }
0x5f: {  	_ =	shalt  }
0x60: {  	_ =	shalt  }
0x61: {  	_ =	shalt  }
0x62: {  	_ =	shalt  }
0x63: {  	_ =	shalt  }
0x64: {  	_ =	shalt  }
0x65: {  	_ =	shalt  }
0x66: {  	_ =	shalt  }
0x67: {  	_ =	shalt  }
0x68: {  	_ =	shalt  }
0x69: {  	_ =	shalt  }
0x6a: {  	_ =	shalt  }
0x6b: {  	_ =	shalt  }
0x6c: {  	_ =	shalt  }
0x6d: {  	_ =	shalt  }
0x6e: {  	_ =	shalt  }
0x6f: {  	_ =	shalt  }
0x70: {  	_ =	shalt  }
0x71: {  	_ =	shalt  }
0x72: {  	_ =	shalt  }
0x73: {  	_ =	shalt  }
0x74: {  	_ =	shalt  }
0x75: {  	_ =	shalt  }
0x76: {  	_ =	shalt  }
0x77: {  	_ =	shalt  }
0x78: {  	_ =	shalt  }
0x79: {  	_ =	shalt  }
0x7a: {  	_ =	shalt  }
0x7b: {  	_ =	shalt  }
0x7c: {  	_ =	shalt  }
0x7d: {  	_ =	shalt  }
0x7e: {  	_ =	shalt  }
0x7f: {  	_ =	shalt  }
0x80: {  	_ =	shalt  }
0x81: {  	_ =	shalt  }
0x82: {  	_ =	shalt  }
0x83: {  	_ =	shalt  }
0x84: {  	_ =	shalt  }
0x85: {  	_ =	shalt  }
0x86: {  	_ =	shalt  }
0x87: {  	_ =	shalt  }
.Lfunc_end0:
.L_simem_size_0:
called_computation.1_lowered:
.L_overlay_start_0:
0x88: {  	s2 =	sld [smem:$0x3FD9]  }
0x89: {  	s3 =	sld [smem:$0x3FFE];
	_ =	sdelay $0x1  }
0x8a: {  	s1 =	srdreg.scid  }
0x8b: {  	s0 =	sand.u32 $0x1, s1  }
0x8c: {  	s16 =	sshll.u32 s0, $0xA;
	s2 =	sadd.s32 s3, s2  }
0x8d: {  	s2 =	sadd.s32 s2, s16  }
0x8e: {  	[smem:$0x3FBC] =	sst s2  }
0x8f: {  	_ = 	snop  }
0x90: {  	(tm) =	ssettm $0x1  }
0x91: {  	s17 =	sld [smem:$0x3FFB];
	_ =	sdelay $0x3  }
0x92: {  	_ =	strace s17  }
0x93: {  	s2 =	sld [smem:$0x3FFC];
	_ =	sdelay $0x3  }
0x94: {  	_ =	strace s2  }
0x95: {  	s2 =	sld [smem:$0x3FFD];
	_ =	sdelay $0x3  }
0x96: {  	_ =	strace s2  }
0x97: {  	_ =	strace $0x8FFFFFFF  }
0x98: {  	s18 =	sld [smem:$0x3FDB];
	_ =	sdelay $0x1  }
0x99: {  	s19 =	simm.s32 $_scs_section_size  }
0x9a: {  	s4 =	simm.s32 $_size__tile_overlayer_lowered;
	s5 =	simm.s32 $_tile_overlayer_lowered  }
0x9b: {  	s22 =	simm.s32 $0x1BFF;
	s21 =	sshll.u32 s5, $0x1;
	s2 =	sadd.s32 s19, s18  }
0x9c: {  	s6 =	simm.s32 $0x0;
	s20 =	sshll.u32 s4, $0x1;
	s4 =	sadd.s32 s21, s2  }
0x9d: {  	[timem:s6], [sflag:s22] =	dma.local [hbm:s4], s20  }
0x9e: {  	_ =	swait.ge [sflag:s22], s20  }
0x9f: {  	s3 =	ssub.s32 $0x0, s20;
	[sflag:s22] =	ssyncset.done $0x0  }
0xa0: {  	[sflag:s22] =	ssyncadd.s32 s3;
	_ =	sdelay $0x1  }
0xa1: {  	s23 =	simm.s32 $0x1B8B  }
0xa2: {  	_ =	swait.ge [sflag:s23], $0x1  }
0xa3: {  	[sflag:s23] =	ssyncset.done $0x0  }
0xa4: {  	s25 =	simm.s32 $0x1B8E;
	s24 =	sld [smem:$0x3FFE];
	[sflag:s23] =	ssyncadd.s32 $0xFFFFFFFF  }
0xa5: {  	s26 =	simm.s32 $execute0_lowered;
	[smem:$0x3FD2] =	sst s25  }
0xa6: {  	s4 =	sshll.u32 s26, $0x1;
	_ =	strace $0x80000049;
	[dreg:$0x1] =	wrdreg $0xFFFFFFFF  }
0xa7: {  	s28 =	simm.s32 $_size_execute0_lowered;
	s2 =	sadd.s32 s2, s4;
	[dreg:$0x0] =	wrdreg $0x0  }
0xa8: {  	s4 =	sshll.u32 s28, $0x1;
	[dreg:$0x2] =	wrdreg s2  }
0xa9: {  	[dreg:$0x3] =	wrdreg s4  }
0xaa: {  	[dreg:$0x4] =	wrdreg $0xC0  }
0xab: {  	_ =	task [dreg:s6], $0x5FFFF  }
0xac: {  	[dreg:$0x1] =	wrdreg $0xFFFFFFFF  }
0xad: {  	[dreg:$0x0] =	wrdreg $0x60  }
0xae: {  	[dreg:$0x2] =	wrdreg s24  }
0xaf: {  	[dreg:$0x3] =	wrdreg $0xA5000  }
0xb0: {  	[dreg:$0x4] =	wrdreg $0x9  }
0xb1: {  	_ =	task.clear_ibuf [dreg:s6], $0x5FFFF;
	_ =	strace $0x90000049  }
0xb2: {  	s29 =	simm.s32 $0x9;
	_ =	strace $0x8000004B  }
0xb3: {  	_ =	swait.ge [sflag:s29], $0x1  }
0xb4: {  	[sflag:s29] =	ssyncadd.s32 $0xFFFFFFFF  }
0xb5: {  	_ =	strace $0x9000004B  }
0xb6: {  	_ =	sfence  }
0xb7: {  	s30 =	sld [smem:$0x0];
	_ =	sdelay $0x2  }
0xb8: {  	s31 =	sshll.u32 s1, $0xD;
	s1 =	sshrl.u32 s1, $0x2  }
0xb9: {  	s3 =	sand.u32 $0x4000, s31;
	s1 =	sadd.s32 s1, s30  }
0xba: {  	s0 =	sor.u32 s3, s0;
	s1 =	sshll.u32 s1, $0x11  }
0xbb: {  	s0 =	sor.u32 s1, s0  }
0xbc: {  	s0 =	sadd.s32 $0x8F2B, s0  }
0xbd: {  	[sflag:s0] =	ssyncadd.remote.s32 $0x1  }
0xbe: {  	_ =	sfence.sel $0xFFFF  }
0xbf: {  	[dreg:$0x0] =	wrdreg $0xFFFFFFFF;
	(pc) =	sbr.abs _section_cstart, $3  }
0xc0: {  	[dreg:$0x1] =	wrdreg $0xFFFFFFFF  }
0xc1: {  	_ =	task.clear_ibuf [dreg:s6], $0x2FFFF;
	_ =	strace $0x9FFFFFFF  }
0xc2: {  	(tm) =	ssettm $0x7FFFFFFF  }
0xc3: {  	_ =	shalt  }
tec
execute0_lowered:
.L_overlay_start_1:
0x0: {  	(tag) =	ssettag $0x1  }
0x1: {  	s1 =	srdreg.scid  }
0x2: {  	s0 =	stileid.u32;
	s6 =	rddreg [dreg:$0x0]  }
0x3: {  	s19 =	simm.s32 $0x7D;
	s20 =	simm.s32 $0x2800;
	s21 =	simm.s32 $0x1  }
0x4: {  	s22 =	simm.s32 $0x80;
	s23 =	simm.s32 $0x6680;
	s24 =	simm.s32 $0x2  }
0x5: {  	s25 =	simm.s32 $0x1480;
	s26 =	simm.s32 $0x3;
	s28 =	simm.s32 $0x100  }
0x6: {  	s29 =	simm.s32 $0x4;
	s30 =	simm.s32 $0x0;
	s1 =	sand.u32 $0x1, s1  }
0x7: {  	s2 =	sshll.u32 s0, $0x1;
	s7 =	smul.u32 $0x13880, s0;
	s5 =	sadd.s32 $0x18000, s6  }
0x8: {  	s18 =	sshll.u32 s0, $0x6;
	s3 =	sor.u32 s1, s2;
	s2 =	rddreg [dreg:$0x1]  }
0x9: {  	s8 =	smul.u32 $0x138800, s1;
	s9 =	ssub.s32 $0x2, s1;
	p0 =	seq.s32 s1, $0x0  }
0xa: {  	s4 =	smul.u32 $0x2800, s3;
	s3 =	simm.s32 $0x0;
	s12 =	sshrl.u32 s7, $0x3  }
0xb: {  	s11 =	sshrl.u32 s9, $0x1;
	s31 =	sadd.s32 s7, s2;
	[smem:$0x7FF] =	sst s3  }
0xc: {  	s8 =	sadd.s32 s7, s8;
	s13 =	sadd.s32 s12, s6;
	s15 =	ssub.s32 s9, s11  }
0xd: {  	s17 =	sadd.s32 s5, s12;
	s4 =	sshrl.u32 s4, $0x3;
	_ =	strace $0x8000004A  }
0xe: {  	s8 =	sshrl.u32 s8, $0x3;
	s10 =	sadd.s32 s4, s6;
	s4 =	sadd.s32 $0x3F200, s6  }
0xf: {  	s14 =	sadd.s32 s8, s6;
	s6 =	sadd.s32 $0x66400, s13;
	s16 =	sadd.s32 s4, s12  }
.Ltmp0:
0x10: {  	s7 =	sadd.s32 $0x4000, s10;
	s8 =	sadd.s32 $0xE000, s10;
	(pc) =	sbr.rel .LBB2_1-.Ltmp0, $4  }
0x11: {  	s9 =	sadd.s32 $0x4280, s10;
	s10 =	sadd.s32 $0xE280, s10;
	s11 =	sadd.s32 $0x8D600, s14  }
0x12: {  	s12 =	sadd.s32 $0xDB800, s14;
	s13 =	smov.u32 s6;
	s14 =	smax.u32 s15, $0x1  }
0x13: {  	s15 =	sor.u32 $0x1C05, s18;
	s6 =	smov.u32 @p0 s17;
	s17 =	simm.s32 $0x5  }
0x14: {  	s18 =	simm.s32 $0x1400;
	s13 =	smov.u32 @p0 s16;
	s16 =	sshrl.u32 s31, $0x3  }
.LBB2_13:
0x15: {  	_ =	swait.ge [sflag:s29], $0x3E80  }
0x16: {  	[sflag:s29] =	ssyncset.done $0x0  }
0x17: {  	s30 =	sadd.s32 $0x1, s30;
	[sflag:s29] =	ssyncadd.s32 $0xFFFFC180  }
0x18: {  	p0 =	sne.s32 s30, s14;
	[bflag:$0x0] =	sbarrier.arrive $0xFFFF  }
0x19: {  	[hbm:s12], [sflag:s15] =	dma.local [spmem:s16], $0x2710  }
.Ltmp1:
0x1a: {  	_ =	swait.ge [sflag:s17], $0x2710;
	(pc) =	sbr.rel @!p0 .LBB2_14-.Ltmp1, $3  }
0x1b: {  	[sflag:s17] =	ssyncset.done $0x0  }
0x1c: {  	[sflag:s17] =	ssyncadd.s32 $0xFFFFD8F0  }
0x1d: {  	[bflag:$0x0] =	sbarrier.arrive $0xFFFF;
	_ =	sdelay $0x1  }
.LBB2_1:
0x1e: {  	[spmem:s16], [sflag:s15] =	dma.local [hbm:s13], $0x2710  }
0x1f: {  	_ =	swait.ge [sflag:s17], $0x2710  }
0x20: {  	[sflag:s17] =	ssyncset.done $0x0  }
0x21: {  	[sflag:s17] =	ssyncadd.s32 $0xFFFFD8F0  }
0x22: {  	[bflag:$0x0] =	sbarrier.arrive $0xFFFF  }
0x23: {  	[tilespmem:s3], [sflag:$0x5] =	stream.linear.gather [hbm4b:s7+s3], $0x1400, $0x38;
	[tilespmem:$0x1DD80] =	vst v63  }
0x24: {  	_ =	swait.ge [sflag:s17], $0x1400  }
0x25: {  	[sflag:s17] =	ssyncset.done $0x0  }
0x26: {  	[sflag:s17] =	ssyncadd.s32 $0xFFFFEC00  }
0x27: {  	[tilespmem:s18], [sflag:$0x5] =	stream.linear.gather [hbm4b:s8+s3], $0x1400, $0x38;
	[tilespmem:$0x1DD80] =	vst v63  }
0x28: {  	_ =	swait.ge [sflag:s17], $0x1400  }
0x29: {  	[sflag:s17] =	ssyncset.done $0x0  }
0x2a: {  	[sflag:s17] =	ssyncadd.s32 $0xFFFFEC00  }
0x2b: {  	[tilespmem:s20], [sflag:$0x1] =	stream.indirect.gather [hbm4b:s4+s19], $0x80, s3, s19, $0xb8;
	[tilespmem:$0x1DD80] =	vst v63  }
0x2c: {  	_ =	swait.ge [sflag:s21], $0x3E80  }
0x2d: {  	[sflag:s21] =	ssyncset.done $0x0  }
0x2e: {  	[sflag:s21] =	ssyncadd.s32 $0xFFFFC180  }
0x2f: {  	[spmem:s2] =	stream.indirect.scatter.add.f32 [tilespmem:s20], [sflag:$0x3], $0x80, s18, s19, $0xb8;
	[tilespmem:$0x1DD80] =	vst v63  }
0x30: {  	_ = 	snop  }
0x31: {  	[tilespmem:s23], [sflag:$0x2] =	stream.indirect.gather [hbm4b:s4+s19], $0x80, s22, s19, $0xb8;
	[tilespmem:$0x1DD80] =	vst v63  }
0x32: {  	_ =	swait.ge [sflag:s24], $0x3E80  }
0x33: {  	[sflag:s24] =	ssyncset.done $0x0  }
0x34: {  	[sflag:s24] =	ssyncadd.s32 $0xFFFFC180  }
0x35: {  	[spmem:s2] =	stream.indirect.scatter.add.f32 [tilespmem:s23], [sflag:$0x4], $0x80, s25, s19, $0xb8;
	[tilespmem:$0x1DD80] =	vst v63  }
0x36: {  	_ =	swait.ge [sflag:s26], $0x3E80  }
0x37: {  	[sflag:s26] =	ssyncset.done $0x0  }
0x38: {  	s31 =	simm.s32 $0xFFFFB800;
	[sflag:s26] =	ssyncadd.s32 $0xFFFFC180  }
0x39: {  	[tilespmem:s20], [sflag:$0x1] =	stream.indirect.gather [hbm4b:s4+s19], $0x80, s28, s19, $0xb8;
	[tilespmem:$0x1DD80] =	vst v63  }
.LBB2_2:
0x3a: {  	_ =	swait.ge [sflag:s21], $0x3E80  }
0x3b: {  	s1 =	sshra.s32 s31, $0x2;
	[sflag:s21] =	ssyncset.done $0x0  }
0x3c: {  	s0 =	sadd.s32 $0x2700, s1;
	[sflag:s21] =	ssyncadd.s32 $0xFFFFC180  }
0x3d: {  	[spmem:s2] =	stream.indirect.scatter.add.f32 [tilespmem:s20], [sflag:$0x3], $0x80, s0, s19, $0xb8;
	[tilespmem:$0x1DD80] =	vst v63  }
0x3e: {  	_ =	swait.ge [sflag:s29], $0x3E80  }
0x3f: {  	[sflag:s29] =	ssyncset.done $0x0  }
0x40: {  	s0 =	sadd.s32 $0x1380, s1;
	[sflag:s29] =	ssyncadd.s32 $0xFFFFC180  }
0x41: {  	[tilespmem:s23], [sflag:$0x2] =	stream.indirect.gather [hbm4b:s4+s19], $0x80, s0, s19, $0xb8;
	[tilespmem:$0x1DD80] =	vst v63  }
0x42: {  	_ =	swait.ge [sflag:s24], $0x3E80  }
0x43: {  	p0 =	seq.s32 s31, $0x0;
	[sflag:s24] =	ssyncset.done $0x0  }
.Ltmp2:
0x44: {  	s0 =	sadd.s32 $0x2780, s1;
	[sflag:s24] =	ssyncadd.s32 $0xFFFFC180;
	(pc) =	sbr.rel @p0 .LBB2_4-.Ltmp2, $4  }
0x45: {  	[spmem:s2] =	stream.indirect.scatter.add.f32 [tilespmem:s23], [sflag:$0x4], $0x80, s0, s19, $0xb8;
	[tilespmem:$0x1DD80] =	vst v63  }
0x46: {  	_ =	swait.ge [sflag:s26], $0x3E80  }
0x47: {  	[sflag:s26] =	ssyncset.done $0x0  }
0x48: {  	[sflag:s26] =	ssyncadd.s32 $0xFFFFC180  }
.Ltmp3:
0x49: {  	(pc) =	sbr.rel .LBB2_2-.Ltmp3, $3  }
0x4a: {  	_ =	sdelay $0x1  }
0x4b: {  	s0 =	sadd.s32 $0x1400, s1;
	s31 =	sadd.s32 $0x400, s31  }
0x4c: {  	[tilespmem:s20], [sflag:$0x1] =	stream.indirect.gather [hbm4b:s4+s19], $0x80, s0, s19, $0xb8;
	[tilespmem:$0x1DD80] =	vst v63  }
.LBB2_4:
0x4d: {  	_ =	swait.ge [sflag:s29], $0x3E80  }
0x4e: {  	[sflag:s29] =	ssyncset.done $0x0  }
0x4f: {  	[sflag:s29] =	ssyncadd.s32 $0xFFFFC180  }
0x50: {  	[tilespmem:s3], [sflag:$0x5] =	stream.linear.gather [hbm4b:s9+s3], $0x1400, $0x38;
	[tilespmem:$0x1DD80] =	vst v63  }
0x51: {  	_ =	swait.ge [sflag:s17], $0x1400  }
0x52: {  	[sflag:s17] =	ssyncset.done $0x0  }
0x53: {  	[sflag:s17] =	ssyncadd.s32 $0xFFFFEC00  }
0x54: {  	[tilespmem:s18], [sflag:$0x5] =	stream.linear.gather [hbm4b:s10+s3], $0x1400, $0x38;
	[tilespmem:$0x1DD80] =	vst v63  }
0x55: {  	_ =	swait.ge [sflag:s17], $0x1400  }
0x56: {  	[sflag:s17] =	ssyncset.done $0x0  }
0x57: {  	[sflag:s17] =	ssyncadd.s32 $0xFFFFEC00  }
0x58: {  	[tilespmem:s20], [sflag:$0x1] =	stream.indirect.gather [hbm4b:s4+s19], $0x80, s3, s19, $0xb8;
	[tilespmem:$0x1DD80] =	vst v63  }
0x59: {  	_ =	swait.ge [sflag:s21], $0x3E80  }
0x5a: {  	[sflag:s21] =	ssyncset.done $0x0  }
0x5b: {  	[sflag:s21] =	ssyncadd.s32 $0xFFFFC180  }
0x5c: {  	[spmem:s2] =	stream.indirect.scatter.add.f32 [tilespmem:s20], [sflag:$0x3], $0x80, s18, s19, $0xb8;
	[tilespmem:$0x1DD80] =	vst v63  }
0x5d: {  	_ = 	snop  }
0x5e: {  	[tilespmem:s23], [sflag:$0x2] =	stream.indirect.gather [hbm4b:s4+s19], $0x80, s22, s19, $0xb8;
	[tilespmem:$0x1DD80] =	vst v63  }
0x5f: {  	_ =	swait.ge [sflag:s24], $0x3E80  }
0x60: {  	[sflag:s24] =	ssyncset.done $0x0  }
0x61: {  	[sflag:s24] =	ssyncadd.s32 $0xFFFFC180  }
0x62: {  	[spmem:s2] =	stream.indirect.scatter.add.f32 [tilespmem:s23], [sflag:$0x4], $0x80, s25, s19, $0xb8;
	[tilespmem:$0x1DD80] =	vst v63  }
0x63: {  	_ =	swait.ge [sflag:s26], $0x3E80  }
0x64: {  	[sflag:s26] =	ssyncset.done $0x0  }
0x65: {  	s31 =	simm.s32 $0xFFFFB800;
	[sflag:s26] =	ssyncadd.s32 $0xFFFFC180  }
0x66: {  	[tilespmem:s20], [sflag:$0x1] =	stream.indirect.gather [hbm4b:s4+s19], $0x80, s28, s19, $0xb8;
	[tilespmem:$0x1DD80] =	vst v63  }
.LBB2_5:
0x67: {  	_ =	swait.ge [sflag:s21], $0x3E80  }
0x68: {  	s1 =	sshra.s32 s31, $0x2;
	[sflag:s21] =	ssyncset.done $0x0  }
0x69: {  	s0 =	sadd.s32 $0x2700, s1;
	[sflag:s21] =	ssyncadd.s32 $0xFFFFC180  }
0x6a: {  	[spmem:s2] =	stream.indirect.scatter.add.f32 [tilespmem:s20], [sflag:$0x3], $0x80, s0, s19, $0xb8;
	[tilespmem:$0x1DD80] =	vst v63  }
0x6b: {  	_ =	swait.ge [sflag:s29], $0x3E80  }
0x6c: {  	[sflag:s29] =	ssyncset.done $0x0  }
0x6d: {  	s0 =	sadd.s32 $0x1380, s1;
	[sflag:s29] =	ssyncadd.s32 $0xFFFFC180  }
0x6e: {  	[tilespmem:s23], [sflag:$0x2] =	stream.indirect.gather [hbm4b:s4+s19], $0x80, s0, s19, $0xb8;
	[tilespmem:$0x1DD80] =	vst v63  }
0x6f: {  	_ =	swait.ge [sflag:s24], $0x3E80  }
0x70: {  	p0 =	seq.s32 s31, $0x0;
	[sflag:s24] =	ssyncset.done $0x0  }
.Ltmp4:
0x71: {  	s0 =	sadd.s32 $0x2780, s1;
	[sflag:s24] =	ssyncadd.s32 $0xFFFFC180;
	(pc) =	sbr.rel @p0 .LBB2_7-.Ltmp4, $4  }
0x72: {  	[spmem:s2] =	stream.indirect.scatter.add.f32 [tilespmem:s23], [sflag:$0x4], $0x80, s0, s19, $0xb8;
	[tilespmem:$0x1DD80] =	vst v63  }
0x73: {  	_ =	swait.ge [sflag:s26], $0x3E80  }
0x74: {  	[sflag:s26] =	ssyncset.done $0x0  }
0x75: {  	[sflag:s26] =	ssyncadd.s32 $0xFFFFC180  }
.Ltmp5:
0x76: {  	(pc) =	sbr.rel .LBB2_5-.Ltmp5, $3  }
0x77: {  	_ =	sdelay $0x1  }
0x78: {  	s0 =	sadd.s32 $0x1400, s1;
	s31 =	sadd.s32 $0x400, s31  }
0x79: {  	[tilespmem:s20], [sflag:$0x1] =	stream.indirect.gather [hbm4b:s4+s19], $0x80, s0, s19, $0xb8;
	[tilespmem:$0x1DD80] =	vst v63  }
.LBB2_7:
0x7a: {  	_ =	swait.ge [sflag:s29], $0x3E80  }
0x7b: {  	[sflag:s29] =	ssyncset.done $0x0  }
0x7c: {  	[sflag:s29] =	ssyncadd.s32 $0xFFFFC180  }
0x7d: {  	[bflag:$0x0] =	sbarrier.arrive $0xFFFF  }
0x7e: {  	[hbm:s11], [sflag:s15] =	dma.local [spmem:s16], $0x2710  }
0x7f: {  	_ =	swait.ge [sflag:s17], $0x2710  }
0x80: {  	[sflag:s17] =	ssyncset.done $0x0  }
0x81: {  	[sflag:s17] =	ssyncadd.s32 $0xFFFFD8F0  }
0x82: {  	[bflag:$0x0] =	sbarrier.arrive $0xFFFF  }
0x83: {  	[spmem:s16], [sflag:s15] =	dma.local [hbm:s6], $0x2710  }
0x84: {  	_ =	swait.ge [sflag:s17], $0x2710  }
0x85: {  	[sflag:s17] =	ssyncset.done $0x0  }
0x86: {  	[sflag:s17] =	ssyncadd.s32 $0xFFFFD8F0  }
0x87: {  	[bflag:$0x0] =	sbarrier.arrive $0xFFFF  }
0x88: {  	[tilespmem:s3], [sflag:$0x5] =	stream.linear.gather [hbm4b:s8+s3], $0x1400, $0x38;
	[tilespmem:$0x1DD80] =	vst v63  }
0x89: {  	_ =	swait.ge [sflag:s17], $0x1400  }
0x8a: {  	[sflag:s17] =	ssyncset.done $0x0  }
0x8b: {  	[sflag:s17] =	ssyncadd.s32 $0xFFFFEC00  }
0x8c: {  	[tilespmem:s18], [sflag:$0x5] =	stream.linear.gather [hbm4b:s7+s3], $0x1400, $0x38;
	[tilespmem:$0x1DD80] =	vst v63  }
0x8d: {  	_ =	swait.ge [sflag:s17], $0x1400  }
0x8e: {  	[sflag:s17] =	ssyncset.done $0x0  }
0x8f: {  	[sflag:s17] =	ssyncadd.s32 $0xFFFFEC00  }
0x90: {  	[tilespmem:s20], [sflag:$0x1] =	stream.indirect.gather [hbm4b:s5+s19], $0x80, s3, s19, $0xb8;
	[tilespmem:$0x1DD80] =	vst v63  }
0x91: {  	_ =	swait.ge [sflag:s21], $0x3E80  }
0x92: {  	[sflag:s21] =	ssyncset.done $0x0  }
0x93: {  	[sflag:s21] =	ssyncadd.s32 $0xFFFFC180  }
0x94: {  	[spmem:s2] =	stream.indirect.scatter.add.f32 [tilespmem:s20], [sflag:$0x3], $0x80, s18, s19, $0xb8;
	[tilespmem:$0x1DD80] =	vst v63  }
0x95: {  	_ = 	snop  }
0x96: {  	[tilespmem:s23], [sflag:$0x2] =	stream.indirect.gather [hbm4b:s5+s19], $0x80, s22, s19, $0xb8;
	[tilespmem:$0x1DD80] =	vst v63  }
0x97: {  	_ =	swait.ge [sflag:s24], $0x3E80  }
0x98: {  	[sflag:s24] =	ssyncset.done $0x0  }
0x99: {  	[sflag:s24] =	ssyncadd.s32 $0xFFFFC180  }
0x9a: {  	[spmem:s2] =	stream.indirect.scatter.add.f32 [tilespmem:s23], [sflag:$0x4], $0x80, s25, s19, $0xb8;
	[tilespmem:$0x1DD80] =	vst v63  }
0x9b: {  	_ =	swait.ge [sflag:s26], $0x3E80  }
0x9c: {  	[sflag:s26] =	ssyncset.done $0x0  }
0x9d: {  	s31 =	simm.s32 $0xFFFFB800;
	[sflag:s26] =	ssyncadd.s32 $0xFFFFC180  }
0x9e: {  	[tilespmem:s20], [sflag:$0x1] =	stream.indirect.gather [hbm4b:s5+s19], $0x80, s28, s19, $0xb8;
	[tilespmem:$0x1DD80] =	vst v63  }
.LBB2_8:
0x9f: {  	_ =	swait.ge [sflag:s21], $0x3E80  }
0xa0: {  	s1 =	sshra.s32 s31, $0x2;
	[sflag:s21] =	ssyncset.done $0x0  }
0xa1: {  	s0 =	sadd.s32 $0x2700, s1;
	[sflag:s21] =	ssyncadd.s32 $0xFFFFC180  }
0xa2: {  	[spmem:s2] =	stream.indirect.scatter.add.f32 [tilespmem:s20], [sflag:$0x3], $0x80, s0, s19, $0xb8;
	[tilespmem:$0x1DD80] =	vst v63  }
0xa3: {  	_ =	swait.ge [sflag:s29], $0x3E80  }
0xa4: {  	[sflag:s29] =	ssyncset.done $0x0  }
0xa5: {  	s0 =	sadd.s32 $0x1380, s1;
	[sflag:s29] =	ssyncadd.s32 $0xFFFFC180  }
0xa6: {  	[tilespmem:s23], [sflag:$0x2] =	stream.indirect.gather [hbm4b:s5+s19], $0x80, s0, s19, $0xb8;
	[tilespmem:$0x1DD80] =	vst v63  }
0xa7: {  	_ =	swait.ge [sflag:s24], $0x3E80  }
0xa8: {  	p0 =	seq.s32 s31, $0x0;
	[sflag:s24] =	ssyncset.done $0x0  }
.Ltmp6:
0xa9: {  	s0 =	sadd.s32 $0x2780, s1;
	[sflag:s24] =	ssyncadd.s32 $0xFFFFC180;
	(pc) =	sbr.rel @p0 .LBB2_10-.Ltmp6, $4  }
0xaa: {  	[spmem:s2] =	stream.indirect.scatter.add.f32 [tilespmem:s23], [sflag:$0x4], $0x80, s0, s19, $0xb8;
	[tilespmem:$0x1DD80] =	vst v63  }
0xab: {  	_ =	swait.ge [sflag:s26], $0x3E80  }
0xac: {  	[sflag:s26] =	ssyncset.done $0x0  }
0xad: {  	[sflag:s26] =	ssyncadd.s32 $0xFFFFC180  }
.Ltmp7:
0xae: {  	(pc) =	sbr.rel .LBB2_8-.Ltmp7, $3  }
0xaf: {  	_ =	sdelay $0x1  }
0xb0: {  	s0 =	sadd.s32 $0x1400, s1;
	s31 =	sadd.s32 $0x400, s31  }
0xb1: {  	[tilespmem:s20], [sflag:$0x1] =	stream.indirect.gather [hbm4b:s5+s19], $0x80, s0, s19, $0xb8;
	[tilespmem:$0x1DD80] =	vst v63  }
.LBB2_10:
0xb2: {  	_ =	swait.ge [sflag:s29], $0x3E80  }
0xb3: {  	[sflag:s29] =	ssyncset.done $0x0  }
0xb4: {  	[sflag:s29] =	ssyncadd.s32 $0xFFFFC180  }
0xb5: {  	[tilespmem:s3], [sflag:$0x5] =	stream.linear.gather [hbm4b:s10+s3], $0x1400, $0x38;
	[tilespmem:$0x1DD80] =	vst v63  }
0xb6: {  	_ =	swait.ge [sflag:s17], $0x1400  }
0xb7: {  	[sflag:s17] =	ssyncset.done $0x0  }
0xb8: {  	[sflag:s17] =	ssyncadd.s32 $0xFFFFEC00  }
0xb9: {  	[tilespmem:s18], [sflag:$0x5] =	stream.linear.gather [hbm4b:s9+s3], $0x1400, $0x38;
	[tilespmem:$0x1DD80] =	vst v63  }
0xba: {  	_ =	swait.ge [sflag:s17], $0x1400  }
0xbb: {  	[sflag:s17] =	ssyncset.done $0x0  }
0xbc: {  	[sflag:s17] =	ssyncadd.s32 $0xFFFFEC00  }
0xbd: {  	[tilespmem:s20], [sflag:$0x1] =	stream.indirect.gather [hbm4b:s5+s19], $0x80, s3, s19, $0xb8;
	[tilespmem:$0x1DD80] =	vst v63  }
0xbe: {  	_ =	swait.ge [sflag:s21], $0x3E80  }
0xbf: {  	[sflag:s21] =	ssyncset.done $0x0  }
0xc0: {  	[sflag:s21] =	ssyncadd.s32 $0xFFFFC180  }
0xc1: {  	[spmem:s2] =	stream.indirect.scatter.add.f32 [tilespmem:s20], [sflag:$0x3], $0x80, s18, s19, $0xb8;
	[tilespmem:$0x1DD80] =	vst v63  }
0xc2: {  	_ = 	snop  }
0xc3: {  	[tilespmem:s23], [sflag:$0x2] =	stream.indirect.gather [hbm4b:s5+s19], $0x80, s22, s19, $0xb8;
	[tilespmem:$0x1DD80] =	vst v63  }
0xc4: {  	_ =	swait.ge [sflag:s24], $0x3E80  }
0xc5: {  	[sflag:s24] =	ssyncset.done $0x0  }
0xc6: {  	[sflag:s24] =	ssyncadd.s32 $0xFFFFC180  }
0xc7: {  	[spmem:s2] =	stream.indirect.scatter.add.f32 [tilespmem:s23], [sflag:$0x4], $0x80, s25, s19, $0xb8;
	[tilespmem:$0x1DD80] =	vst v63  }
0xc8: {  	_ =	swait.ge [sflag:s26], $0x3E80  }
0xc9: {  	[sflag:s26] =	ssyncset.done $0x0  }
0xca: {  	s31 =	simm.s32 $0xFFFFB800;
	[sflag:s26] =	ssyncadd.s32 $0xFFFFC180  }
0xcb: {  	[tilespmem:s20], [sflag:$0x1] =	stream.indirect.gather [hbm4b:s5+s19], $0x80, s28, s19, $0xb8;
	[tilespmem:$0x1DD80] =	vst v63  }
.LBB2_11:
0xcc: {  	_ =	swait.ge [sflag:s21], $0x3E80  }
0xcd: {  	s1 =	sshra.s32 s31, $0x2;
	[sflag:s21] =	ssyncset.done $0x0  }
0xce: {  	s0 =	sadd.s32 $0x2700, s1;
	[sflag:s21] =	ssyncadd.s32 $0xFFFFC180  }
0xcf: {  	[spmem:s2] =	stream.indirect.scatter.add.f32 [tilespmem:s20], [sflag:$0x3], $0x80, s0, s19, $0xb8;
	[tilespmem:$0x1DD80] =	vst v63  }
0xd0: {  	_ =	swait.ge [sflag:s29], $0x3E80  }
0xd1: {  	[sflag:s29] =	ssyncset.done $0x0  }
0xd2: {  	s0 =	sadd.s32 $0x1380, s1;
	[sflag:s29] =	ssyncadd.s32 $0xFFFFC180  }
0xd3: {  	[tilespmem:s23], [sflag:$0x2] =	stream.indirect.gather [hbm4b:s5+s19], $0x80, s0, s19, $0xb8;
	[tilespmem:$0x1DD80] =	vst v63  }
0xd4: {  	_ =	swait.ge [sflag:s24], $0x3E80  }
0xd5: {  	p0 =	seq.s32 s31, $0x0;
	[sflag:s24] =	ssyncset.done $0x0  }
.Ltmp8:
0xd6: {  	s0 =	sadd.s32 $0x2780, s1;
	[sflag:s24] =	ssyncadd.s32 $0xFFFFC180;
	(pc) =	sbr.rel @p0 .LBB2_13-.Ltmp8, $4  }
0xd7: {  	[spmem:s2] =	stream.indirect.scatter.add.f32 [tilespmem:s23], [sflag:$0x4], $0x80, s0, s19, $0xb8;
	[tilespmem:$0x1DD80] =	vst v63  }
0xd8: {  	_ =	swait.ge [sflag:s26], $0x3E80  }
0xd9: {  	[sflag:s26] =	ssyncset.done $0x0  }
0xda: {  	[sflag:s26] =	ssyncadd.s32 $0xFFFFC180  }
.Ltmp9:
0xdb: {  	(pc) =	sbr.rel .LBB2_11-.Ltmp9, $3  }
0xdc: {  	_ =	sdelay $0x1  }
0xdd: {  	s0 =	sadd.s32 $0x1400, s1;
	s31 =	sadd.s32 $0x400, s31  }
0xde: {  	[tilespmem:s20], [sflag:$0x1] =	stream.indirect.gather [hbm4b:s5+s19], $0x80, s0, s19, $0xb8;
	[tilespmem:$0x1DD80] =	vst v63  }
.LBB2_14:
0xdf: {  	_ =	sfence.sel $0x180000  }
0xe0: {  	[bflag:$0x0] =	sbarrier.arrive $0xFFFF  }
0xe1: {  	_ =	strace $0x9000004A  }
0xe2: {  	s0 =	stileid.u32;
	[bflag:$0x2] =	sbarrier.arrive $0xFFFF  }
0xe3: {  	p0 =	sne.s32 s0, $0x0;
	s0 =	rddreg [dreg:$0x2]  }
0xe4: {  	s0 =	sadd.s32 @!p0 $0x100000, s0  }
0xe5: {  	[sflag:s0] =	ssyncadd.tile.s32 @!p0 $0x1;
	_ =	shalt  }
.Lfunc_end2:
_tile_overlayer_lowered:
.L_overlay_start_2:
0xe6: {  	(tag) =	ssettag $0x2  }
0xe7: {  	s0 =	rddreg [dreg:$0x0];
	s2 =	stileid.u32  }
0xe8: {  	s1 =	rddreg [dreg:$0x1];
	p0 =	sne.s32 s2, $0x0  }
0xe9: {  	s3 =	rddreg [dreg:$0x2];
	[bflag:$0x3] =	sbarrier.arrive $0xFFFF;
	s2 =	simm.s32 @!p0 $0x1C05  }
0xea: {  	[timem:s3], [sflag:s2] =	dma.local @!p0 [hbm:s0], s1  }
0xeb: {  	s0 =	simm.s32 @!p0 $0x5  }
0xec: {  	_ =	swait.ge @!p0 [sflag:s0], s1  }
0xed: {  	s1 =	ssub.s32 @!p0 $0x0, s1;
	[sflag:s0] =	ssyncset.done @!p0 $0x0  }
0xee: {  	[sflag:s0] =	ssyncadd.s32 @!p0 s1  }
0xef: {  	[bflag:$0x3] =	sbarrier.arrive $0xFFFF  }
0xf0: {  	_ =	shalt  }

// kernel: kernel.14.cloned.1.call-start
scs
__scs_entry_jumppad:
0x0: {  	(pc) =	sbr.rel $0x88, $3  }
0x1: {  	(tag) =	ssettag $0x0;
	lr =	simm.s32 $0x1  }
0x2: {  	[smem:$0x3F95] =	sst lr;
	_ =	strace $0xD0000000  }
0x3: {  	_ = 	snop  }
0x4: {  	_ = 	snop  }
0x5: {  	_ = 	snop  }
0x6: {  	_ = 	snop  }
0x7: {  	_ = 	snop  }
__scs_overlays_trampoline_lowered:
0x8: {  	[smem:$0x3FA4] =	sst s0  }
0x9: {  	[smem:$0x3FA5] =	sst s1  }
0xa: {  	[smem:$0x3FA6] =	sst s2  }
0xb: {  	[smem:$0x3FA7] =	sst s3  }
0xc: {  	[smem:$0x3FA8] =	sst s4  }
0xd: {  	[smem:$0x3FA9] =	sst s5  }
0xe: {  	[smem:$0x3FAA] =	sst s6  }
0xf: {  	[smem:$0x3FAB] =	sst s7  }
0x10: {  	[smem:$0x3FAC] =	sst s8  }
0x11: {  	[smem:$0x3FAD] =	sst s9;
	s0 =	simm.s32 @!p0 $0x0  }
0x12: {  	s1 =	sld [smem:$0x3F93];
	s0 =	simm.s32 @p0 $0x1  }
0x13: {  	[smem:$0x3FAE] =	sst s0;
	s0 =	simm.s32 @!p1 $0x0  }
0x14: {  	s2 =	sld [smem:$0x3F92];
	s0 =	simm.s32 @p1 $0x1  }
0x15: {  	[smem:$0x3FAF] =	sst s0;
	s0 =	simm.s32 @!p2 $0x0  }
0x16: {  	s3 =	sld [smem:$0x3FDB];
	s0 =	simm.s32 @p2 $0x1  }
0x17: {  	s4 =	simm.s32 $0x1BF5;
	[smem:$0x3FB1] =	sst s0  }
0x18: {  	s0 =	sld [smem:$0x3F94];
	_ =	swait.ge [sflag:s4], $0x0  }
0x19: {  	s7 =	sld [smem:$0x3F95]  }
0x1a: {  	s8 =	sadd.s32 $0xFFFFE003, lr  }
0x1b: {  	s9 =	sadd.s32 $0xFFFFFEF7, lr;
	s5 =	simm.s32 $0xFFFFFFFF;
	p2 =	slt.u32 s8, $0xFFFFF086  }
0x1c: {  	p1 =	slt.u32 s9, $0xF7A;
	s5 =	simm.s32 @!p2 $0x0  }
0x1d: {  	s5 =	simm.s32 @p1 $0x1;
	p0 =	seq.s32 s7, s2  }
0x1e: {  	s7 =	smul.u32 @!p0 $0xF7A, s2;
	p2 =	seq.s32 @!p0 s5, $0x0  }
0x1f: {  	s9 =	smul.u32 $0xF7A, s1;
	s8 =	simm.s32 @!p0 $0x1BF5;
	p2 =	por !p2, p0  }
0x20: {  	[sflag:s8] =	ssyncset.s32 @!p0 $0xFFFFF086;
	s6 =	sadd.s32 @!p0 s3, s7;
	s7 =	simm.s32 @!p0 $0x108  }
0x21: {  	s3 =	sadd.s32 s3, s9;
	s6 =	sadd.s32 @!p0 $0x88, s6;
	s7 =	simm.s32 @p2 $0x1082  }
0x22: {  	[simem:s7], [sflag:s8] =	dma.local @!p0 [hbm:s6], $0xF7A  }
0x23: {  	s9 =	sor.u32 $0xD0000000, s2;
	s6 =	simm.s32 $0x108;
	_ =	swait.ge @!p0 [sflag:s8], $0x0  }
0x24: {  	s3 =	sadd.s32 $0x88, s3;
	s6 =	simm.s32 @!p1 $0x1082;
	[sflag:s4] =	ssyncset.s32 $0xFFFFF086  }
0x25: {  	[simem:s6], [sflag:s4] =	dma.local [hbm:s3], $0xF7A  }
0x26: {  	[smem:$0x3F95] =	sst s1;
	(tag) =	ssettag s2;
	_ =	strace s9  }
0x27: {  	s1 =	sld [smem:$0x3FA5]  }
0x28: {  	s2 =	sld [smem:$0x3FA6]  }
0x29: {  	s4 =	sld [smem:$0x3FA8]  }
0x2a: {  	p0 =	seq.s32 s5, $0x0;
	s5 =	sld [smem:$0x3FA9]  }
0x2b: {  	s6 =	sld [smem:$0x3FAA]  }
0x2c: {  	s7 =	sld [smem:$0x3FAB]  }
0x2d: {  	s3 =	simm.s32 $0x108;
	s8 =	sld [smem:$0x3FAC]  }
0x2e: {  	s3 =	simm.s32 @!p0 $0x1082;
	s9 =	sld [smem:$0x3FAD]  }
0x2f: {  	lr =	sadd.s32 s0, s3;
	s0 =	sld [smem:$0x3FA4]  }
0x30: {  	s3 =	sld [smem:$0x3FA7]  }
0x31: {  	[smem:$0x3FB0] =	sst s10  }
0x32: {  	s10 =	sld [smem:$0x3FAE];
	_ =	sdelay $0x3  }
0x33: {  	p0 =	seq.s32 s10, $0x1;
	s10 =	sld [smem:$0x3FB0];
	_ =	sdelay $0x3  }
0x34: {  	[smem:$0x3FB0] =	sst s10  }
0x35: {  	s10 =	sld [smem:$0x3FAF];
	_ =	sdelay $0x3  }
0x36: {  	p1 =	seq.s32 s10, $0x1;
	s10 =	sld [smem:$0x3FB0];
	_ =	sdelay $0x3  }
0x37: {  	[smem:$0x3FB0] =	sst s10  }
0x38: {  	s10 =	sld [smem:$0x3FB1]  }
0x39: {  	_ = 	snop;
	(pc) =	sbr.ind lr, $3  }
0x3a: {  	_ = 	snop  }
0x3b: {  	_ = 	snop  }
0x3c: {  	p2 =	seq.s32 s10, $0x1;
	s10 =	sld [smem:$0x3FB0]  }
0x3d: {  	_ =	shalt  }
0x3e: {  	_ =	shalt  }
0x3f: {  	_ =	shalt  }
0x40: {  	_ =	shalt  }
0x41: {  	_ =	shalt  }
0x42: {  	_ =	shalt  }
0x43: {  	_ =	shalt  }
0x44: {  	_ =	shalt  }
0x45: {  	_ =	shalt  }
0x46: {  	_ =	shalt  }
0x47: {  	_ =	shalt  }
0x48: {  	_ =	shalt  }
0x49: {  	_ =	shalt  }
0x4a: {  	_ =	shalt  }
0x4b: {  	_ =	shalt  }
0x4c: {  	_ =	shalt  }
0x4d: {  	_ =	shalt  }
0x4e: {  	_ =	shalt  }
0x4f: {  	_ =	shalt  }
0x50: {  	_ =	shalt  }
0x51: {  	_ =	shalt  }
0x52: {  	_ =	shalt  }
0x53: {  	_ =	shalt  }
0x54: {  	_ =	shalt  }
0x55: {  	_ =	shalt  }
0x56: {  	_ =	shalt  }
0x57: {  	_ =	shalt  }
0x58: {  	_ =	shalt  }
0x59: {  	_ =	shalt  }
0x5a: {  	_ =	shalt  }
0x5b: {  	_ =	shalt  }
0x5c: {  	_ =	shalt  }
0x5d: {  	_ =	shalt  }
0x5e: {  	_ =	shalt  }
0x5f: {  	_ =	shalt  }
0x60: {  	_ =	shalt  }
0x61: {  	_ =	shalt  }
0x62: {  	_ =	shalt  }
0x63: {  	_ =	shalt  }
0x64: {  	_ =	shalt  }
0x65: {  	_ =	shalt  }
0x66: {  	_ =	shalt  }
0x67: {  	_ =	shalt  }
0x68: {  	_ =	shalt  }
0x69: {  	_ =	shalt  }
0x6a: {  	_ =	shalt  }
0x6b: {  	_ =	shalt  }
0x6c: {  	_ =	shalt  }
0x6d: {  	_ =	shalt  }
0x6e: {  	_ =	shalt  }
0x6f: {  	_ =	shalt  }
0x70: {  	_ =	shalt  }
0x71: {  	_ =	shalt  }
0x72: {  	_ =	shalt  }
0x73: {  	_ =	shalt  }
0x74: {  	_ =	shalt  }
0x75: {  	_ =	shalt  }
0x76: {  	_ =	shalt  }
0x77: {  	_ =	shalt  }
0x78: {  	_ =	shalt  }
0x79: {  	_ =	shalt  }
0x7a: {  	_ =	shalt  }
0x7b: {  	_ =	shalt  }
0x7c: {  	_ =	shalt  }
0x7d: {  	_ =	shalt  }
0x7e: {  	_ =	shalt  }
0x7f: {  	_ =	shalt  }
0x80: {  	_ =	shalt  }
0x81: {  	_ =	shalt  }
0x82: {  	_ =	shalt  }
0x83: {  	_ =	shalt  }
0x84: {  	_ =	shalt  }
0x85: {  	_ =	shalt  }
0x86: {  	_ =	shalt  }
0x87: {  	_ =	shalt  }
.Lfunc_end0:
.L_simem_size_0:
called_computation.2_lowered:
.L_overlay_start_0:
0x88: {  	s2 =	sld [smem:$0x3FD9]  }
0x89: {  	s3 =	sld [smem:$0x3FFE];
	_ =	sdelay $0x1  }
0x8a: {  	s1 =	srdreg.scid  }
0x8b: {  	s0 =	sand.u32 $0x1, s1  }
0x8c: {  	s17 =	sshll.u32 s0, $0xA;
	s2 =	sadd.s32 s3, s2  }
0x8d: {  	s2 =	sadd.s32 s2, s17  }
0x8e: {  	[smem:$0x3FBC] =	sst s2  }
0x8f: {  	_ = 	snop  }
0x90: {  	s2 =	sld [smem:$0x3FD0];
	(tm) =	ssettm $0x1  }
0x91: {  	s18 =	sld [smem:$0x3FFB];
	_ =	sdelay $0x3  }
0x92: {  	_ =	strace s18  }
0x93: {  	s3 =	sld [smem:$0x3FFC];
	_ =	sdelay $0x3  }
0x94: {  	_ =	strace s3  }
0x95: {  	s3 =	sld [smem:$0x3FFD];
	_ =	sdelay $0x3  }
0x96: {  	_ =	strace s3  }
0x97: {  	_ =	strace $0x8FFFFFFF  }
0x98: {  	s19 =	sld [smem:$0x3FDB];
	_ =	sdelay $0x1  }
0x99: {  	s4 =	simm.s32 $_scs_section_size  }
0x9a: {  	s5 =	simm.s32 $_size__tile_overlayer_lowered;
	s6 =	simm.s32 $_tile_overlayer_lowered  }
0x9b: {  	s22 =	simm.s32 $0x1BFF;
	s21 =	sshll.u32 s6, $0x1;
	s3 =	sadd.s32 s4, s19  }
0x9c: {  	s7 =	simm.s32 $0x0;
	s20 =	sshll.u32 s5, $0x1;
	s5 =	sadd.s32 s21, s3  }
0x9d: {  	[timem:s7], [sflag:s22] =	dma.local [hbm:s5], s20  }
0x9e: {  	_ =	swait.ge [sflag:s22], s20  }
0x9f: {  	s4 =	ssub.s32 $0x0, s20;
	[sflag:s22] =	ssyncset.done $0x0  }
0xa0: {  	[sflag:s22] =	ssyncadd.s32 s4;
	_ =	sdelay $0x1  }
0xa1: {  	s23 =	simm.s32 $0x1B8B  }
0xa2: {  	_ =	swait.ge [sflag:s23], $0x1  }
0xa3: {  	[sflag:s23] =	ssyncset.done $0x0  }
0xa4: {  	s25 =	simm.s32 $0x1B8E;
	s24 =	sld [smem:$0x3FFE];
	[sflag:s23] =	ssyncadd.s32 $0xFFFFFFFF  }
0xa5: {  	s26 =	simm.s32 $execute0_lowered;
	[smem:$0x3FD2] =	sst s25  }
0xa6: {  	s5 =	sshll.u32 s26, $0x1;
	_ =	strace $0x8000004C;
	[dreg:$0x1] =	wrdreg $0xFFFFFFFF  }
0xa7: {  	s28 =	simm.s32 $_size_execute0_lowered;
	s3 =	sadd.s32 s3, s5;
	[dreg:$0x0] =	wrdreg $0x0  }
0xa8: {  	s5 =	sshll.u32 s28, $0x1;
	[dreg:$0x2] =	wrdreg s3  }
0xa9: {  	[dreg:$0x3] =	wrdreg s5  }
0xaa: {  	[dreg:$0x4] =	wrdreg $0xC0  }
0xab: {  	_ =	task [dreg:s7], $0x5FFFF  }
0xac: {  	[dreg:$0x1] =	wrdreg $0xFFFFFFFF  }
0xad: {  	[dreg:$0x0] =	wrdreg $0x60  }
0xae: {  	[dreg:$0x2] =	wrdreg s24  }
0xaf: {  	[dreg:$0x3] =	wrdreg s2  }
0xb0: {  	[dreg:$0x4] =	wrdreg $0xA5000  }
0xb1: {  	[dreg:$0x5] =	wrdreg $0x9  }
0xb2: {  	_ =	task.clear_ibuf [dreg:s7], $0x6FFFF;
	_ =	strace $0x9000004C  }
0xb3: {  	s29 =	simm.s32 $0x9;
	_ =	strace $0x8000004E  }
0xb4: {  	_ =	swait.ge [sflag:s29], $0x1  }
0xb5: {  	[sflag:s29] =	ssyncadd.s32 $0xFFFFFFFF  }
0xb6: {  	_ =	strace $0x9000004E  }
0xb7: {  	_ =	sfence  }
0xb8: {  	s30 =	sld [smem:$0x0];
	_ =	sdelay $0x2  }
0xb9: {  	s31 =	sshll.u32 s1, $0xD;
	s1 =	sshrl.u32 s1, $0x2  }
0xba: {  	s3 =	sand.u32 $0x4000, s31;
	s1 =	sadd.s32 s1, s30  }
0xbb: {  	s0 =	sor.u32 s3, s0;
	s1 =	sshll.u32 s1, $0x11  }
0xbc: {  	s0 =	sor.u32 s1, s0  }
0xbd: {  	s0 =	sadd.s32 $0x8F2B, s0  }
0xbe: {  	[sflag:s0] =	ssyncadd.remote.s32 $0x1  }
0xbf: {  	_ =	sfence.sel $0xFFFF  }
0xc0: {  	[dreg:$0x0] =	wrdreg $0xFFFFFFFF;
	(pc) =	sbr.abs _section_cstart, $3  }
0xc1: {  	[dreg:$0x1] =	wrdreg $0xFFFFFFFF  }
0xc2: {  	_ =	task.clear_ibuf [dreg:s7], $0x2FFFF;
	_ =	strace $0x9FFFFFFF  }
0xc3: {  	(tm) =	ssettm $0x7FFFFFFF  }
tec
execute0_lowered:
.L_overlay_start_1:
0x0: {  	(tag) =	ssettag $0x1  }
0x1: {  	s1 =	srdreg.scid  }
0x2: {  	s0 =	stileid.u32;
	s6 =	rddreg [dreg:$0x0]  }
0x3: {  	s2 =	rddreg [dreg:$0x1];
	s19 =	simm.s32 $0x7D;
	s20 =	simm.s32 $0x2800  }
0x4: {  	s21 =	simm.s32 $0x1;
	s22 =	simm.s32 $0x80;
	s23 =	simm.s32 $0x6680  }
0x5: {  	s24 =	simm.s32 $0x2;
	s25 =	simm.s32 $0x1480;
	s26 =	simm.s32 $0x3  }
0x6: {  	s28 =	simm.s32 $0x100;
	s29 =	simm.s32 $0x4;
	s30 =	simm.s32 $0x0  }
0x7: {  	s1 =	sand.u32 $0x1, s1;
	s3 =	sshll.u32 s0, $0x1;
	s7 =	smul.u32 $0x13880, s0  }
0x8: {  	s18 =	sshll.u32 s0, $0x6;
	s4 =	sor.u32 s1, s3;
	s3 =	rddreg [dreg:$0x2]  }
0x9: {  	s8 =	smul.u32 $0x138800, s1;
	s9 =	ssub.s32 $0x2, s1;
	p0 =	seq.s32 s1, $0x0  }
0xa: {  	s5 =	smul.u32 $0x2800, s4;
	s4 =	simm.s32 $0x0;
	s12 =	sshrl.u32 s7, $0x3  }
0xb: {  	s11 =	sshrl.u32 s9, $0x1;
	s31 =	sadd.s32 s7, s3;
	[smem:$0x7FF] =	sst s4  }
0xc: {  	s8 =	sadd.s32 s7, s8;
	s13 =	sadd.s32 s12, s6;
	s15 =	ssub.s32 s9, s11  }
0xd: {  	s16 =	sadd.s32 s2, s12;
	s5 =	sshrl.u32 s5, $0x3;
	_ =	strace $0x8000004D  }
0xe: {  	s8 =	sshrl.u32 s8, $0x3;
	s10 =	sadd.s32 s5, s6;
	s5 =	sadd.s32 $0x18000, s6  }
0xf: {  	s14 =	sadd.s32 s8, s6;
	s6 =	sadd.s32 $0x66400, s13;
	s7 =	sadd.s32 $0x4000, s10  }
.Ltmp0:
0x10: {  	s8 =	sadd.s32 $0xE000, s10;
	s9 =	sadd.s32 $0x4280, s10;
	(pc) =	sbr.rel .LBB2_1-.Ltmp0, $4  }
0x11: {  	s10 =	sadd.s32 $0xE280, s10;
	s11 =	sadd.s32 $0x8D600, s14;
	s17 =	sadd.s32 s5, s12  }
0x12: {  	s12 =	sadd.s32 $0xDB800, s14;
	s13 =	smov.u32 s6;
	s14 =	smax.u32 s15, $0x1  }
0x13: {  	s15 =	sor.u32 $0x1C05, s18;
	s18 =	simm.s32 $0x1400;
	s13 =	smov.u32 @p0 s16  }
0x14: {  	s6 =	smov.u32 @p0 s17;
	s16 =	sshrl.u32 s31, $0x3;
	s17 =	simm.s32 $0x5  }
.LBB2_13:
0x15: {  	_ =	swait.ge [sflag:s29], $0x3E80  }
0x16: {  	[sflag:s29] =	ssyncset.done $0x0  }
0x17: {  	s30 =	sadd.s32 $0x1, s30;
	[sflag:s29] =	ssyncadd.s32 $0xFFFFC180  }
0x18: {  	p0 =	sne.s32 s30, s14;
	[bflag:$0x0] =	sbarrier.arrive $0xFFFF  }
0x19: {  	[hbm:s12], [sflag:s15] =	dma.local [spmem:s16], $0x2710  }
.Ltmp1:
0x1a: {  	_ =	swait.ge [sflag:s17], $0x2710;
	(pc) =	sbr.rel @!p0 .LBB2_14-.Ltmp1, $3  }
0x1b: {  	[sflag:s17] =	ssyncset.done $0x0  }
0x1c: {  	[sflag:s17] =	ssyncadd.s32 $0xFFFFD8F0  }
0x1d: {  	[bflag:$0x0] =	sbarrier.arrive $0xFFFF;
	_ =	sdelay $0x1  }
.LBB2_1:
0x1e: {  	[spmem:s16], [sflag:s15] =	dma.local [hbm:s13], $0x2710  }
0x1f: {  	_ =	swait.ge [sflag:s17], $0x2710  }
0x20: {  	[sflag:s17] =	ssyncset.done $0x0  }
0x21: {  	[sflag:s17] =	ssyncadd.s32 $0xFFFFD8F0  }
0x22: {  	[bflag:$0x0] =	sbarrier.arrive $0xFFFF  }
0x23: {  	[tilespmem:s4], [sflag:$0x5] =	stream.linear.gather [hbm4b:s7+s4], $0x1400, $0x38;
	[tilespmem:$0x1DD80] =	vst v63  }
0x24: {  	_ =	swait.ge [sflag:s17], $0x1400  }
0x25: {  	[sflag:s17] =	ssyncset.done $0x0  }
0x26: {  	[sflag:s17] =	ssyncadd.s32 $0xFFFFEC00  }
0x27: {  	[tilespmem:s18], [sflag:$0x5] =	stream.linear.gather [hbm4b:s8+s4], $0x1400, $0x38;
	[tilespmem:$0x1DD80] =	vst v63  }
0x28: {  	_ =	swait.ge [sflag:s17], $0x1400  }
0x29: {  	[sflag:s17] =	ssyncset.done $0x0  }
0x2a: {  	[sflag:s17] =	ssyncadd.s32 $0xFFFFEC00  }
0x2b: {  	[tilespmem:s20], [sflag:$0x1] =	stream.indirect.gather [hbm4b:s2+s19], $0x80, s4, s19, $0xb8;
	[tilespmem:$0x1DD80] =	vst v63  }
0x2c: {  	_ =	swait.ge [sflag:s21], $0x3E80  }
0x2d: {  	[sflag:s21] =	ssyncset.done $0x0  }
0x2e: {  	[sflag:s21] =	ssyncadd.s32 $0xFFFFC180  }
0x2f: {  	[spmem:s3] =	stream.indirect.scatter.add.f32 [tilespmem:s20], [sflag:$0x3], $0x80, s18, s19, $0xb8;
	[tilespmem:$0x1DD80] =	vst v63  }
0x30: {  	_ = 	snop  }
0x31: {  	[tilespmem:s23], [sflag:$0x2] =	stream.indirect.gather [hbm4b:s2+s19], $0x80, s22, s19, $0xb8;
	[tilespmem:$0x1DD80] =	vst v63  }
0x32: {  	_ =	swait.ge [sflag:s24], $0x3E80  }
0x33: {  	[sflag:s24] =	ssyncset.done $0x0  }
0x34: {  	[sflag:s24] =	ssyncadd.s32 $0xFFFFC180  }
0x35: {  	[spmem:s3] =	stream.indirect.scatter.add.f32 [tilespmem:s23], [sflag:$0x4], $0x80, s25, s19, $0xb8;
	[tilespmem:$0x1DD80] =	vst v63  }
0x36: {  	_ =	swait.ge [sflag:s26], $0x3E80  }
0x37: {  	[sflag:s26] =	ssyncset.done $0x0  }
0x38: {  	s31 =	simm.s32 $0xFFFFB800;
	[sflag:s26] =	ssyncadd.s32 $0xFFFFC180  }
0x39: {  	[tilespmem:s20], [sflag:$0x1] =	stream.indirect.gather [hbm4b:s2+s19], $0x80, s28, s19, $0xb8;
	[tilespmem:$0x1DD80] =	vst v63  }
.LBB2_2:
0x3a: {  	_ =	swait.ge [sflag:s21], $0x3E80  }
0x3b: {  	s1 =	sshra.s32 s31, $0x2;
	[sflag:s21] =	ssyncset.done $0x0  }
0x3c: {  	s0 =	sadd.s32 $0x2700, s1;
	[sflag:s21] =	ssyncadd.s32 $0xFFFFC180  }
0x3d: {  	[spmem:s3] =	stream.indirect.scatter.add.f32 [tilespmem:s20], [sflag:$0x3], $0x80, s0, s19, $0xb8;
	[tilespmem:$0x1DD80] =	vst v63  }
0x3e: {  	_ =	swait.ge [sflag:s29], $0x3E80  }
0x3f: {  	[sflag:s29] =	ssyncset.done $0x0  }
0x40: {  	s0 =	sadd.s32 $0x1380, s1;
	[sflag:s29] =	ssyncadd.s32 $0xFFFFC180  }
0x41: {  	[tilespmem:s23], [sflag:$0x2] =	stream.indirect.gather [hbm4b:s2+s19], $0x80, s0, s19, $0xb8;
	[tilespmem:$0x1DD80] =	vst v63  }
0x42: {  	_ =	swait.ge [sflag:s24], $0x3E80  }
0x43: {  	p0 =	seq.s32 s31, $0x0;
	[sflag:s24] =	ssyncset.done $0x0  }
.Ltmp2:
0x44: {  	s0 =	sadd.s32 $0x2780, s1;
	[sflag:s24] =	ssyncadd.s32 $0xFFFFC180;
	(pc) =	sbr.rel @p0 .LBB2_4-.Ltmp2, $4  }
0x45: {  	[spmem:s3] =	stream.indirect.scatter.add.f32 [tilespmem:s23], [sflag:$0x4], $0x80, s0, s19, $0xb8;
	[tilespmem:$0x1DD80] =	vst v63  }
0x46: {  	_ =	swait.ge [sflag:s26], $0x3E80  }
0x47: {  	[sflag:s26] =	ssyncset.done $0x0  }
0x48: {  	[sflag:s26] =	ssyncadd.s32 $0xFFFFC180  }
.Ltmp3:
0x49: {  	(pc) =	sbr.rel .LBB2_2-.Ltmp3, $3  }
0x4a: {  	_ =	sdelay $0x1  }
0x4b: {  	s0 =	sadd.s32 $0x1400, s1;
	s31 =	sadd.s32 $0x400, s31  }
0x4c: {  	[tilespmem:s20], [sflag:$0x1] =	stream.indirect.gather [hbm4b:s2+s19], $0x80, s0, s19, $0xb8;
	[tilespmem:$0x1DD80] =	vst v63  }
.LBB2_4:
0x4d: {  	_ =	swait.ge [sflag:s29], $0x3E80  }
0x4e: {  	[sflag:s29] =	ssyncset.done $0x0  }
0x4f: {  	[sflag:s29] =	ssyncadd.s32 $0xFFFFC180  }
0x50: {  	[tilespmem:s4], [sflag:$0x5] =	stream.linear.gather [hbm4b:s9+s4], $0x1400, $0x38;
	[tilespmem:$0x1DD80] =	vst v63  }
0x51: {  	_ =	swait.ge [sflag:s17], $0x1400  }
0x52: {  	[sflag:s17] =	ssyncset.done $0x0  }
0x53: {  	[sflag:s17] =	ssyncadd.s32 $0xFFFFEC00  }
0x54: {  	[tilespmem:s18], [sflag:$0x5] =	stream.linear.gather [hbm4b:s10+s4], $0x1400, $0x38;
	[tilespmem:$0x1DD80] =	vst v63  }
0x55: {  	_ =	swait.ge [sflag:s17], $0x1400  }
0x56: {  	[sflag:s17] =	ssyncset.done $0x0  }
0x57: {  	[sflag:s17] =	ssyncadd.s32 $0xFFFFEC00  }
0x58: {  	[tilespmem:s20], [sflag:$0x1] =	stream.indirect.gather [hbm4b:s2+s19], $0x80, s4, s19, $0xb8;
	[tilespmem:$0x1DD80] =	vst v63  }
0x59: {  	_ =	swait.ge [sflag:s21], $0x3E80  }
0x5a: {  	[sflag:s21] =	ssyncset.done $0x0  }
0x5b: {  	[sflag:s21] =	ssyncadd.s32 $0xFFFFC180  }
0x5c: {  	[spmem:s3] =	stream.indirect.scatter.add.f32 [tilespmem:s20], [sflag:$0x3], $0x80, s18, s19, $0xb8;
	[tilespmem:$0x1DD80] =	vst v63  }
0x5d: {  	_ = 	snop  }
0x5e: {  	[tilespmem:s23], [sflag:$0x2] =	stream.indirect.gather [hbm4b:s2+s19], $0x80, s22, s19, $0xb8;
	[tilespmem:$0x1DD80] =	vst v63  }
0x5f: {  	_ =	swait.ge [sflag:s24], $0x3E80  }
0x60: {  	[sflag:s24] =	ssyncset.done $0x0  }
0x61: {  	[sflag:s24] =	ssyncadd.s32 $0xFFFFC180  }
0x62: {  	[spmem:s3] =	stream.indirect.scatter.add.f32 [tilespmem:s23], [sflag:$0x4], $0x80, s25, s19, $0xb8;
	[tilespmem:$0x1DD80] =	vst v63  }
0x63: {  	_ =	swait.ge [sflag:s26], $0x3E80  }
0x64: {  	[sflag:s26] =	ssyncset.done $0x0  }
0x65: {  	s31 =	simm.s32 $0xFFFFB800;
	[sflag:s26] =	ssyncadd.s32 $0xFFFFC180  }
0x66: {  	[tilespmem:s20], [sflag:$0x1] =	stream.indirect.gather [hbm4b:s2+s19], $0x80, s28, s19, $0xb8;
	[tilespmem:$0x1DD80] =	vst v63  }
.LBB2_5:
0x67: {  	_ =	swait.ge [sflag:s21], $0x3E80  }
0x68: {  	s1 =	sshra.s32 s31, $0x2;
	[sflag:s21] =	ssyncset.done $0x0  }
0x69: {  	s0 =	sadd.s32 $0x2700, s1;
	[sflag:s21] =	ssyncadd.s32 $0xFFFFC180  }
0x6a: {  	[spmem:s3] =	stream.indirect.scatter.add.f32 [tilespmem:s20], [sflag:$0x3], $0x80, s0, s19, $0xb8;
	[tilespmem:$0x1DD80] =	vst v63  }
0x6b: {  	_ =	swait.ge [sflag:s29], $0x3E80  }
0x6c: {  	[sflag:s29] =	ssyncset.done $0x0  }
0x6d: {  	s0 =	sadd.s32 $0x1380, s1;
	[sflag:s29] =	ssyncadd.s32 $0xFFFFC180  }
0x6e: {  	[tilespmem:s23], [sflag:$0x2] =	stream.indirect.gather [hbm4b:s2+s19], $0x80, s0, s19, $0xb8;
	[tilespmem:$0x1DD80] =	vst v63  }
0x6f: {  	_ =	swait.ge [sflag:s24], $0x3E80  }
0x70: {  	p0 =	seq.s32 s31, $0x0;
	[sflag:s24] =	ssyncset.done $0x0  }
.Ltmp4:
0x71: {  	s0 =	sadd.s32 $0x2780, s1;
	[sflag:s24] =	ssyncadd.s32 $0xFFFFC180;
	(pc) =	sbr.rel @p0 .LBB2_7-.Ltmp4, $4  }
0x72: {  	[spmem:s3] =	stream.indirect.scatter.add.f32 [tilespmem:s23], [sflag:$0x4], $0x80, s0, s19, $0xb8;
	[tilespmem:$0x1DD80] =	vst v63  }
0x73: {  	_ =	swait.ge [sflag:s26], $0x3E80  }
0x74: {  	[sflag:s26] =	ssyncset.done $0x0  }
0x75: {  	[sflag:s26] =	ssyncadd.s32 $0xFFFFC180  }
.Ltmp5:
0x76: {  	(pc) =	sbr.rel .LBB2_5-.Ltmp5, $3  }
0x77: {  	_ =	sdelay $0x1  }
0x78: {  	s0 =	sadd.s32 $0x1400, s1;
	s31 =	sadd.s32 $0x400, s31  }
0x79: {  	[tilespmem:s20], [sflag:$0x1] =	stream.indirect.gather [hbm4b:s2+s19], $0x80, s0, s19, $0xb8;
	[tilespmem:$0x1DD80] =	vst v63  }
.LBB2_7:
0x7a: {  	_ =	swait.ge [sflag:s29], $0x3E80  }
0x7b: {  	[sflag:s29] =	ssyncset.done $0x0  }
0x7c: {  	[sflag:s29] =	ssyncadd.s32 $0xFFFFC180  }
0x7d: {  	[bflag:$0x0] =	sbarrier.arrive $0xFFFF  }
0x7e: {  	[hbm:s11], [sflag:s15] =	dma.local [spmem:s16], $0x2710  }
0x7f: {  	_ =	swait.ge [sflag:s17], $0x2710  }
0x80: {  	[sflag:s17] =	ssyncset.done $0x0  }
0x81: {  	[sflag:s17] =	ssyncadd.s32 $0xFFFFD8F0  }
0x82: {  	[bflag:$0x0] =	sbarrier.arrive $0xFFFF  }
0x83: {  	[spmem:s16], [sflag:s15] =	dma.local [hbm:s6], $0x2710  }
0x84: {  	_ =	swait.ge [sflag:s17], $0x2710  }
0x85: {  	[sflag:s17] =	ssyncset.done $0x0  }
0x86: {  	[sflag:s17] =	ssyncadd.s32 $0xFFFFD8F0  }
0x87: {  	[bflag:$0x0] =	sbarrier.arrive $0xFFFF  }
0x88: {  	[tilespmem:s4], [sflag:$0x5] =	stream.linear.gather [hbm4b:s8+s4], $0x1400, $0x38;
	[tilespmem:$0x1DD80] =	vst v63  }
0x89: {  	_ =	swait.ge [sflag:s17], $0x1400  }
0x8a: {  	[sflag:s17] =	ssyncset.done $0x0  }
0x8b: {  	[sflag:s17] =	ssyncadd.s32 $0xFFFFEC00  }
0x8c: {  	[tilespmem:s18], [sflag:$0x5] =	stream.linear.gather [hbm4b:s7+s4], $0x1400, $0x38;
	[tilespmem:$0x1DD80] =	vst v63  }
0x8d: {  	_ =	swait.ge [sflag:s17], $0x1400  }
0x8e: {  	[sflag:s17] =	ssyncset.done $0x0  }
0x8f: {  	[sflag:s17] =	ssyncadd.s32 $0xFFFFEC00  }
0x90: {  	[tilespmem:s20], [sflag:$0x1] =	stream.indirect.gather [hbm4b:s5+s19], $0x80, s4, s19, $0xb8;
	[tilespmem:$0x1DD80] =	vst v63  }
0x91: {  	_ =	swait.ge [sflag:s21], $0x3E80  }
0x92: {  	[sflag:s21] =	ssyncset.done $0x0  }
0x93: {  	[sflag:s21] =	ssyncadd.s32 $0xFFFFC180  }
0x94: {  	[spmem:s3] =	stream.indirect.scatter.add.f32 [tilespmem:s20], [sflag:$0x3], $0x80, s18, s19, $0xb8;
	[tilespmem:$0x1DD80] =	vst v63  }
0x95: {  	_ = 	snop  }
0x96: {  	[tilespmem:s23], [sflag:$0x2] =	stream.indirect.gather [hbm4b:s5+s19], $0x80, s22, s19, $0xb8;
	[tilespmem:$0x1DD80] =	vst v63  }
0x97: {  	_ =	swait.ge [sflag:s24], $0x3E80  }
0x98: {  	[sflag:s24] =	ssyncset.done $0x0  }
0x99: {  	[sflag:s24] =	ssyncadd.s32 $0xFFFFC180  }
0x9a: {  	[spmem:s3] =	stream.indirect.scatter.add.f32 [tilespmem:s23], [sflag:$0x4], $0x80, s25, s19, $0xb8;
	[tilespmem:$0x1DD80] =	vst v63  }
0x9b: {  	_ =	swait.ge [sflag:s26], $0x3E80  }
0x9c: {  	[sflag:s26] =	ssyncset.done $0x0  }
0x9d: {  	s31 =	simm.s32 $0xFFFFB800;
	[sflag:s26] =	ssyncadd.s32 $0xFFFFC180  }
0x9e: {  	[tilespmem:s20], [sflag:$0x1] =	stream.indirect.gather [hbm4b:s5+s19], $0x80, s28, s19, $0xb8;
	[tilespmem:$0x1DD80] =	vst v63  }
.LBB2_8:
0x9f: {  	_ =	swait.ge [sflag:s21], $0x3E80  }
0xa0: {  	s1 =	sshra.s32 s31, $0x2;
	[sflag:s21] =	ssyncset.done $0x0  }
0xa1: {  	s0 =	sadd.s32 $0x2700, s1;
	[sflag:s21] =	ssyncadd.s32 $0xFFFFC180  }
0xa2: {  	[spmem:s3] =	stream.indirect.scatter.add.f32 [tilespmem:s20], [sflag:$0x3], $0x80, s0, s19, $0xb8;
	[tilespmem:$0x1DD80] =	vst v63  }
0xa3: {  	_ =	swait.ge [sflag:s29], $0x3E80  }
0xa4: {  	[sflag:s29] =	ssyncset.done $0x0  }
0xa5: {  	s0 =	sadd.s32 $0x1380, s1;
	[sflag:s29] =	ssyncadd.s32 $0xFFFFC180  }
0xa6: {  	[tilespmem:s23], [sflag:$0x2] =	stream.indirect.gather [hbm4b:s5+s19], $0x80, s0, s19, $0xb8;
	[tilespmem:$0x1DD80] =	vst v63  }
0xa7: {  	_ =	swait.ge [sflag:s24], $0x3E80  }
0xa8: {  	p0 =	seq.s32 s31, $0x0;
	[sflag:s24] =	ssyncset.done $0x0  }
.Ltmp6:
0xa9: {  	s0 =	sadd.s32 $0x2780, s1;
	[sflag:s24] =	ssyncadd.s32 $0xFFFFC180;
	(pc) =	sbr.rel @p0 .LBB2_10-.Ltmp6, $4  }
0xaa: {  	[spmem:s3] =	stream.indirect.scatter.add.f32 [tilespmem:s23], [sflag:$0x4], $0x80, s0, s19, $0xb8;
	[tilespmem:$0x1DD80] =	vst v63  }
0xab: {  	_ =	swait.ge [sflag:s26], $0x3E80  }
0xac: {  	[sflag:s26] =	ssyncset.done $0x0  }
0xad: {  	[sflag:s26] =	ssyncadd.s32 $0xFFFFC180  }
.Ltmp7:
0xae: {  	(pc) =	sbr.rel .LBB2_8-.Ltmp7, $3  }
0xaf: {  	_ =	sdelay $0x1  }
0xb0: {  	s0 =	sadd.s32 $0x1400, s1;
	s31 =	sadd.s32 $0x400, s31  }
0xb1: {  	[tilespmem:s20], [sflag:$0x1] =	stream.indirect.gather [hbm4b:s5+s19], $0x80, s0, s19, $0xb8;
	[tilespmem:$0x1DD80] =	vst v63  }
.LBB2_10:
0xb2: {  	_ =	swait.ge [sflag:s29], $0x3E80  }
0xb3: {  	[sflag:s29] =	ssyncset.done $0x0  }
0xb4: {  	[sflag:s29] =	ssyncadd.s32 $0xFFFFC180  }
0xb5: {  	[tilespmem:s4], [sflag:$0x5] =	stream.linear.gather [hbm4b:s10+s4], $0x1400, $0x38;
	[tilespmem:$0x1DD80] =	vst v63  }
0xb6: {  	_ =	swait.ge [sflag:s17], $0x1400  }
0xb7: {  	[sflag:s17] =	ssyncset.done $0x0  }
0xb8: {  	[sflag:s17] =	ssyncadd.s32 $0xFFFFEC00  }
0xb9: {  	[tilespmem:s18], [sflag:$0x5] =	stream.linear.gather [hbm4b:s9+s4], $0x1400, $0x38;
	[tilespmem:$0x1DD80] =	vst v63  }
0xba: {  	_ =	swait.ge [sflag:s17], $0x1400  }
0xbb: {  	[sflag:s17] =	ssyncset.done $0x0  }
0xbc: {  	[sflag:s17] =	ssyncadd.s32 $0xFFFFEC00  }
0xbd: {  	[tilespmem:s20], [sflag:$0x1] =	stream.indirect.gather [hbm4b:s5+s19], $0x80, s4, s19, $0xb8;
	[tilespmem:$0x1DD80] =	vst v63  }
0xbe: {  	_ =	swait.ge [sflag:s21], $0x3E80  }
0xbf: {  	[sflag:s21] =	ssyncset.done $0x0  }
0xc0: {  	[sflag:s21] =	ssyncadd.s32 $0xFFFFC180  }
0xc1: {  	[spmem:s3] =	stream.indirect.scatter.add.f32 [tilespmem:s20], [sflag:$0x3], $0x80, s18, s19, $0xb8;
	[tilespmem:$0x1DD80] =	vst v63  }
0xc2: {  	_ = 	snop  }
0xc3: {  	[tilespmem:s23], [sflag:$0x2] =	stream.indirect.gather [hbm4b:s5+s19], $0x80, s22, s19, $0xb8;
	[tilespmem:$0x1DD80] =	vst v63  }
0xc4: {  	_ =	swait.ge [sflag:s24], $0x3E80  }
0xc5: {  	[sflag:s24] =	ssyncset.done $0x0  }
0xc6: {  	[sflag:s24] =	ssyncadd.s32 $0xFFFFC180  }
0xc7: {  	[spmem:s3] =	stream.indirect.scatter.add.f32 [tilespmem:s23], [sflag:$0x4], $0x80, s25, s19, $0xb8;
	[tilespmem:$0x1DD80] =	vst v63  }
0xc8: {  	_ =	swait.ge [sflag:s26], $0x3E80  }
0xc9: {  	[sflag:s26] =	ssyncset.done $0x0  }
0xca: {  	s31 =	simm.s32 $0xFFFFB800;
	[sflag:s26] =	ssyncadd.s32 $0xFFFFC180  }
0xcb: {  	[tilespmem:s20], [sflag:$0x1] =	stream.indirect.gather [hbm4b:s5+s19], $0x80, s28, s19, $0xb8;
	[tilespmem:$0x1DD80] =	vst v63  }
.LBB2_11:
0xcc: {  	_ =	swait.ge [sflag:s21], $0x3E80  }
0xcd: {  	s1 =	sshra.s32 s31, $0x2;
	[sflag:s21] =	ssyncset.done $0x0  }
0xce: {  	s0 =	sadd.s32 $0x2700, s1;
	[sflag:s21] =	ssyncadd.s32 $0xFFFFC180  }
0xcf: {  	[spmem:s3] =	stream.indirect.scatter.add.f32 [tilespmem:s20], [sflag:$0x3], $0x80, s0, s19, $0xb8;
	[tilespmem:$0x1DD80] =	vst v63  }
0xd0: {  	_ =	swait.ge [sflag:s29], $0x3E80  }
0xd1: {  	[sflag:s29] =	ssyncset.done $0x0  }
0xd2: {  	s0 =	sadd.s32 $0x1380, s1;
	[sflag:s29] =	ssyncadd.s32 $0xFFFFC180  }
0xd3: {  	[tilespmem:s23], [sflag:$0x2] =	stream.indirect.gather [hbm4b:s5+s19], $0x80, s0, s19, $0xb8;
	[tilespmem:$0x1DD80] =	vst v63  }
0xd4: {  	_ =	swait.ge [sflag:s24], $0x3E80  }
0xd5: {  	p0 =	seq.s32 s31, $0x0;
	[sflag:s24] =	ssyncset.done $0x0  }
.Ltmp8:
0xd6: {  	s0 =	sadd.s32 $0x2780, s1;
	[sflag:s24] =	ssyncadd.s32 $0xFFFFC180;
	(pc) =	sbr.rel @p0 .LBB2_13-.Ltmp8, $4  }
0xd7: {  	[spmem:s3] =	stream.indirect.scatter.add.f32 [tilespmem:s23], [sflag:$0x4], $0x80, s0, s19, $0xb8;
	[tilespmem:$0x1DD80] =	vst v63  }
0xd8: {  	_ =	swait.ge [sflag:s26], $0x3E80  }
0xd9: {  	[sflag:s26] =	ssyncset.done $0x0  }
0xda: {  	[sflag:s26] =	ssyncadd.s32 $0xFFFFC180  }
.Ltmp9:
0xdb: {  	(pc) =	sbr.rel .LBB2_11-.Ltmp9, $3  }
0xdc: {  	_ =	sdelay $0x1  }
0xdd: {  	s0 =	sadd.s32 $0x1400, s1;
	s31 =	sadd.s32 $0x400, s31  }
0xde: {  	[tilespmem:s20], [sflag:$0x1] =	stream.indirect.gather [hbm4b:s5+s19], $0x80, s0, s19, $0xb8;
	[tilespmem:$0x1DD80] =	vst v63  }
.LBB2_14:
0xdf: {  	_ =	sfence.sel $0x180000  }
0xe0: {  	[bflag:$0x0] =	sbarrier.arrive $0xFFFF  }
0xe1: {  	_ =	strace $0x9000004D  }
0xe2: {  	s0 =	stileid.u32;
	[bflag:$0x2] =	sbarrier.arrive $0xFFFF  }
0xe3: {  	p0 =	sne.s32 s0, $0x0;
	s0 =	rddreg [dreg:$0x3]  }
0xe4: {  	s0 =	sadd.s32 @!p0 $0x100000, s0  }
0xe5: {  	[sflag:s0] =	ssyncadd.tile.s32 @!p0 $0x1;
	_ =	shalt  }
.Lfunc_end2:
_tile_overlayer_lowered:
.L_overlay_start_2:
0xe6: {  	(tag) =	ssettag $0x2  }
0xe7: {  	s0 =	rddreg [dreg:$0x0];
	s2 =	stileid.u32  }
0xe8: {  	s1 =	rddreg [dreg:$0x1];
	p0 =	sne.s32 s2, $0x0  }
0xe9: {  	s3 =	rddreg [dreg:$0x2];
	[bflag:$0x3] =	sbarrier.arrive $0xFFFF;
	s2 =	simm.s32 @!p0 $0x1C05  }
0xea: {  	[timem:s3], [sflag:s2] =	dma.local @!p0 [hbm:s0], s1  }
0xeb: {  	s0 =	simm.s32 @!p0 $0x5  }
0xec: {  	_ =	swait.ge @!p0 [sflag:s0], s1  }
0xed: {  	s1 =	ssub.s32 @!p0 $0x0, s1;
	[sflag:s0] =	ssyncset.done @!p0 $0x0  }
0xee: {  	[sflag:s0] =	ssyncadd.s32 @!p0 s1  }
0xef: {  	[bflag:$0x3] =	sbarrier.arrive $0xFFFF  }
0xf0: {  	_ =	shalt  }

// kernel: kernel.8.cloned.1.call-start
scs
__scs_entry_jumppad:
0x0: {  	(pc) =	sbr.rel $0x88, $3  }
0x1: {  	(tag) =	ssettag $0x0;
	lr =	simm.s32 $0x1  }
0x2: {  	[smem:$0x3F95] =	sst lr;
	_ =	strace $0xD0000000  }
0x3: {  	_ = 	snop  }
0x4: {  	_ = 	snop  }
0x5: {  	_ = 	snop  }
0x6: {  	_ = 	snop  }
0x7: {  	_ = 	snop  }
__scs_overlays_trampoline_lowered:
0x8: {  	[smem:$0x3FA4] =	sst s0  }
0x9: {  	[smem:$0x3FA5] =	sst s1  }
0xa: {  	[smem:$0x3FA6] =	sst s2  }
0xb: {  	[smem:$0x3FA7] =	sst s3  }
0xc: {  	[smem:$0x3FA8] =	sst s4  }
0xd: {  	[smem:$0x3FA9] =	sst s5  }
0xe: {  	[smem:$0x3FAA] =	sst s6  }
0xf: {  	[smem:$0x3FAB] =	sst s7  }
0x10: {  	[smem:$0x3FAC] =	sst s8  }
0x11: {  	[smem:$0x3FAD] =	sst s9;
	s0 =	simm.s32 @!p0 $0x0  }
0x12: {  	s1 =	sld [smem:$0x3F93];
	s0 =	simm.s32 @p0 $0x1  }
0x13: {  	[smem:$0x3FAE] =	sst s0;
	s0 =	simm.s32 @!p1 $0x0  }
0x14: {  	s2 =	sld [smem:$0x3F92];
	s0 =	simm.s32 @p1 $0x1  }
0x15: {  	[smem:$0x3FAF] =	sst s0;
	s0 =	simm.s32 @!p2 $0x0  }
0x16: {  	s3 =	sld [smem:$0x3FDB];
	s0 =	simm.s32 @p2 $0x1  }
0x17: {  	s4 =	simm.s32 $0x1BF5;
	[smem:$0x3FB1] =	sst s0  }
0x18: {  	s0 =	sld [smem:$0x3F94];
	_ =	swait.ge [sflag:s4], $0x0  }
0x19: {  	s7 =	sld [smem:$0x3F95]  }
0x1a: {  	s8 =	sadd.s32 $0xFFFFE003, lr  }
0x1b: {  	s9 =	sadd.s32 $0xFFFFFEF7, lr;
	s5 =	simm.s32 $0xFFFFFFFF;
	p2 =	slt.u32 s8, $0xFFFFF086  }
0x1c: {  	p1 =	slt.u32 s9, $0xF7A;
	s5 =	simm.s32 @!p2 $0x0  }
0x1d: {  	s5 =	simm.s32 @p1 $0x1;
	p0 =	seq.s32 s7, s2  }
0x1e: {  	s7 =	smul.u32 @!p0 $0xF7A, s2;
	p2 =	seq.s32 @!p0 s5, $0x0  }
0x1f: {  	s9 =	smul.u32 $0xF7A, s1;
	s8 =	simm.s32 @!p0 $0x1BF5;
	p2 =	por !p2, p0  }
0x20: {  	[sflag:s8] =	ssyncset.s32 @!p0 $0xFFFFF086;
	s6 =	sadd.s32 @!p0 s3, s7;
	s7 =	simm.s32 @!p0 $0x108  }
0x21: {  	s3 =	sadd.s32 s3, s9;
	s6 =	sadd.s32 @!p0 $0x88, s6;
	s7 =	simm.s32 @p2 $0x1082  }
0x22: {  	[simem:s7], [sflag:s8] =	dma.local @!p0 [hbm:s6], $0xF7A  }
0x23: {  	s9 =	sor.u32 $0xD0000000, s2;
	s6 =	simm.s32 $0x108;
	_ =	swait.ge @!p0 [sflag:s8], $0x0  }
0x24: {  	s3 =	sadd.s32 $0x88, s3;
	s6 =	simm.s32 @!p1 $0x1082;
	[sflag:s4] =	ssyncset.s32 $0xFFFFF086  }
0x25: {  	[simem:s6], [sflag:s4] =	dma.local [hbm:s3], $0xF7A  }
0x26: {  	[smem:$0x3F95] =	sst s1;
	(tag) =	ssettag s2;
	_ =	strace s9  }
0x27: {  	s1 =	sld [smem:$0x3FA5]  }
0x28: {  	s2 =	sld [smem:$0x3FA6]  }
0x29: {  	s4 =	sld [smem:$0x3FA8]  }
0x2a: {  	p0 =	seq.s32 s5, $0x0;
	s5 =	sld [smem:$0x3FA9]  }
0x2b: {  	s6 =	sld [smem:$0x3FAA]  }
0x2c: {  	s7 =	sld [smem:$0x3FAB]  }
0x2d: {  	s3 =	simm.s32 $0x108;
	s8 =	sld [smem:$0x3FAC]  }
0x2e: {  	s3 =	simm.s32 @!p0 $0x1082;
	s9 =	sld [smem:$0x3FAD]  }
0x2f: {  	lr =	sadd.s32 s0, s3;
	s0 =	sld [smem:$0x3FA4]  }
0x30: {  	s3 =	sld [smem:$0x3FA7]  }
0x31: {  	[smem:$0x3FB0] =	sst s10  }
0x32: {  	s10 =	sld [smem:$0x3FAE];
	_ =	sdelay $0x3  }
0x33: {  	p0 =	seq.s32 s10, $0x1;
	s10 =	sld [smem:$0x3FB0];
	_ =	sdelay $0x3  }
0x34: {  	[smem:$0x3FB0] =	sst s10  }
0x35: {  	s10 =	sld [smem:$0x3FAF];
	_ =	sdelay $0x3  }
0x36: {  	p1 =	seq.s32 s10, $0x1;
	s10 =	sld [smem:$0x3FB0];
	_ =	sdelay $0x3  }
0x37: {  	[smem:$0x3FB0] =	sst s10  }
0x38: {  	s10 =	sld [smem:$0x3FB1]  }
0x39: {  	_ = 	snop;
	(pc) =	sbr.ind lr, $3  }
0x3a: {  	_ = 	snop  }
0x3b: {  	_ = 	snop  }
0x3c: {  	p2 =	seq.s32 s10, $0x1;
	s10 =	sld [smem:$0x3FB0]  }
0x3d: {  	_ =	shalt  }
0x3e: {  	_ =	shalt  }
0x3f: {  	_ =	shalt  }
0x40: {  	_ =	shalt  }
0x41: {  	_ =	shalt  }
0x42: {  	_ =	shalt  }
0x43: {  	_ =	shalt  }
0x44: {  	_ =	shalt  }
0x45: {  	_ =	shalt  }
0x46: {  	_ =	shalt  }
0x47: {  	_ =	shalt  }
0x48: {  	_ =	shalt  }
0x49: {  	_ =	shalt  }
0x4a: {  	_ =	shalt  }
0x4b: {  	_ =	shalt  }
0x4c: {  	_ =	shalt  }
0x4d: {  	_ =	shalt  }
0x4e: {  	_ =	shalt  }
0x4f: {  	_ =	shalt  }
0x50: {  	_ =	shalt  }
0x51: {  	_ =	shalt  }
0x52: {  	_ =	shalt  }
0x53: {  	_ =	shalt  }
0x54: {  	_ =	shalt  }
0x55: {  	_ =	shalt  }
0x56: {  	_ =	shalt  }
0x57: {  	_ =	shalt  }
0x58: {  	_ =	shalt  }
0x59: {  	_ =	shalt  }
0x5a: {  	_ =	shalt  }
0x5b: {  	_ =	shalt  }
0x5c: {  	_ =	shalt  }
0x5d: {  	_ =	shalt  }
0x5e: {  	_ =	shalt  }
0x5f: {  	_ =	shalt  }
0x60: {  	_ =	shalt  }
0x61: {  	_ =	shalt  }
0x62: {  	_ =	shalt  }
0x63: {  	_ =	shalt  }
0x64: {  	_ =	shalt  }
0x65: {  	_ =	shalt  }
0x66: {  	_ =	shalt  }
0x67: {  	_ =	shalt  }
0x68: {  	_ =	shalt  }
0x69: {  	_ =	shalt  }
0x6a: {  	_ =	shalt  }
0x6b: {  	_ =	shalt  }
0x6c: {  	_ =	shalt  }
0x6d: {  	_ =	shalt  }
0x6e: {  	_ =	shalt  }
0x6f: {  	_ =	shalt  }
0x70: {  	_ =	shalt  }
0x71: {  	_ =	shalt  }
0x72: {  	_ =	shalt  }
0x73: {  	_ =	shalt  }
0x74: {  	_ =	shalt  }
0x75: {  	_ =	shalt  }
0x76: {  	_ =	shalt  }
0x77: {  	_ =	shalt  }
0x78: {  	_ =	shalt  }
0x79: {  	_ =	shalt  }
0x7a: {  	_ =	shalt  }
0x7b: {  	_ =	shalt  }
0x7c: {  	_ =	shalt  }
0x7d: {  	_ =	shalt  }
0x7e: {  	_ =	shalt  }
0x7f: {  	_ =	shalt  }
0x80: {  	_ =	shalt  }
0x81: {  	_ =	shalt  }
0x82: {  	_ =	shalt  }
0x83: {  	_ =	shalt  }
0x84: {  	_ =	shalt  }
0x85: {  	_ =	shalt  }
0x86: {  	_ =	shalt  }
0x87: {  	_ =	shalt  }
.Lfunc_end0:
.L_simem_size_0:
called_computation_lowered:
.L_overlay_start_0:
0x88: {  	s2 =	sld [smem:$0x3FD9]  }
0x89: {  	s3 =	sld [smem:$0x3FFE];
	_ =	sdelay $0x1  }
0x8a: {  	s1 =	srdreg.scid  }
0x8b: {  	s0 =	sand.u32 $0x1, s1  }
0x8c: {  	s17 =	sshll.u32 s0, $0xA;
	s2 =	sadd.s32 s3, s2  }
0x8d: {  	s2 =	sadd.s32 s2, s17  }
0x8e: {  	[smem:$0x3FBC] =	sst s2  }
0x8f: {  	_ = 	snop  }
0x90: {  	s2 =	sld [smem:$0x3FD0];
	(tm) =	ssettm $0x1  }
0x91: {  	s18 =	sld [smem:$0x3FFB];
	_ =	sdelay $0x3  }
0x92: {  	_ =	strace s18  }
0x93: {  	s3 =	sld [smem:$0x3FFC];
	_ =	sdelay $0x3  }
0x94: {  	_ =	strace s3  }
0x95: {  	s3 =	sld [smem:$0x3FFD];
	_ =	sdelay $0x3  }
0x96: {  	_ =	strace s3  }
0x97: {  	_ =	strace $0x8FFFFFFF  }
0x98: {  	s19 =	sld [smem:$0x3FDB];
	_ =	sdelay $0x1  }
0x99: {  	s4 =	simm.s32 $_scs_section_size  }
0x9a: {  	s5 =	simm.s32 $_size__tile_overlayer_lowered;
	s6 =	simm.s32 $_tile_overlayer_lowered  }
0x9b: {  	s22 =	simm.s32 $0x1BFF;
	s21 =	sshll.u32 s6, $0x1;
	s3 =	sadd.s32 s4, s19  }
0x9c: {  	s7 =	simm.s32 $0x0;
	s20 =	sshll.u32 s5, $0x1;
	s5 =	sadd.s32 s21, s3  }
0x9d: {  	[timem:s7], [sflag:s22] =	dma.local [hbm:s5], s20  }
0x9e: {  	_ =	swait.ge [sflag:s22], s20  }
0x9f: {  	s4 =	ssub.s32 $0x0, s20;
	[sflag:s22] =	ssyncset.done $0x0  }
0xa0: {  	[sflag:s22] =	ssyncadd.s32 s4;
	_ =	sdelay $0x1  }
0xa1: {  	s23 =	simm.s32 $0x1B8B  }
0xa2: {  	_ =	swait.ge [sflag:s23], $0x1  }
0xa3: {  	[sflag:s23] =	ssyncset.done $0x0  }
0xa4: {  	s25 =	simm.s32 $0x1B8E;
	s24 =	sld [smem:$0x3FFE];
	[sflag:s23] =	ssyncadd.s32 $0xFFFFFFFF  }
0xa5: {  	s26 =	simm.s32 $execute0_lowered;
	[smem:$0x3FD2] =	sst s25  }
0xa6: {  	s5 =	sshll.u32 s26, $0x1;
	_ =	strace $0x80000046;
	[dreg:$0x1] =	wrdreg $0xFFFFFFFF  }
0xa7: {  	s28 =	simm.s32 $_size_execute0_lowered;
	s3 =	sadd.s32 s3, s5;
	[dreg:$0x0] =	wrdreg $0x0  }
0xa8: {  	s5 =	sshll.u32 s28, $0x1;
	[dreg:$0x2] =	wrdreg s3  }
0xa9: {  	[dreg:$0x3] =	wrdreg s5  }
0xaa: {  	[dreg:$0x4] =	wrdreg $0xC0  }
0xab: {  	_ =	task [dreg:s7], $0x5FFFF  }
0xac: {  	[dreg:$0x1] =	wrdreg $0xFFFFFFFF  }
0xad: {  	[dreg:$0x0] =	wrdreg $0x60  }
0xae: {  	[dreg:$0x2] =	wrdreg s24  }
0xaf: {  	[dreg:$0x3] =	wrdreg s2  }
0xb0: {  	[dreg:$0x4] =	wrdreg $0x57D00  }
0xb1: {  	[dreg:$0x5] =	wrdreg $0x7EE00  }
0xb2: {  	[dreg:$0x6] =	wrdreg $0x9  }
0xb3: {  	_ =	task.clear_ibuf [dreg:s7], $0x7FFFF;
	_ =	strace $0x90000046  }
0xb4: {  	s29 =	simm.s32 $0x9;
	_ =	strace $0x80000048  }
0xb5: {  	_ =	swait.ge [sflag:s29], $0x1  }
0xb6: {  	[sflag:s29] =	ssyncadd.s32 $0xFFFFFFFF  }
0xb7: {  	_ =	strace $0x90000048  }
0xb8: {  	_ =	sfence  }
0xb9: {  	s30 =	sld [smem:$0x0];
	_ =	sdelay $0x2  }
0xba: {  	s31 =	sshll.u32 s1, $0xD;
	s1 =	sshrl.u32 s1, $0x2  }
0xbb: {  	s3 =	sand.u32 $0x4000, s31;
	s1 =	sadd.s32 s1, s30  }
0xbc: {  	s0 =	sor.u32 s3, s0;
	s1 =	sshll.u32 s1, $0x11  }
0xbd: {  	s0 =	sor.u32 s1, s0  }
0xbe: {  	s0 =	sadd.s32 $0x8F2B, s0  }
0xbf: {  	[sflag:s0] =	ssyncadd.remote.s32 $0x1  }
0xc0: {  	_ =	sfence.sel $0xFFFF  }
0xc1: {  	[dreg:$0x0] =	wrdreg $0xFFFFFFFF;
	(pc) =	sbr.abs _section_cstart, $3  }
0xc2: {  	[dreg:$0x1] =	wrdreg $0xFFFFFFFF  }
0xc3: {  	_ =	task.clear_ibuf [dreg:s7], $0x2FFFF;
	_ =	strace $0x9FFFFFFF  }
0xc4: {  	(tm) =	ssettm $0x7FFFFFFF  }
0xc5: {  	_ =	shalt  }
tec
execute0_lowered:
.L_overlay_start_1:
0x0: {  	(tag) =	ssettag $0x1  }
0x1: {  	s6 =	rddreg [dreg:$0x0]  }
0x2: {  	s10 =	rddreg [dreg:$0x1]  }
0x3: {  	s1 =	srdreg.scid;
	s2 =	rddreg [dreg:$0x2]  }
0x4: {  	s0 =	stileid.u32;
	s3 =	rddreg [dreg:$0x3];
	s4 =	simm.s32 $0x0  }
0x5: {  	s16 =	simm.s32 $0x5000;
	s17 =	simm.s32 $0x2800;
	s18 =	simm.s32 $0x7D  }
0x6: {  	s19 =	simm.s32 $0x0;
	s7 =	sand.u32 $0x1, s1;
	s1 =	rddreg [dreg:$0x4]  }
0x7: {  	s26 =	sshll.u32 s0, $0x1;
	[smem:$0x7FF] =	sst s4;
	s8 =	smul.u32 $0x2710, s0  }
0x8: {  	s5 =	sor.u32 s7, s26;
	s11 =	ssub.s32 $0x2, s7;
	s7 =	smul.u32 $0x27100, s7  }
0x9: {  	s30 =	sshll.u32 s0, $0x6;
	_ =	strace $0x80000047;
	s5 =	smul.u32 $0x2800, s5  }
0xa: {  	s12 =	sshrl.u32 s8, $0x3;
	s13 =	sshrl.u32 s11, $0x1;
	s29 =	sadd.s32 s8, s2  }
0xb: {  	s15 =	sadd.s32 s8, s3;
	s28 =	ssub.s32 s11, s13;
	s14 =	sadd.s32 s8, s7  }
0xc: {  	s7 =	sor.u32 $0x1C01, s30;
	s13 =	sshrl.u32 s29, $0x3;
	s15 =	sshrl.u32 s15, $0x3  }
0xd: {  	s5 =	sshrl.u32 s5, $0x3;
	s31 =	sshrl.u32 s14, $0x3;
	s14 =	simm.s32 $0x1  }
0xe: {  	s9 =	sadd.s32 s5, s6;
	s5 =	sadd.s32 $0x1D000, s6;
	s6 =	sadd.s32 s12, s6  }
0xf: {  	s10 =	sadd.s32 s10, s31;
	s12 =	smax.u32 s28, $0x1;
	s6 =	sadd.s32 $0x18000, s6  }
0x10: {  	s8 =	sadd.s32 $0xE000, s9;
	s9 =	sadd.s32 $0x4000, s9;
	s11 =	sadd.s32 $0x9C40, s10  }
.LBB2_1:
0x11: {  	[spmem:s13], [sflag:s7] =	dma.local [hbm:s6], $0x4E2  }
0x12: {  	_ =	swait.ge [sflag:s14], $0x4E2  }
0x13: {  	[sflag:s14] =	ssyncset.done $0x0  }
0x14: {  	[sflag:s14] =	ssyncadd.s32 $0xFFFFFB1E  }
0x15: {  	[spmem:s15], [sflag:s7] =	dma.local [hbm:s6], $0x4E2  }
0x16: {  	_ =	swait.ge [sflag:s14], $0x4E2  }
0x17: {  	[sflag:s14] =	ssyncset.done $0x0  }
0x18: {  	[sflag:s14] =	ssyncadd.s32 $0xFFFFFB1E  }
0x19: {  	[tilespmem:s16], [sflag:$0x1] =	stream.linear.gather [hbm4b:s5+s4], $0x7D0, $0x38;
	[tilespmem:$0xA5F0] =	vst v63  }
0x1a: {  	_ =	swait.ge [sflag:s14], $0x7D0  }
0x1b: {  	[sflag:s14] =	ssyncset.done $0x0  }
0x1c: {  	[sflag:s14] =	ssyncadd.s32 $0xFFFFF830  }
0x1d: {  	[tilespmem:s4], [sflag:$0x1] =	stream.linear.gather [hbm4b:s8+s4], $0x2800, $0x38;
	[tilespmem:$0xA5F0] =	vst v63  }
0x1e: {  	_ =	swait.ge [sflag:s14], $0x2800  }
0x1f: {  	[sflag:s14] =	ssyncset.done $0x0  }
0x20: {  	[sflag:s14] =	ssyncadd.s32 $0xFFFFD800  }
0x21: {  	[tilespmem:s17], [sflag:$0x1] =	stream.linear.gather [hbm4b:s9+s4], $0x2800, $0x38;
	[tilespmem:$0xA5F0] =	vst v63  }
0x22: {  	_ =	swait.ge [sflag:s14], $0x2800  }
0x23: {  	[sflag:s14] =	ssyncset.done $0x0  }
0x24: {  	[sflag:s14] =	ssyncadd.s32 $0xFFFFD800  }
0x25: {  	s20 =	simm.s32 $0x0;
	[bflag:$0x0] =	sbarrier.arrive $0xFFFF  }
0x26: {  	[spmem:s2] =	stream.indirect.scatter.add.f32 [tilespmem:s16], [sflag:$0x1], $0x10, s20, s18, $0xb8;
	[tilespmem:$0xA5F0] =	vst v63  }
0x27: {  	_ =	swait.ge [sflag:s14], $0x7D0  }
0x28: {  	[sflag:s14] =	ssyncset.done $0x0  }
0x29: {  	s31 =	simm.s32 $0x2800;
	[sflag:s14] =	ssyncadd.s32 $0xFFFFF830  }
0x2a: {  	[spmem:s3] =	stream.indirect.scatter.add.f32 [tilespmem:s16], [sflag:$0x1], $0x10, s31, s18, $0xb8;
	[tilespmem:$0xA5F0] =	vst v63  }
0x2b: {  	_ =	swait.ge [sflag:s14], $0x7D0  }
0x2c: {  	s21 =	simm.s32 $0x400;
	s20 =	simm.s32 $0x200;
	[sflag:s14] =	ssyncset.done $0x0  }
.LBB2_2:
0x2d: {  	s22 =	sshra.s32 s20, $0x2  }
0x2e: {  	[sflag:s14] =	ssyncadd.s32 $0xFFFFF830;
	s20 =	smov.u32 s21;
	s23 =	sadd.s32 $0x200, s21  }
0x2f: {  	[spmem:s2] =	stream.indirect.scatter.add.f32 [tilespmem:s16], [sflag:$0x1], $0x10, s22, s18, $0xb8;
	[tilespmem:$0xA5F0] =	vst v63  }
0x30: {  	p0 =	sne.s32 s21, $0x9E00;
	_ =	swait.ge [sflag:s14], $0x7D0  }
.Ltmp0:
0x31: {  	[sflag:s14] =	ssyncset.done $0x0;
	(pc) =	sbr.rel @p0 .LBB2_2-.Ltmp0, $4  }
0x32: {  	s21 =	sadd.s32 $0x2800, s22;
	[sflag:s14] =	ssyncadd.s32 $0xFFFFF830  }
0x33: {  	[spmem:s3] =	stream.indirect.scatter.add.f32 [tilespmem:s16], [sflag:$0x1], $0x10, s21, s18, $0xb8;
	[tilespmem:$0xA5F0] =	vst v63  }
0x34: {  	_ =	swait.ge [sflag:s14], $0x7D0  }
0x35: {  	s21 =	smov.u32 s23;
	[sflag:s14] =	ssyncset.done $0x0  }
0x36: {  	s20 =	sshra.s32 s20, $0x2;
	[sflag:s14] =	ssyncadd.s32 $0xFFFFF830  }
0x37: {  	[spmem:s2] =	stream.indirect.scatter.add.f32 [tilespmem:s16], [sflag:$0x1], $0x10, s20, s18, $0xb8;
	[tilespmem:$0xA5F0] =	vst v63  }
0x38: {  	_ =	swait.ge [sflag:s14], $0x7D0  }
0x39: {  	[sflag:s14] =	ssyncset.done $0x0  }
0x3a: {  	s20 =	sadd.s32 $0x2800, s20;
	[sflag:s14] =	ssyncadd.s32 $0xFFFFF830  }
0x3b: {  	[spmem:s3] =	stream.indirect.scatter.add.f32 [tilespmem:s16], [sflag:$0x1], $0x10, s20, s18, $0xb8;
	[tilespmem:$0xA5F0] =	vst v63  }
0x3c: {  	_ =	swait.ge [sflag:s14], $0x7D0  }
0x3d: {  	[sflag:s14] =	ssyncset.done $0x0  }
0x3e: {  	[sflag:s14] =	ssyncadd.s32 $0xFFFFF830  }
0x3f: {  	[bflag:$0x0] =	sbarrier.arrive $0xFFFF  }
0x40: {  	[hbm:s10], [sflag:s7] =	dma.local [spmem:s13], $0x4E2  }
0x41: {  	s19 =	sadd.s32 $0x1, s19;
	_ =	swait.ge [sflag:s14], $0x4E2  }
0x42: {  	p0 =	sne.s32 s19, s12;
	[sflag:s14] =	ssyncset.done $0x0  }
.Ltmp1:
0x43: {  	[sflag:s14] =	ssyncadd.s32 $0xFFFFFB1E;
	(pc) =	sbr.rel @p0 .LBB2_1-.Ltmp1, $4  }
0x44: {  	[hbm:s11], [sflag:s7] =	dma.local [spmem:s15], $0x4E2  }
0x45: {  	_ =	swait.ge [sflag:s14], $0x4E2  }
0x46: {  	[sflag:s14] =	ssyncset.done $0x0  }
0x47: {  	[sflag:s14] =	ssyncadd.s32 $0xFFFFFB1E  }
0x48: {  	_ =	sfence.sel $0x180000  }
0x49: {  	[bflag:$0x0] =	sbarrier.arrive $0xFFFF  }
0x4a: {  	p0 =	sne.s32 s0, $0x0;
	_ =	strace $0x90000047  }
0x4b: {  	s0 =	sadd.s32 @!p0 $0x100000, s1;
	[bflag:$0x2] =	sbarrier.arrive $0xFFFF  }
0x4c: {  	[sflag:s0] =	ssyncadd.tile.s32 @!p0 $0x1;
	_ =	shalt  }
.Lfunc_end2:
_tile_overlayer_lowered:
.L_overlay_start_2:
0x4d: {  	(tag) =	ssettag $0x2  }
0x4e: {  	s0 =	rddreg [dreg:$0x0];
	s2 =	stileid.u32  }
0x4f: {  	s1 =	rddreg [dreg:$0x1];
	p0 =	sne.s32 s2, $0x0  }
0x50: {  	s3 =	rddreg [dreg:$0x2];
	[bflag:$0x3] =	sbarrier.arrive $0xFFFF;
	s2 =	simm.s32 @!p0 $0x1C01  }
0x51: {  	[timem:s3], [sflag:s2] =	dma.local @!p0 [hbm:s0], s1  }
0x52: {  	s0 =	simm.s32 @!p0 $0x1  }
0x53: {  	_ =	swait.ge @!p0 [sflag:s0], s1  }
0x54: {  	s1 =	ssub.s32 @!p0 $0x0, s1;
	[sflag:s0] =	ssyncset.done @!p0 $0x0  }
0x55: {  	[sflag:s0] =	ssyncadd.s32 @!p0 s1  }
0x56: {  	[bflag:$0x3] =	sbarrier.arrive $0xFFFF  }
0x57: {  	_ =	shalt  }

</sc_bundles>
